<compile_context>
chip_gen: v7x
topology: tpu7x:2x2x1
jax: 0.10.2.dev20260603
libtpu: 0.0.44.dev20260713+nightly
codegen_flags: <defaults>
</compile_context>

<pallas_src>
import functools

import jax
import jax.numpy as jnp
from jax import lax
from jax.experimental import pallas as pl
from jax.experimental.pallas import tpu as pltpu
from jax.experimental.pallas import tpu_sc as plsc

N = 10000
E = 160000
NODE_IN = 128
EDGE_IN = 16
H = 32
W = 128
OUT = 128
STEPS = 3
S2S_STEPS = 3
NGRAPH = 256

NW = 32
CH = 128
E_PAD = 163840
EPW = E_PAD // NW
NCH = EPW // CH
N_PAD = 10240
ROWS_PER_TILE = N_PAD // 16


GRP = 4
NGRP = NCH // GRP


def _sc_gather_body(h_hbm, src_hbm, out_hbm, idx_all, r0, r1, r2, r3, sem):
    c = lax.axis_index("c")
    s = lax.axis_index("s")
    wid = s * 2 + c
    pltpu.sync_copy(src_hbm.at[wid], idx_all)
    bufs = [r0, r1, r2, r3]

    def grp(i, carry):
        handles = [
            pltpu.async_copy(h_hbm.at[idx_all.at[i * GRP + b]], bufs[b], sem)
            for b in range(GRP)
        ]
        for b, hdl in enumerate(handles):
            hdl.wait()
            off = wid * EPW + (i * GRP + b) * CH
            pltpu.sync_copy(bufs[b], out_hbm.at[pl.ds(off, CH)])
        return carry

    lax.fori_loop(0, NGRP, grp, 0)


@functools.cache
def _sc_gather_call():
    mesh = plsc.VectorSubcoreMesh(core_axis_name="c", subcore_axis_name="s")
    return pl.kernel(
        _sc_gather_body,
        out_type=jax.ShapeDtypeStruct((E_PAD, W), jnp.float32),
        mesh=mesh,
        scratch_types=[
            pltpu.VMEM((NCH, CH), jnp.int32),
            pltpu.VMEM((CH, W), jnp.float32),
            pltpu.VMEM((CH, W), jnp.float32),
            pltpu.VMEM((CH, W), jnp.float32),
            pltpu.VMEM((CH, W), jnp.float32),
            pltpu.SemaphoreType.DMA,
        ],
    )


def _sc_gather(h_wide, src3):
    return _sc_gather_call()(h_wide, src3)


def _sc_scatter_body(msg_hbm, dst_hbm, zeros_hbm, out_hbm, idx_all, rows,
                     accum, sem):
    c = lax.axis_index("c")
    s = lax.axis_index("s")
    wid = s * 2 + c

    @pl.when(s == 0)
    def _():
        pltpu.sync_copy(zeros_hbm, accum)

    plsc.subcore_barrier()
    pltpu.sync_copy(dst_hbm.at[wid], idx_all)

    def chunk(j, carry):
        off = wid * EPW + j * CH
        pltpu.sync_copy(msg_hbm.at[pl.ds(off, CH)], rows)
        pltpu.sync_copy(rows, accum.at[idx_all.at[j]], add=True)
        return carry

    lax.fori_loop(0, NCH, chunk, 0)
    plsc.subcore_barrier()
    pltpu.sync_copy(accum.at[pl.ds(s * ROWS_PER_TILE, ROWS_PER_TILE)],
                    out_hbm.at[c, pl.ds(s * ROWS_PER_TILE, ROWS_PER_TILE)])


@functools.cache
def _sc_scatter_call():
    mesh = plsc.VectorSubcoreMesh(core_axis_name="c", subcore_axis_name="s")
    return pl.kernel(
        _sc_scatter_body,
        out_type=jax.ShapeDtypeStruct((2, N_PAD, W), jnp.float32),
        mesh=mesh,
        scratch_types=[
            pltpu.VMEM((NCH, CH), jnp.int32),
            pltpu.VMEM((CH, W), jnp.float32),
            pltpu.VMEM_SHARED((N_PAD, W), jnp.float32),
            pltpu.SemaphoreType.DMA,
        ],
    )


def _sc_scatter(msg_wide, dst3, zeros_npad):
    return _sc_scatter_call()(msg_wide, dst3, zeros_npad)


def _node_mlp_body(x_ref, w_ref, b_ref, o_ref):
    h = jnp.maximum(
        jnp.dot(x_ref[...], w_ref[...], preferred_element_type=jnp.float32)
        + b_ref[...], 0.0)
    o_ref[...] = jnp.concatenate(
        [h, jnp.zeros((N, W - H), jnp.float32)], axis=1)


def _node_mlp(x, W1, b1):
    return pl.pallas_call(
        _node_mlp_body,
        out_shape=jax.ShapeDtypeStruct((N, W), jnp.float32),
    )(x, W1, b1.reshape(1, H))


EB = 1024
N_EB = E_PAD // EB


def _msg_body(ea_ref, hs_ref, we_ref, be_ref, s_ref, o_ref):
    a = jnp.dot(ea_ref[...], we_ref[...], preferred_element_type=jnp.float32)
    ew = jnp.maximum(a + be_ref[...], 0.0)
    hsw = jnp.dot(hs_ref[:, 0:H], s_ref[...],
                  preferred_element_type=jnp.float32)
    m128 = ew[:, 0:W] * hsw[:, 0:W]
    for j in range(1, (H * H) // W):
        m128 = m128 + ew[:, j * W:(j + 1) * W] * hsw[:, j * W:(j + 1) * W]
    acc = (m128[:, 0:H] + m128[:, H:2 * H] + m128[:, 2 * H:3 * H]
           + m128[:, 3 * H:4 * H])
    o_ref[...] = jnp.concatenate(
        [acc, jnp.zeros((EB, W - H), jnp.float32)], axis=1)


def _msg(ea_pad, hsrc_wide, We, be, S_exp):
    return pl.pallas_call(
        _msg_body,
        grid=(N_EB,),
        in_specs=[
            pl.BlockSpec((EB, EDGE_IN), lambda i: (i, 0)),
            pl.BlockSpec((EB, W), lambda i: (i, 0)),
            pl.BlockSpec((EDGE_IN, H * H), lambda i: (0, 0)),
            pl.BlockSpec((1, H * H), lambda i: (0, 0)),
            pl.BlockSpec((H, H * H), lambda i: (0, 0)),
        ],
        out_specs=pl.BlockSpec((EB, W), lambda i: (i, 0)),
        out_shape=jax.ShapeDtypeStruct((E_PAD, W), jnp.float32),
        compiler_params=pltpu.CompilerParams(
            dimension_semantics=("arbitrary",)),
    )(ea_pad, hsrc_wide, We, be.reshape(1, H * H), S_exp)


def _gru_body(p_ref, h_ref, root_ref, bc_ref, wih_ref, bih_ref, whh_ref,
              bhh_ref, o_ref):
    h = h_ref[:, 0:H]
    aggr = p_ref[0, :N, 0:H] + p_ref[1, :N, 0:H]
    conv = aggr + jnp.dot(h, root_ref[...],
                          preferred_element_type=jnp.float32) + bc_ref[...]
    m = jnp.maximum(conv, 0.0)
    gi = jnp.dot(m, wih_ref[...], preferred_element_type=jnp.float32) \
        + bih_ref[...]
    gh = jnp.dot(h, whh_ref[...], preferred_element_type=jnp.float32) \
        + bhh_ref[...]
    r = jax.nn.sigmoid(gi[:, 0:H] + gh[:, 0:H])
    z = jax.nn.sigmoid(gi[:, H:2 * H] + gh[:, H:2 * H])
    n_ = jnp.tanh(gi[:, 2 * H:3 * H] + r * gh[:, 2 * H:3 * H])
    hn = (1.0 - z) * n_ + z * h
    o_ref[...] = jnp.concatenate(
        [hn, jnp.zeros((N, W - H), jnp.float32)], axis=1)


def _gru(partials, h_wide, root, bconv, WihT, b_ih, WhhT, b_hh):
    return pl.pallas_call(
        _gru_body,
        out_shape=jax.ShapeDtypeStruct((N, W), jnp.float32),
    )(partials, h_wide, root, bconv.reshape(1, H), WihT,
      b_ih.reshape(1, 3 * H), WhhT, b_hh.reshape(1, 3 * H))


def _ln_prelu(y, g, b, alpha):
    mu = jnp.mean(y, axis=-1, keepdims=True)
    var = jnp.mean((y - mu) ** 2, axis=-1, keepdims=True)
    yn = (y - mu) / jnp.sqrt(var + 1e-5) * g + b
    return jnp.where(yn >= 0, yn, alpha * yn)


S2S_CHK = 1000
S2S_NCHK = N // S2S_CHK


def _s2s_body(h0_ref, h3_ref, batch_ref, sf_ref, wlih_ref, blih_ref,
              wlhh_ref, blhh_ref, wp_ref, bp_ref, g1_ref, be1_ref, a1_ref,
              wst_ref, wsb_ref, bs_ref, g2_ref, be2_ref, a2_ref, o_ref):
    def chunk(i):
        sl = pl.ds(i * S2S_CHK, S2S_CHK)
        na_c = jnp.concatenate([h0_ref[sl, 0:H], h3_ref[sl, 0:H]], axis=1)
        gid = lax.broadcasted_iota(jnp.int32, (S2S_CHK, NGRAPH), 1)
        onehot = batch_ref[sl, :] == gid
        return na_c, onehot

    q_star = jnp.zeros((NGRAPH, 4 * H), jnp.float32)
    hl = jnp.zeros((NGRAPH, 2 * H), jnp.float32)
    cl = jnp.zeros((NGRAPH, 2 * H), jnp.float32)
    for _ in range(S2S_STEPS):
        gates = (jnp.dot(q_star, wlih_ref[...],
                         preferred_element_type=jnp.float32) + blih_ref[...]
                 + jnp.dot(hl, wlhh_ref[...],
                           preferred_element_type=jnp.float32)
                 + blhh_ref[...])
        ig = jax.nn.sigmoid(gates[:, 0:2 * H])
        fg = jax.nn.sigmoid(gates[:, 2 * H:4 * H])
        gg = jnp.tanh(gates[:, 4 * H:6 * H])
        og = jax.nn.sigmoid(gates[:, 6 * H:8 * H])
        cl = fg * cl + ig * gg
        hl = og * jnp.tanh(cl)
        q = hl

        def maxpass(i, emax):
            na_c, onehot = chunk(i)
            emat = lax.dot_general(na_c, q, (((1,), (1,)), ((), ())),
                                   preferred_element_type=jnp.float32)
            m = jnp.max(jnp.where(onehot, emat, -1e30), axis=0,
                        keepdims=True)
            return jnp.maximum(emax, m)

        emax = lax.fori_loop(0, S2S_NCHK, maxpass,
                             jnp.full((1, NGRAPH), -1e30, jnp.float32))
        emax = jnp.where(emax > -1e29, emax, 0.0)

        def sumpass(i, carry):
            denom8, U = carry
            na_c, onehot = chunk(i)
            onef = onehot.astype(jnp.float32)
            emat = lax.dot_general(na_c, q, (((1,), (1,)), ((), ())),
                                   preferred_element_type=jnp.float32)
            e = jnp.sum(jnp.where(onehot, emat, 0.0), axis=1, keepdims=True)
            emaxb = jnp.sum(onef * emax, axis=1, keepdims=True)
            ex = jnp.exp(e - emaxb)
            w = onef * ex
            d8 = lax.dot_general(w, jnp.ones((S2S_CHK, 8), jnp.float32),
                                 (((0,), (0,)), ((), ())),
                                 preferred_element_type=jnp.float32)
            dU = lax.dot_general(w, na_c, (((0,), (0,)), ((), ())),
                                 preferred_element_type=jnp.float32)
            return denom8 + d8, U + dU

        denom8, U = lax.fori_loop(
            0, S2S_NCHK, sumpass,
            (jnp.zeros((NGRAPH, 8), jnp.float32),
             jnp.zeros((NGRAPH, 2 * H), jnp.float32)))
        r_ = U / (denom8[:, 0:1] + 1e-16)
        q_star = jnp.concatenate([q, r_], axis=1)

    go = _ln_prelu(jnp.dot(q_star, wp_ref[...],
                           preferred_element_type=jnp.float32) + bp_ref[...],
                   g1_ref[...], be1_ref[...], a1_ref[0, 0])
    fused_pre = (jnp.dot(go, wst_ref[...],
                         preferred_element_type=jnp.float32)
                 + jnp.dot(sf_ref[...], wsb_ref[...],
                           preferred_element_type=jnp.float32)
                 + bs_ref[...])
    o_ref[...] = _ln_prelu(fused_pre, g2_ref[...], be2_ref[...], a2_ref[0, 0])


def _s2s(h0_wide, h3_wide, batch, seq_feat, Wl_ih, bl_ih, Wl_hh, bl_hh, Wp,
         bp, g1, be1, a1, Ws, bs, g2, be2, a2):
    return pl.pallas_call(
        _s2s_body,
        out_shape=jax.ShapeDtypeStruct((NGRAPH, OUT), jnp.float32),
    )(h0_wide, h3_wide, batch.reshape(N, 1), seq_feat.reshape(1, OUT),
      Wl_ih.T, bl_ih.reshape(1, 8 * H), Wl_hh.T, bl_hh.reshape(1, 8 * H),
      Wp, bp.reshape(1, OUT), g1.reshape(1, OUT), be1.reshape(1, OUT),
      jnp.reshape(a1, (1, 1)), Ws[:OUT, :], Ws[OUT:, :], bs.reshape(1, OUT),
      g2.reshape(1, OUT), be2.reshape(1, OUT), jnp.reshape(a2, (1, 1)))


def kernel(x, edge_index, edge_attr, batch, seq_feat, W1, b1, We, be, root,
           bconv, W_ih, W_hh, b_ih, b_hh, Wl_ih, Wl_hh, bl_ih, bl_hh, Wp, bp,
           g1, be1, a1, Ws, bs, g2, be2, a2):
    n_extra = E_PAD - E
    pad_src = (jnp.arange(n_extra, dtype=jnp.int32) * 97) % N
    pad_dst = N + (jnp.arange(n_extra, dtype=jnp.int32) % (N_PAD - N))
    src3 = jnp.concatenate([edge_index[0], pad_src]).reshape(NW, NCH, CH)
    dst3 = jnp.concatenate([edge_index[1], pad_dst]).reshape(NW, NCH, CH)
    ea_pad = jnp.concatenate(
        [edge_attr, jnp.zeros((n_extra, EDGE_IN), jnp.float32)], axis=0)
    zeros_npad = jnp.zeros((N_PAD, W), jnp.float32)
    S_exp = (jnp.arange(H * H, dtype=jnp.int32)[None, :] // H
             == jnp.arange(H, dtype=jnp.int32)[:, None]).astype(jnp.float32)

    h0 = _node_mlp(x, W1, b1)
    WihT = W_ih.T
    WhhT = W_hh.T

    h = h0
    for _ in range(STEPS):
        hsrc = _sc_gather(h, src3)
        msg = _msg(ea_pad, hsrc, We, be, S_exp)
        partials = _sc_scatter(msg, dst3, zeros_npad)
        h = _gru(partials, h, root, bconv, WihT, b_ih, WhhT, b_hh)

    return _s2s(h0, h, batch, seq_feat, Wl_ih, bl_ih, Wl_hh, bl_hh, Wp, bp,
                g1, be1, a1, Ws, bs, g2, be2, a2)

# --- scband reference (transcript-rebuilt; emitter-appended) ---
"""Pipeline reference for scband-mol-encoder-1915555414287 (READ-ONLY COPY).

The authoritative reference and input builder live on the scoring server;
editing this copy changes nothing except your own understanding.
"""

import jax, jax.numpy as jnp
import numpy as np

N = 10000
E = 160000
NODE_IN = 128
EDGE_IN = 16
H = 32
OUT = 128
STEPS = 3
S2S_STEPS = 3
NGRAPH = 256


def setup_inputs(seed: int = 0):
    key = jax.random.key(seed)
    ks = jax.random.split(key, 32)
    def w(k, shape, s=0.1):
        return jax.random.normal(k, shape, jnp.float32) * s
    p = {}
    p["x"] = jax.random.normal(ks[0], (N, NODE_IN), jnp.float32)
    p["edge_index"] = jax.random.randint(ks[1], (2, E), 0, N, dtype=jnp.int32)
    p["edge_attr"] = jax.random.uniform(ks[2], (E, EDGE_IN), dtype=jnp.float32)
    p["batch"] = jnp.sort(jax.random.randint(ks[3], (N,), 0, NGRAPH, dtype=jnp.int32))
    p["seq_feat"] = jax.random.normal(ks[4], (OUT,), jnp.float32)
    p["W1"] = w(ks[5], (NODE_IN, H)); p["b1"] = jnp.zeros((H,), jnp.float32)
    p["We"] = w(ks[6], (EDGE_IN, H * H)); p["be"] = jnp.zeros((H * H,), jnp.float32)
    p["root"] = w(ks[7], (H, H)); p["bconv"] = jnp.zeros((H,), jnp.float32)
    p["W_ih"] = w(ks[8], (3 * H, H)); p["W_hh"] = w(ks[9], (3 * H, H))
    p["b_ih"] = jnp.zeros((3 * H,), jnp.float32); p["b_hh"] = jnp.zeros((3 * H,), jnp.float32)
    p["Wl_ih"] = w(ks[10], (8 * H, 4 * H)); p["Wl_hh"] = w(ks[11], (8 * H, 2 * H))
    p["bl_ih"] = jnp.zeros((8 * H,), jnp.float32); p["bl_hh"] = jnp.zeros((8 * H,), jnp.float32)
    p["Wp"] = w(ks[12], (4 * H, OUT)); p["bp"] = jnp.zeros((OUT,), jnp.float32)
    p["g1"] = jnp.ones((OUT,), jnp.float32); p["be1"] = jnp.zeros((OUT,), jnp.float32); p["a1"] = jnp.float32(0.25)
    p["Ws"] = w(ks[13], (2 * OUT, OUT)); p["bs"] = jnp.zeros((OUT,), jnp.float32)
    p["g2"] = jnp.ones((OUT,), jnp.float32); p["be2"] = jnp.zeros((OUT,), jnp.float32); p["a2"] = jnp.float32(0.25)
    return p


def _layernorm(x, g, b):
    mu = jnp.mean(x, axis=-1, keepdims=True)
    var = jnp.var(x, axis=-1, keepdims=True)
    return (x - mu) / jnp.sqrt(var + 1e-5) * g + b


def _prelu(x, a):
    return jnp.where(x >= 0, x, a * x)


def reference(x, edge_index, edge_attr, batch, seq_feat, W1, b1, We, be, root, bconv, W_ih, W_hh, b_ih, b_hh, Wl_ih, Wl_hh, bl_ih, bl_hh, Wp, bp, g1, be1, a1, Ws, bs, g2, be2, a2):
    src = edge_index[0]
    dst = edge_index[1]
    h = jax.nn.relu(x.astype(jnp.float32) @ W1 + b1)
    hidden = h
    node_aggr0 = h
    # NNConv edge network (identical every MP step, computed once)
    ew = jax.nn.relu(edge_attr.astype(jnp.float32) @ We + be).reshape(E, H, H)
    for _ in range(STEPS):
        msg = jnp.einsum('eh,ehk->ek', h[src], ew)
        aggr = jax.ops.segment_sum(msg, dst, num_segments=N)
        conv = aggr + h @ root + bconv
        m = jax.nn.relu(conv)
        # single-layer GRU, one timestep
        gi = m @ W_ih.T + b_ih
        gh = hidden @ W_hh.T + b_hh
        i_r, i_z, i_n = jnp.split(gi, 3, axis=-1)
        h_r, h_z, h_n = jnp.split(gh, 3, axis=-1)
        r = jax.nn.sigmoid(i_r + h_r)
        z = jax.nn.sigmoid(i_z + h_z)
        n_ = jnp.tanh(i_n + r * h_n)
        h = (1.0 - z) * n_ + z * hidden
        hidden = h
    node_aggr = jnp.concatenate([node_aggr0, h], axis=1)  # [N, 2H]
    # Set2Set readout (LSTM: input 4H, hidden 2H, 1 layer)
    q_star = jnp.zeros((NGRAPH, 4 * H), jnp.float32)
    hl = jnp.zeros((NGRAPH, 2 * H), jnp.float32)
    cl = jnp.zeros((NGRAPH, 2 * H), jnp.float32)
    for _ in range(S2S_STEPS):
        gates = q_star @ Wl_ih.T + bl_ih + hl @ Wl_hh.T + bl_hh
        ig, fg, gg, og = jnp.split(gates, 4, axis=-1)
        ig = jax.nn.sigmoid(ig); fg = jax.nn.sigmoid(fg); og = jax.nn.sigmoid(og); gg = jnp.tanh(gg)
        cl = fg * cl + ig * gg
        hl = og * jnp.tanh(cl)
        q = hl
        e = jnp.sum(node_aggr * q[batch], axis=-1)
        emax = jax.lax.stop_gradient(jax.ops.segment_max(e, batch, num_segments=NGRAPH))
        emax = jnp.where(jnp.isfinite(emax), emax, 0.0)
        ex = jnp.exp(e - emax[batch])
        denom = jax.ops.segment_sum(ex, batch, num_segments=NGRAPH)
        a = ex / (denom[batch] + 1e-16)
        r_ = jax.ops.segment_sum(a[:, None] * node_aggr, batch, num_segments=NGRAPH)
        q_star = jnp.concatenate([q, r_], axis=-1)
    readout = q_star  # [NGRAPH, 4H]
    graph_origin = _prelu(_layernorm(readout @ Wp + bp, g1, be1), a1)  # dropout=identity (eval)
    sf = jnp.broadcast_to(seq_feat[None, :], (NGRAPH, OUT))
    residual = jnp.concatenate([graph_origin, sf], axis=-1)
    fused = _prelu(_layernorm(residual @ Ws + bs, g2, be2), a2)
    return fused

if __name__ == "__main__":
    import jax
    _d = setup_inputs()
    print(jax.jit(kernel)(*tuple(_d.values())))

</pallas_src>

<mosaic_0001>
#map = affine_map<(d0, d1) -> (0, 0)>
#map1 = affine_map<(d0, d1) -> (0, 0, 0)>
module attributes {stable_mosaic.version = 14 : i64} {
  func.func @_sc_gather_body(%arg0: i32, %arg1: i32, %arg2: memref<10000x128xf32, #tpu.memory_space<hbm>>, %arg3: memref<32x40x128xi32, #tpu.memory_space<hbm>>, %arg4: memref<163840x128xf32, #tpu.memory_space<hbm>>, %arg5: memref<40x128xi32, #tpu.memory_space<vmem>>, %arg6: memref<128x128xf32, #tpu.memory_space<vmem>>, %arg7: memref<128x128xf32, #tpu.memory_space<vmem>>, %arg8: memref<128x128xf32, #tpu.memory_space<vmem>>, %arg9: memref<128x128xf32, #tpu.memory_space<vmem>>, %arg10: memref<!tpu.dma_semaphore, #tpu.memory_space<semaphore_mem>>) attributes {dimension_semantics = [#tpu.dimension_semantics<core_parallel>, #tpu.dimension_semantics<subcore_parallel>], iteration_bounds = array<i64: 2, 16>, scalar_prefetch = 0 : i64, scratch_operands = 6 : i64, tpu.core_type = #tpu.core_type<sc_vector_subcore>, window_params = [{transform_indices = #map}, {transform_indices = #map1}, {transform_indices = #map}]} {
    %mul3A = arith.constant 2 : i32
    %mul3A_0 = arith.muli %arg1, %mul3A : i32
    %add3A = arith.addi %mul3A_0, %arg0 : i32
    "tpu.region"() ({
      %run_scoped3A = tpu.sem_alloc : memref<!tpu.dma_semaphore, #tpu.memory_space<semaphore_mem>>
      %dma_start3A = arith.constant 0 : i32
      %dma_start3A_6 = arith.constant 0 : i32
      %dma_start3A_7 = tpu.memref_slice %arg3[%add3A, %dma_start3A, %dma_start3A_6] : memref<32x40x128xi32, #tpu.memory_space<hbm>> -> memref<1x40x128xi32, #tpu.memory_space<hbm>>
      %dma_start3A_8 = tpu.memref_squeeze %dma_start3A_7 : memref<1x40x128xi32, #tpu.memory_space<hbm>> -> memref<40x128xi32, #tpu.memory_space<hbm>>
      %dma_start3A_9 = arith.constant 0 : i32
      %dma_start3A_10 = arith.constant 0 : i32
      %dma_start3A_11 = tpu.memref_slice %arg3[%add3A, %dma_start3A_9, %dma_start3A_10] : memref<32x40x128xi32, #tpu.memory_space<hbm>> -> memref<1x40x128xi32, #tpu.memory_space<hbm>>
      %dma_start3A_12 = tpu.memref_squeeze %dma_start3A_11 : memref<1x40x128xi32, #tpu.memory_space<hbm>> -> memref<40x128xi32, #tpu.memory_space<hbm>>
      tpu.enqueue_dma source(%dma_start3A_12 : memref<40x128xi32, #tpu.memory_space<hbm>>) target(%arg5 : memref<40x128xi32, #tpu.memory_space<vmem>>) target_semaphore(%run_scoped3A : memref<!tpu.dma_semaphore, #tpu.memory_space<semaphore_mem>>)
      %dma_wait3A = arith.constant 0 : i32
      %dma_wait3A_13 = arith.constant 0 : i32
      %dma_wait3A_14 = tpu.memref_slice %arg3[%add3A, %dma_wait3A, %dma_wait3A_13] : memref<32x40x128xi32, #tpu.memory_space<hbm>> -> memref<1x40x128xi32, #tpu.memory_space<hbm>>
      %dma_wait3A_15 = tpu.memref_squeeze %dma_wait3A_14 : memref<1x40x128xi32, #tpu.memory_space<hbm>> -> memref<40x128xi32, #tpu.memory_space<hbm>>
      %dma_wait3A_16 = arith.constant 0 : i32
      %dma_wait3A_17 = arith.constant 0 : i32
      %dma_wait3A_18 = tpu.memref_slice %arg3[%add3A, %dma_wait3A_16, %dma_wait3A_17] : memref<32x40x128xi32, #tpu.memory_space<hbm>> -> memref<1x40x128xi32, #tpu.memory_space<hbm>>
      %dma_wait3A_19 = tpu.memref_squeeze %dma_wait3A_18 : memref<1x40x128xi32, #tpu.memory_space<hbm>> -> memref<40x128xi32, #tpu.memory_space<hbm>>
      tpu.wait_dma2 semaphore(%run_scoped3A : memref<!tpu.dma_semaphore, #tpu.memory_space<semaphore_mem>>) src(%dma_wait3A_19 : memref<40x128xi32, #tpu.memory_space<hbm>>) dst(%arg5 : memref<40x128xi32, #tpu.memory_space<vmem>>)
      tpu.yield
    }) : () -> ()
    %scan3A = arith.constant 0 : i32
    %scan3A_1 = arith.constant 0 : i32
    %scan3A_2 = arith.constant 10 : i32
    %scan3A_3 = arith.addi %scan3A_1, %scan3A_2 : i32
    %scan3A_4 = arith.constant 1 : i32
    scf.for %scan3A_6 = %scan3A_1 to %scan3A_3 step %scan3A_4  : i32 {
      %mul3A_7 = arith.constant 4 : i32
      %mul3A_8 = arith.muli %scan3A_6, %mul3A_7 : i32
      %add3A_9 = arith.constant 0 : i32
      %add3A_10 = arith.addi %mul3A_8, %add3A_9 : i32
      %dma_start3A = arith.constant 0 : i32
      %dma_start3A_11 = tpu.memref_slice %arg5[%add3A_10, %dma_start3A] : memref<40x128xi32, #tpu.memory_space<vmem>> -> memref<1x128xi32, #tpu.memory_space<vmem>>
      %dma_start3A_12 = tpu.memref_squeeze %dma_start3A_11 : memref<1x128xi32, #tpu.memory_space<vmem>> -> memref<128xi32, #tpu.memory_space<vmem>>
      %dma_start3A_13 = arith.constant 0 : i32
      %dma_start3A_14 = arith.constant 0 : i32
      %dma_start3A_15 = tpu.memref_slice %arg2[%dma_start3A_13, %dma_start3A_14] : memref<10000x128xf32, #tpu.memory_space<hbm>> -> memref<10000x128xf32, #tpu.memory_space<hbm>>
      tpu.enqueue_indirect_dma source(%dma_start3A_15 : memref<10000x128xf32, #tpu.memory_space<hbm>>) target(%arg6 : memref<128x128xf32, #tpu.memory_space<vmem>>) offsets(%dma_start3A_12 : memref<128xi32, #tpu.memory_space<vmem>>) semaphore(%arg10 : memref<!tpu.dma_semaphore, #tpu.memory_space<semaphore_mem>>)
      %mul3A_16 = arith.constant 4 : i32
      %mul3A_17 = arith.muli %scan3A_6, %mul3A_16 : i32
      %add3A_18 = arith.constant 1 : i32
      %add3A_19 = arith.addi %mul3A_17, %add3A_18 : i32
      %dma_start3A_20 = arith.constant 0 : i32
      %dma_start3A_21 = tpu.memref_slice %arg5[%add3A_19, %dma_start3A_20] : memref<40x128xi32, #tpu.memory_space<vmem>> -> memref<1x128xi32, #tpu.memory_space<vmem>>
      %dma_start3A_22 = tpu.memref_squeeze %dma_start3A_21 : memref<1x128xi32, #tpu.memory_space<vmem>> -> memref<128xi32, #tpu.memory_space<vmem>>
      %dma_start3A_23 = arith.constant 0 : i32
      %dma_start3A_24 = arith.constant 0 : i32
      %dma_start3A_25 = tpu.memref_slice %arg2[%dma_start3A_23, %dma_start3A_24] : memref<10000x128xf32, #tpu.memory_space<hbm>> -> memref<10000x128xf32, #tpu.memory_space<hbm>>
      tpu.enqueue_indirect_dma source(%dma_start3A_25 : memref<10000x128xf32, #tpu.memory_space<hbm>>) target(%arg7 : memref<128x128xf32, #tpu.memory_space<vmem>>) offsets(%dma_start3A_22 : memref<128xi32, #tpu.memory_space<vmem>>) semaphore(%arg10 : memref<!tpu.dma_semaphore, #tpu.memory_space<semaphore_mem>>)
      %mul3A_26 = arith.constant 4 : i32
      %mul3A_27 = arith.muli %scan3A_6, %mul3A_26 : i32
      %add3A_28 = arith.constant 2 : i32
      %add3A_29 = arith.addi %mul3A_27, %add3A_28 : i32
      %dma_start3A_30 = arith.constant 0 : i32
      %dma_start3A_31 = tpu.memref_slice %arg5[%add3A_29, %dma_start3A_30] : memref<40x128xi32, #tpu.memory_space<vmem>> -> memref<1x128xi32, #tpu.memory_space<vmem>>
      %dma_start3A_32 = tpu.memref_squeeze %dma_start3A_31 : memref<1x128xi32, #tpu.memory_space<vmem>> -> memref<128xi32, #tpu.memory_space<vmem>>
      %dma_start3A_33 = arith.constant 0 : i32
      %dma_start3A_34 = arith.constant 0 : i32
      %dma_start3A_35 = tpu.memref_slice %arg2[%dma_start3A_33, %dma_start3A_34] : memref<10000x128xf32, #tpu.memory_space<hbm>> -> memref<10000x128xf32, #tpu.memory_space<hbm>>
      tpu.enqueue_indirect_dma source(%dma_start3A_35 : memref<10000x128xf32, #tpu.memory_space<hbm>>) target(%arg8 : memref<128x128xf32, #tpu.memory_space<vmem>>) offsets(%dma_start3A_32 : memref<128xi32, #tpu.memory_space<vmem>>) semaphore(%arg10 : memref<!tpu.dma_semaphore, #tpu.memory_space<semaphore_mem>>)
      %mul3A_36 = arith.constant 4 : i32
      %mul3A_37 = arith.muli %scan3A_6, %mul3A_36 : i32
      %add3A_38 = arith.constant 3 : i32
      %add3A_39 = arith.addi %mul3A_37, %add3A_38 : i32
      %dma_start3A_40 = arith.constant 0 : i32
      %dma_start3A_41 = tpu.memref_slice %arg5[%add3A_39, %dma_start3A_40] : memref<40x128xi32, #tpu.memory_space<vmem>> -> memref<1x128xi32, #tpu.memory_space<vmem>>
      %dma_start3A_42 = tpu.memref_squeeze %dma_start3A_41 : memref<1x128xi32, #tpu.memory_space<vmem>> -> memref<128xi32, #tpu.memory_space<vmem>>
      %dma_start3A_43 = arith.constant 0 : i32
      %dma_start3A_44 = arith.constant 0 : i32
      %dma_start3A_45 = tpu.memref_slice %arg2[%dma_start3A_43, %dma_start3A_44] : memref<10000x128xf32, #tpu.memory_space<hbm>> -> memref<10000x128xf32, #tpu.memory_space<hbm>>
      tpu.enqueue_indirect_dma source(%dma_start3A_45 : memref<10000x128xf32, #tpu.memory_space<hbm>>) target(%arg9 : memref<128x128xf32, #tpu.memory_space<vmem>>) offsets(%dma_start3A_42 : memref<128xi32, #tpu.memory_space<vmem>>) semaphore(%arg10 : memref<!tpu.dma_semaphore, #tpu.memory_space<semaphore_mem>>)
      %dma_wait3A = arith.constant 0 : i32
      %dma_wait3A_46 = tpu.memref_slice %arg5[%add3A_10, %dma_wait3A] : memref<40x128xi32, #tpu.memory_space<vmem>> -> memref<1x128xi32, #tpu.memory_space<vmem>>
      %dma_wait3A_47 = tpu.memref_squeeze %dma_wait3A_46 : memref<1x128xi32, #tpu.memory_space<vmem>> -> memref<128xi32, #tpu.memory_space<vmem>>
      %dma_wait3A_48 = arith.constant 0 : i32
      %dma_wait3A_49 = arith.constant 0 : i32
      %dma_wait3A_50 = tpu.memref_slice %arg2[%dma_wait3A_48, %dma_wait3A_49] : memref<10000x128xf32, #tpu.memory_space<hbm>> -> memref<10000x128xf32, #tpu.memory_space<hbm>>
      tpu.wait_indirect_dma semaphore(%arg10 : memref<!tpu.dma_semaphore, #tpu.memory_space<semaphore_mem>>) src(%dma_wait3A_50 : memref<10000x128xf32, #tpu.memory_space<hbm>>) dst(%arg6 : memref<128x128xf32, #tpu.memory_space<vmem>>)
      %mul3A_51 = arith.constant 5120 : i32
      %mul3A_52 = arith.muli %add3A, %mul3A_51 : i32
      %mul3A_53 = arith.constant 4 : i32
      %mul3A_54 = arith.muli %scan3A_6, %mul3A_53 : i32
      %add3A_55 = arith.constant 0 : i32
      %add3A_56 = arith.addi %mul3A_54, %add3A_55 : i32
      %mul3A_57 = arith.constant 128 : i32
      %mul3A_58 = arith.muli %add3A_56, %mul3A_57 : i32
      %add3A_59 = arith.addi %mul3A_52, %mul3A_58 : i32
      "tpu.region"() ({
        %run_scoped3A = tpu.sem_alloc : memref<!tpu.dma_semaphore, #tpu.memory_space<semaphore_mem>>
        %dma_start3A_105 = arith.constant 0 : i32
        %dma_start3A_106 = tpu.memref_slice %arg4[%add3A_59, %dma_start3A_105] : memref<163840x128xf32, #tpu.memory_space<hbm>> -> memref<128x128xf32, #tpu.memory_space<hbm>>
        %dma_start3A_107 = arith.constant 0 : i32
        %dma_start3A_108 = tpu.memref_slice %arg4[%add3A_59, %dma_start3A_107] : memref<163840x128xf32, #tpu.memory_space<hbm>> -> memref<128x128xf32, #tpu.memory_space<hbm>>
        tpu.enqueue_dma source(%arg6 : memref<128x128xf32, #tpu.memory_space<vmem>>) target(%dma_start3A_108 : memref<128x128xf32, #tpu.memory_space<hbm>>) target_semaphore(%run_scoped3A : memref<!tpu.dma_semaphore, #tpu.memory_space<semaphore_mem>>)
        %dma_wait3A_109 = arith.constant 0 : i32
        %dma_wait3A_110 = tpu.memref_slice %arg4[%add3A_59, %dma_wait3A_109] : memref<163840x128xf32, #tpu.memory_space<hbm>> -> memref<128x128xf32, #tpu.memory_space<hbm>>
        %dma_wait3A_111 = arith.constant 0 : i32
        %dma_wait3A_112 = tpu.memref_slice %arg4[%add3A_59, %dma_wait3A_111] : memref<163840x128xf32, #tpu.memory_space<hbm>> -> memref<128x128xf32, #tpu.memory_space<hbm>>
        tpu.wait_dma2 semaphore(%run_scoped3A : memref<!tpu.dma_semaphore, #tpu.memory_space<semaphore_mem>>) src(%arg6 : memref<128x128xf32, #tpu.memory_space<vmem>>) dst(%dma_wait3A_112 : memref<128x128xf32, #tpu.memory_space<hbm>>)
        tpu.yield
      }) : () -> ()
      %dma_wait3A_60 = arith.constant 0 : i32
      %dma_wait3A_61 = tpu.memref_slice %arg5[%add3A_19, %dma_wait3A_60] : memref<40x128xi32, #tpu.memory_space<vmem>> -> memref<1x128xi32, #tpu.memory_space<vmem>>
      %dma_wait3A_62 = tpu.memref_squeeze %dma_wait3A_61 : memref<1x128xi32, #tpu.memory_space<vmem>> -> memref<128xi32, #tpu.memory_space<vmem>>
      %dma_wait3A_63 = arith.constant 0 : i32
      %dma_wait3A_64 = arith.constant 0 : i32
      %dma_wait3A_65 = tpu.memref_slice %arg2[%dma_wait3A_63, %dma_wait3A_64] : memref<10000x128xf32, #tpu.memory_space<hbm>> -> memref<10000x128xf32, #tpu.memory_space<hbm>>
      tpu.wait_indirect_dma semaphore(%arg10 : memref<!tpu.dma_semaphore, #tpu.memory_space<semaphore_mem>>) src(%dma_wait3A_65 : memref<10000x128xf32, #tpu.memory_space<hbm>>) dst(%arg7 : memref<128x128xf32, #tpu.memory_space<vmem>>)
      %mul3A_66 = arith.constant 5120 : i32
      %mul3A_67 = arith.muli %add3A, %mul3A_66 : i32
      %mul3A_68 = arith.constant 4 : i32
      %mul3A_69 = arith.muli %scan3A_6, %mul3A_68 : i32
      %add3A_70 = arith.constant 1 : i32
      %add3A_71 = arith.addi %mul3A_69, %add3A_70 : i32
      %mul3A_72 = arith.constant 128 : i32
      %mul3A_73 = arith.muli %add3A_71, %mul3A_72 : i32
      %add3A_74 = arith.addi %mul3A_67, %mul3A_73 : i32
      "tpu.region"() ({
        %run_scoped3A = tpu.sem_alloc : memref<!tpu.dma_semaphore, #tpu.memory_space<semaphore_mem>>
        %dma_start3A_105 = arith.constant 0 : i32
        %dma_start3A_106 = tpu.memref_slice %arg4[%add3A_74, %dma_start3A_105] : memref<163840x128xf32, #tpu.memory_space<hbm>> -> memref<128x128xf32, #tpu.memory_space<hbm>>
        %dma_start3A_107 = arith.constant 0 : i32
        %dma_start3A_108 = tpu.memref_slice %arg4[%add3A_74, %dma_start3A_107] : memref<163840x128xf32, #tpu.memory_space<hbm>> -> memref<128x128xf32, #tpu.memory_space<hbm>>
        tpu.enqueue_dma source(%arg7 : memref<128x128xf32, #tpu.memory_space<vmem>>) target(%dma_start3A_108 : memref<128x128xf32, #tpu.memory_space<hbm>>) target_semaphore(%run_scoped3A : memref<!tpu.dma_semaphore, #tpu.memory_space<semaphore_mem>>)
        %dma_wait3A_109 = arith.constant 0 : i32
        %dma_wait3A_110 = tpu.memref_slice %arg4[%add3A_74, %dma_wait3A_109] : memref<163840x128xf32, #tpu.memory_space<hbm>> -> memref<128x128xf32, #tpu.memory_space<hbm>>
        %dma_wait3A_111 = arith.constant 0 : i32
        %dma_wait3A_112 = tpu.memref_slice %arg4[%add3A_74, %dma_wait3A_111] : memref<163840x128xf32, #tpu.memory_space<hbm>> -> memref<128x128xf32, #tpu.memory_space<hbm>>
        tpu.wait_dma2 semaphore(%run_scoped3A : memref<!tpu.dma_semaphore, #tpu.memory_space<semaphore_mem>>) src(%arg7 : memref<128x128xf32, #tpu.memory_space<vmem>>) dst(%dma_wait3A_112 : memref<128x128xf32, #tpu.memory_space<hbm>>)
        tpu.yield
      }) : () -> ()
      %dma_wait3A_75 = arith.constant 0 : i32
      %dma_wait3A_76 = tpu.memref_slice %arg5[%add3A_29, %dma_wait3A_75] : memref<40x128xi32, #tpu.memory_space<vmem>> -> memref<1x128xi32, #tpu.memory_space<vmem>>
      %dma_wait3A_77 = tpu.memref_squeeze %dma_wait3A_76 : memref<1x128xi32, #tpu.memory_space<vmem>> -> memref<128xi32, #tpu.memory_space<vmem>>
      %dma_wait3A_78 = arith.constant 0 : i32
      %dma_wait3A_79 = arith.constant 0 : i32
      %dma_wait3A_80 = tpu.memref_slice %arg2[%dma_wait3A_78, %dma_wait3A_79] : memref<10000x128xf32, #tpu.memory_space<hbm>> -> memref<10000x128xf32, #tpu.memory_space<hbm>>
      tpu.wait_indirect_dma semaphore(%arg10 : memref<!tpu.dma_semaphore, #tpu.memory_space<semaphore_mem>>) src(%dma_wait3A_80 : memref<10000x128xf32, #tpu.memory_space<hbm>>) dst(%arg8 : memref<128x128xf32, #tpu.memory_space<vmem>>)
      %mul3A_81 = arith.constant 5120 : i32
      %mul3A_82 = arith.muli %add3A, %mul3A_81 : i32
      %mul3A_83 = arith.constant 4 : i32
      %mul3A_84 = arith.muli %scan3A_6, %mul3A_83 : i32
      %add3A_85 = arith.constant 2 : i32
      %add3A_86 = arith.addi %mul3A_84, %add3A_85 : i32
      %mul3A_87 = arith.constant 128 : i32
      %mul3A_88 = arith.muli %add3A_86, %mul3A_87 : i32
      %add3A_89 = arith.addi %mul3A_82, %mul3A_88 : i32
      "tpu.region"() ({
        %run_scoped3A = tpu.sem_alloc : memref<!tpu.dma_semaphore, #tpu.memory_space<semaphore_mem>>
        %dma_start3A_105 = arith.constant 0 : i32
        %dma_start3A_106 = tpu.memref_slice %arg4[%add3A_89, %dma_start3A_105] : memref<163840x128xf32, #tpu.memory_space<hbm>> -> memref<128x128xf32, #tpu.memory_space<hbm>>
        %dma_start3A_107 = arith.constant 0 : i32
        %dma_start3A_108 = tpu.memref_slice %arg4[%add3A_89, %dma_start3A_107] : memref<163840x128xf32, #tpu.memory_space<hbm>> -> memref<128x128xf32, #tpu.memory_space<hbm>>
        tpu.enqueue_dma source(%arg8 : memref<128x128xf32, #tpu.memory_space<vmem>>) target(%dma_start3A_108 : memref<128x128xf32, #tpu.memory_space<hbm>>) target_semaphore(%run_scoped3A : memref<!tpu.dma_semaphore, #tpu.memory_space<semaphore_mem>>)
        %dma_wait3A_109 = arith.constant 0 : i32
        %dma_wait3A_110 = tpu.memref_slice %arg4[%add3A_89, %dma_wait3A_109] : memref<163840x128xf32, #tpu.memory_space<hbm>> -> memref<128x128xf32, #tpu.memory_space<hbm>>
        %dma_wait3A_111 = arith.constant 0 : i32
        %dma_wait3A_112 = tpu.memref_slice %arg4[%add3A_89, %dma_wait3A_111] : memref<163840x128xf32, #tpu.memory_space<hbm>> -> memref<128x128xf32, #tpu.memory_space<hbm>>
        tpu.wait_dma2 semaphore(%run_scoped3A : memref<!tpu.dma_semaphore, #tpu.memory_space<semaphore_mem>>) src(%arg8 : memref<128x128xf32, #tpu.memory_space<vmem>>) dst(%dma_wait3A_112 : memref<128x128xf32, #tpu.memory_space<hbm>>)
        tpu.yield
      }) : () -> ()
      %dma_wait3A_90 = arith.constant 0 : i32
      %dma_wait3A_91 = tpu.memref_slice %arg5[%add3A_39, %dma_wait3A_90] : memref<40x128xi32, #tpu.memory_space<vmem>> -> memref<1x128xi32, #tpu.memory_space<vmem>>
      %dma_wait3A_92 = tpu.memref_squeeze %dma_wait3A_91 : memref<1x128xi32, #tpu.memory_space<vmem>> -> memref<128xi32, #tpu.memory_space<vmem>>
      %dma_wait3A_93 = arith.constant 0 : i32
      %dma_wait3A_94 = arith.constant 0 : i32
      %dma_wait3A_95 = tpu.memref_slice %arg2[%dma_wait3A_93, %dma_wait3A_94] : memref<10000x128xf32, #tpu.memory_space<hbm>> -> memref<10000x128xf32, #tpu.memory_space<hbm>>
      tpu.wait_indirect_dma semaphore(%arg10 : memref<!tpu.dma_semaphore, #tpu.memory_space<semaphore_mem>>) src(%dma_wait3A_95 : memref<10000x128xf32, #tpu.memory_space<hbm>>) dst(%arg9 : memref<128x128xf32, #tpu.memory_space<vmem>>)
      %mul3A_96 = arith.constant 5120 : i32
      %mul3A_97 = arith.muli %add3A, %mul3A_96 : i32
      %mul3A_98 = arith.constant 4 : i32
      %mul3A_99 = arith.muli %scan3A_6, %mul3A_98 : i32
      %add3A_100 = arith.constant 3 : i32
      %add3A_101 = arith.addi %mul3A_99, %add3A_100 : i32
      %mul3A_102 = arith.constant 128 : i32
      %mul3A_103 = arith.muli %add3A_101, %mul3A_102 : i32
      %add3A_104 = arith.addi %mul3A_97, %mul3A_103 : i32
      "tpu.region"() ({
        %run_scoped3A = tpu.sem_alloc : memref<!tpu.dma_semaphore, #tpu.memory_space<semaphore_mem>>
        %dma_start3A_105 = arith.constant 0 : i32
        %dma_start3A_106 = tpu.memref_slice %arg4[%add3A_104, %dma_start3A_105] : memref<163840x128xf32, #tpu.memory_space<hbm>> -> memref<128x128xf32, #tpu.memory_space<hbm>>
        %dma_start3A_107 = arith.constant 0 : i32
        %dma_start3A_108 = tpu.memref_slice %arg4[%add3A_104, %dma_start3A_107] : memref<163840x128xf32, #tpu.memory_space<hbm>> -> memref<128x128xf32, #tpu.memory_space<hbm>>
        tpu.enqueue_dma source(%arg9 : memref<128x128xf32, #tpu.memory_space<vmem>>) target(%dma_start3A_108 : memref<128x128xf32, #tpu.memory_space<hbm>>) target_semaphore(%run_scoped3A : memref<!tpu.dma_semaphore, #tpu.memory_space<semaphore_mem>>)
        %dma_wait3A_109 = arith.constant 0 : i32
        %dma_wait3A_110 = tpu.memref_slice %arg4[%add3A_104, %dma_wait3A_109] : memref<163840x128xf32, #tpu.memory_space<hbm>> -> memref<128x128xf32, #tpu.memory_space<hbm>>
        %dma_wait3A_111 = arith.constant 0 : i32
        %dma_wait3A_112 = tpu.memref_slice %arg4[%add3A_104, %dma_wait3A_111] : memref<163840x128xf32, #tpu.memory_space<hbm>> -> memref<128x128xf32, #tpu.memory_space<hbm>>
        tpu.wait_dma2 semaphore(%run_scoped3A : memref<!tpu.dma_semaphore, #tpu.memory_space<semaphore_mem>>) src(%arg9 : memref<128x128xf32, #tpu.memory_space<vmem>>) dst(%dma_wait3A_112 : memref<128x128xf32, #tpu.memory_space<hbm>>)
        tpu.yield
      }) : () -> ()
    }
    %scan3A_5 = arith.constant 10 : i32
    return
  }
}

#map = affine_map<(d0, d1) -> (0, 0)>
#map1 = affine_map<(d0, d1) -> (0, 0, 0)>
module attributes {stable_mosaic.version = 14 : i64} {
  func.func @_sc_gather_body(%arg0: i32, %arg1: i32, %arg2: memref<10000x128xf32, #tpu.memory_space<hbm>>, %arg3: memref<32x40x128xi32, #tpu.memory_space<hbm>>, %arg4: memref<163840x128xf32, #tpu.memory_space<hbm>>, %arg5: memref<40x128xi32, #tpu.memory_space<vmem>>, %arg6: memref<128x128xf32, #tpu.memory_space<vmem>>, %arg7: memref<128x128xf32, #tpu.memory_space<vmem>>, %arg8: memref<128x128xf32, #tpu.memory_space<vmem>>, %arg9: memref<128x128xf32, #tpu.memory_space<vmem>>, %arg10: memref<!tpu.dma_semaphore, #tpu.memory_space<semaphore_mem>>) attributes {dimension_semantics = [#tpu.dimension_semantics<core_parallel>, #tpu.dimension_semantics<subcore_parallel>], iteration_bounds = array<i64: 2, 16>, scalar_prefetch = 0 : i64, scratch_operands = 6 : i64, tpu.core_type = #tpu.core_type<sc_vector_subcore>, window_params = [{transform_indices = #map}, {transform_indices = #map1}, {transform_indices = #map}]} {
    %mul3A = arith.constant 2 : i32
    %mul3A_0 = arith.muli %arg1, %mul3A : i32
    %add3A = arith.addi %mul3A_0, %arg0 : i32
    "tpu.region"() ({
      %run_scoped3A = tpu.sem_alloc : memref<!tpu.dma_semaphore, #tpu.memory_space<semaphore_mem>>
      %dma_start3A = arith.constant 0 : i32
      %dma_start3A_6 = arith.constant 0 : i32
      %dma_start3A_7 = tpu.memref_slice %arg3[%add3A, %dma_start3A, %dma_start3A_6] : memref<32x40x128xi32, #tpu.memory_space<hbm>> -> memref<1x40x128xi32, #tpu.memory_space<hbm>>
      %dma_start3A_8 = tpu.memref_squeeze %dma_start3A_7 : memref<1x40x128xi32, #tpu.memory_space<hbm>> -> memref<40x128xi32, #tpu.memory_space<hbm>>
      %dma_start3A_9 = arith.constant 0 : i32
      %dma_start3A_10 = arith.constant 0 : i32
      %dma_start3A_11 = tpu.memref_slice %arg3[%add3A, %dma_start3A_9, %dma_start3A_10] : memref<32x40x128xi32, #tpu.memory_space<hbm>> -> memref<1x40x128xi32, #tpu.memory_space<hbm>>
      %dma_start3A_12 = tpu.memref_squeeze %dma_start3A_11 : memref<1x40x128xi32, #tpu.memory_space<hbm>> -> memref<40x128xi32, #tpu.memory_space<hbm>>
      tpu.enqueue_dma source(%dma_start3A_12 : memref<40x128xi32, #tpu.memory_space<hbm>>) target(%arg5 : memref<40x128xi32, #tpu.memory_space<vmem>>) target_semaphore(%run_scoped3A : memref<!tpu.dma_semaphore, #tpu.memory_space<semaphore_mem>>)
      %dma_wait3A = arith.constant 0 : i32
      %dma_wait3A_13 = arith.constant 0 : i32
      %dma_wait3A_14 = tpu.memref_slice %arg3[%add3A, %dma_wait3A, %dma_wait3A_13] : memref<32x40x128xi32, #tpu.memory_space<hbm>> -> memref<1x40x128xi32, #tpu.memory_space<hbm>>
      %dma_wait3A_15 = tpu.memref_squeeze %dma_wait3A_14 : memref<1x40x128xi32, #tpu.memory_space<hbm>> -> memref<40x128xi32, #tpu.memory_space<hbm>>
      %dma_wait3A_16 = arith.constant 0 : i32
      %dma_wait3A_17 = arith.constant 0 : i32
      %dma_wait3A_18 = tpu.memref_slice %arg3[%add3A, %dma_wait3A_16, %dma_wait3A_17] : memref<32x40x128xi32, #tpu.memory_space<hbm>> -> memref<1x40x128xi32, #tpu.memory_space<hbm>>
      %dma_wait3A_19 = tpu.memref_squeeze %dma_wait3A_18 : memref<1x40x128xi32, #tpu.memory_space<hbm>> -> memref<40x128xi32, #tpu.memory_space<hbm>>
      tpu.wait_dma2 semaphore(%run_scoped3A : memref<!tpu.dma_semaphore, #tpu.memory_space<semaphore_mem>>) src(%dma_wait3A_19 : memref<40x128xi32, #tpu.memory_space<hbm>>) dst(%arg5 : memref<40x128xi32, #tpu.memory_space<vmem>>)
      tpu.yield
    }) : () -> ()
    %scan3A = arith.constant 0 : i32
    %scan3A_1 = arith.constant 0 : i32
    %scan3A_2 = arith.constant 10 : i32
    %scan3A_3 = arith.addi %scan3A_1, %scan3A_2 : i32
    %scan3A_4 = arith.constant 1 : i32
    scf.for %scan3A_6 = %scan3A_1 to %scan3A_3 step %scan3A_4  : i32 {
      %mul3A_7 = arith.constant 4 : i32
      %mul3A_8 = arith.muli %scan3A_6, %mul3A_7 : i32
      %add3A_9 = arith.constant 0 : i32
      %add3A_10 = arith.addi %mul3A_8, %add3A_9 : i32
      %dma_start3A = arith.constant 0 : i32
      %dma_start3A_11 = tpu.memref_slice %arg5[%add3A_10, %dma_start3A] : memref<40x128xi32, #tpu.memory_space<vmem>> -> memref<1x128xi32, #tpu.memory_space<vmem>>
      %dma_start3A_12 = tpu.memref_squeeze %dma_start3A_11 : memref<1x128xi32, #tpu.memory_space<vmem>> -> memref<128xi32, #tpu.memory_space<vmem>>
      %dma_start3A_13 = arith.constant 0 : i32
      %dma_start3A_14 = arith.constant 0 : i32
      %dma_start3A_15 = tpu.memref_slice %arg2[%dma_start3A_13, %dma_start3A_14] : memref<10000x128xf32, #tpu.memory_space<hbm>> -> memref<10000x128xf32, #tpu.memory_space<hbm>>
      tpu.enqueue_indirect_dma source(%dma_start3A_15 : memref<10000x128xf32, #tpu.memory_space<hbm>>) target(%arg6 : memref<128x128xf32, #tpu.memory_space<vmem>>) offsets(%dma_start3A_12 : memref<128xi32, #tpu.memory_space<vmem>>) semaphore(%arg10 : memref<!tpu.dma_semaphore, #tpu.memory_space<semaphore_mem>>)
      %mul3A_16 = arith.constant 4 : i32
      %mul3A_17 = arith.muli %scan3A_6, %mul3A_16 : i32
      %add3A_18 = arith.constant 1 : i32
      %add3A_19 = arith.addi %mul3A_17, %add3A_18 : i32
      %dma_start3A_20 = arith.constant 0 : i32
      %dma_start3A_21 = tpu.memref_slice %arg5[%add3A_19, %dma_start3A_20] : memref<40x128xi32, #tpu.memory_space<vmem>> -> memref<1x128xi32, #tpu.memory_space<vmem>>
      %dma_start3A_22 = tpu.memref_squeeze %dma_start3A_21 : memref<1x128xi32, #tpu.memory_space<vmem>> -> memref<128xi32, #tpu.memory_space<vmem>>
      %dma_start3A_23 = arith.constant 0 : i32
      %dma_start3A_24 = arith.constant 0 : i32
      %dma_start3A_25 = tpu.memref_slice %arg2[%dma_start3A_23, %dma_start3A_24] : memref<10000x128xf32, #tpu.memory_space<hbm>> -> memref<10000x128xf32, #tpu.memory_space<hbm>>
      tpu.enqueue_indirect_dma source(%dma_start3A_25 : memref<10000x128xf32, #tpu.memory_space<hbm>>) target(%arg7 : memref<128x128xf32, #tpu.memory_space<vmem>>) offsets(%dma_start3A_22 : memref<128xi32, #tpu.memory_space<vmem>>) semaphore(%arg10 : memref<!tpu.dma_semaphore, #tpu.memory_space<semaphore_mem>>)
      %mul3A_26 = arith.constant 4 : i32
      %mul3A_27 = arith.muli %scan3A_6, %mul3A_26 : i32
      %add3A_28 = arith.constant 2 : i32
      %add3A_29 = arith.addi %mul3A_27, %add3A_28 : i32
      %dma_start3A_30 = arith.constant 0 : i32
      %dma_start3A_31 = tpu.memref_slice %arg5[%add3A_29, %dma_start3A_30] : memref<40x128xi32, #tpu.memory_space<vmem>> -> memref<1x128xi32, #tpu.memory_space<vmem>>
      %dma_start3A_32 = tpu.memref_squeeze %dma_start3A_31 : memref<1x128xi32, #tpu.memory_space<vmem>> -> memref<128xi32, #tpu.memory_space<vmem>>
      %dma_start3A_33 = arith.constant 0 : i32
      %dma_start3A_34 = arith.constant 0 : i32
      %dma_start3A_35 = tpu.memref_slice %arg2[%dma_start3A_33, %dma_start3A_34] : memref<10000x128xf32, #tpu.memory_space<hbm>> -> memref<10000x128xf32, #tpu.memory_space<hbm>>
      tpu.enqueue_indirect_dma source(%dma_start3A_35 : memref<10000x128xf32, #tpu.memory_space<hbm>>) target(%arg8 : memref<128x128xf32, #tpu.memory_space<vmem>>) offsets(%dma_start3A_32 : memref<128xi32, #tpu.memory_space<vmem>>) semaphore(%arg10 : memref<!tpu.dma_semaphore, #tpu.memory_space<semaphore_mem>>)
      %mul3A_36 = arith.constant 4 : i32
      %mul3A_37 = arith.muli %scan3A_6, %mul3A_36 : i32
      %add3A_38 = arith.constant 3 : i32
      %add3A_39 = arith.addi %mul3A_37, %add3A_38 : i32
      %dma_start3A_40 = arith.constant 0 : i32
      %dma_start3A_41 = tpu.memref_slice %arg5[%add3A_39, %dma_start3A_40] : memref<40x128xi32, #tpu.memory_space<vmem>> -> memref<1x128xi32, #tpu.memory_space<vmem>>
      %dma_start3A_42 = tpu.memref_squeeze %dma_start3A_41 : memref<1x128xi32, #tpu.memory_space<vmem>> -> memref<128xi32, #tpu.memory_space<vmem>>
      %dma_start3A_43 = arith.constant 0 : i32
      %dma_start3A_44 = arith.constant 0 : i32
      %dma_start3A_45 = tpu.memref_slice %arg2[%dma_start3A_43, %dma_start3A_44] : memref<10000x128xf32, #tpu.memory_space<hbm>> -> memref<10000x128xf32, #tpu.memory_space<hbm>>
      tpu.enqueue_indirect_dma source(%dma_start3A_45 : memref<10000x128xf32, #tpu.memory_space<hbm>>) target(%arg9 : memref<128x128xf32, #tpu.memory_space<vmem>>) offsets(%dma_start3A_42 : memref<128xi32, #tpu.memory_space<vmem>>) semaphore(%arg10 : memref<!tpu.dma_semaphore, #tpu.memory_space<semaphore_mem>>)
      %dma_wait3A = arith.constant 0 : i32
      %dma_wait3A_46 = tpu.memref_slice %arg5[%add3A_10, %dma_wait3A] : memref<40x128xi32, #tpu.memory_space<vmem>> -> memref<1x128xi32, #tpu.memory_space<vmem>>
      %dma_wait3A_47 = tpu.memref_squeeze %dma_wait3A_46 : memref<1x128xi32, #tpu.memory_space<vmem>> -> memref<128xi32, #tpu.memory_space<vmem>>
      %dma_wait3A_48 = arith.constant 0 : i32
      %dma_wait3A_49 = arith.constant 0 : i32
      %dma_wait3A_50 = tpu.memref_slice %arg2[%dma_wait3A_48, %dma_wait3A_49] : memref<10000x128xf32, #tpu.memory_space<hbm>> -> memref<10000x128xf32, #tpu.memory_space<hbm>>
      tpu.wait_indirect_dma semaphore(%arg10 : memref<!tpu.dma_semaphore, #tpu.memory_space<semaphore_mem>>) src(%dma_wait3A_50 : memref<10000x128xf32, #tpu.memory_space<hbm>>) dst(%arg6 : memref<128x128xf32, #tpu.memory_space<vmem>>)
      %mul3A_51 = arith.constant 5120 : i32
      %mul3A_52 = arith.muli %add3A, %mul3A_51 : i32
      %mul3A_53 = arith.constant 4 : i32
      %mul3A_54 = arith.muli %scan3A_6, %mul3A_53 : i32
      %add3A_55 = arith.constant 0 : i32
      %add3A_56 = arith.addi %mul3A_54, %add3A_55 : i32
      %mul3A_57 = arith.constant 128 : i32
      %mul3A_58 = arith.muli %add3A_56, %mul3A_57 : i32
      %add3A_59 = arith.addi %mul3A_52, %mul3A_58 : i32
      "tpu.region"() ({
        %run_scoped3A = tpu.sem_alloc : memref<!tpu.dma_semaphore, #tpu.memory_space<semaphore_mem>>
        %dma_start3A_105 = arith.constant 0 : i32
        %dma_start3A_106 = tpu.memref_slice %arg4[%add3A_59, %dma_start3A_105] : memref<163840x128xf32, #tpu.memory_space<hbm>> -> memref<128x128xf32, #tpu.memory_space<hbm>>
        %dma_start3A_107 = arith.constant 0 : i32
        %dma_start3A_108 = tpu.memref_slice %arg4[%add3A_59, %dma_start3A_107] : memref<163840x128xf32, #tpu.memory_space<hbm>> -> memref<128x128xf32, #tpu.memory_space<hbm>>
        tpu.enqueue_dma source(%arg6 : memref<128x128xf32, #tpu.memory_space<vmem>>) target(%dma_start3A_108 : memref<128x128xf32, #tpu.memory_space<hbm>>) target_semaphore(%run_scoped3A : memref<!tpu.dma_semaphore, #tpu.memory_space<semaphore_mem>>)
        %dma_wait3A_109 = arith.constant 0 : i32
        %dma_wait3A_110 = tpu.memref_slice %arg4[%add3A_59, %dma_wait3A_109] : memref<163840x128xf32, #tpu.memory_space<hbm>> -> memref<128x128xf32, #tpu.memory_space<hbm>>
        %dma_wait3A_111 = arith.constant 0 : i32
        %dma_wait3A_112 = tpu.memref_slice %arg4[%add3A_59, %dma_wait3A_111] : memref<163840x128xf32, #tpu.memory_space<hbm>> -> memref<128x128xf32, #tpu.memory_space<hbm>>
        tpu.wait_dma2 semaphore(%run_scoped3A : memref<!tpu.dma_semaphore, #tpu.memory_space<semaphore_mem>>) src(%arg6 : memref<128x128xf32, #tpu.memory_space<vmem>>) dst(%dma_wait3A_112 : memref<128x128xf32, #tpu.memory_space<hbm>>)
        tpu.yield
      }) : () -> ()
      %dma_wait3A_60 = arith.constant 0 : i32
      %dma_wait3A_61 = tpu.memref_slice %arg5[%add3A_19, %dma_wait3A_60] : memref<40x128xi32, #tpu.memory_space<vmem>> -> memref<1x128xi32, #tpu.memory_space<vmem>>
      %dma_wait3A_62 = tpu.memref_squeeze %dma_wait3A_61 : memref<1x128xi32, #tpu.memory_space<vmem>> -> memref<128xi32, #tpu.memory_space<vmem>>
      %dma_wait3A_63 = arith.constant 0 : i32
      %dma_wait3A_64 = arith.constant 0 : i32
      %dma_wait3A_65 = tpu.memref_slice %arg2[%dma_wait3A_63, %dma_wait3A_64] : memref<10000x128xf32, #tpu.memory_space<hbm>> -> memref<10000x128xf32, #tpu.memory_space<hbm>>
      tpu.wait_indirect_dma semaphore(%arg10 : memref<!tpu.dma_semaphore, #tpu.memory_space<semaphore_mem>>) src(%dma_wait3A_65 : memref<10000x128xf32, #tpu.memory_space<hbm>>) dst(%arg7 : memref<128x128xf32, #tpu.memory_space<vmem>>)
      %mul3A_66 = arith.constant 5120 : i32
      %mul3A_67 = arith.muli %add3A, %mul3A_66 : i32
      %mul3A_68 = arith.constant 4 : i32
      %mul3A_69 = arith.muli %scan3A_6, %mul3A_68 : i32
      %add3A_70 = arith.constant 1 : i32
      %add3A_71 = arith.addi %mul3A_69, %add3A_70 : i32
      %mul3A_72 = arith.constant 128 : i32
      %mul3A_73 = arith.muli %add3A_71, %mul3A_72 : i32
      %add3A_74 = arith.addi %mul3A_67, %mul3A_73 : i32
      "tpu.region"() ({
        %run_scoped3A = tpu.sem_alloc : memref<!tpu.dma_semaphore, #tpu.memory_space<semaphore_mem>>
        %dma_start3A_105 = arith.constant 0 : i32
        %dma_start3A_106 = tpu.memref_slice %arg4[%add3A_74, %dma_start3A_105] : memref<163840x128xf32, #tpu.memory_space<hbm>> -> memref<128x128xf32, #tpu.memory_space<hbm>>
        %dma_start3A_107 = arith.constant 0 : i32
        %dma_start3A_108 = tpu.memref_slice %arg4[%add3A_74, %dma_start3A_107] : memref<163840x128xf32, #tpu.memory_space<hbm>> -> memref<128x128xf32, #tpu.memory_space<hbm>>
        tpu.enqueue_dma source(%arg7 : memref<128x128xf32, #tpu.memory_space<vmem>>) target(%dma_start3A_108 : memref<128x128xf32, #tpu.memory_space<hbm>>) target_semaphore(%run_scoped3A : memref<!tpu.dma_semaphore, #tpu.memory_space<semaphore_mem>>)
        %dma_wait3A_109 = arith.constant 0 : i32
        %dma_wait3A_110 = tpu.memref_slice %arg4[%add3A_74, %dma_wait3A_109] : memref<163840x128xf32, #tpu.memory_space<hbm>> -> memref<128x128xf32, #tpu.memory_space<hbm>>
        %dma_wait3A_111 = arith.constant 0 : i32
        %dma_wait3A_112 = tpu.memref_slice %arg4[%add3A_74, %dma_wait3A_111] : memref<163840x128xf32, #tpu.memory_space<hbm>> -> memref<128x128xf32, #tpu.memory_space<hbm>>
        tpu.wait_dma2 semaphore(%run_scoped3A : memref<!tpu.dma_semaphore, #tpu.memory_space<semaphore_mem>>) src(%arg7 : memref<128x128xf32, #tpu.memory_space<vmem>>) dst(%dma_wait3A_112 : memref<128x128xf32, #tpu.memory_space<hbm>>)
        tpu.yield
      }) : () -> ()
      %dma_wait3A_75 = arith.constant 0 : i32
      %dma_wait3A_76 = tpu.memref_slice %arg5[%add3A_29, %dma_wait3A_75] : memref<40x128xi32, #tpu.memory_space<vmem>> -> memref<1x128xi32, #tpu.memory_space<vmem>>
      %dma_wait3A_77 = tpu.memref_squeeze %dma_wait3A_76 : memref<1x128xi32, #tpu.memory_space<vmem>> -> memref<128xi32, #tpu.memory_space<vmem>>
      %dma_wait3A_78 = arith.constant 0 : i32
      %dma_wait3A_79 = arith.constant 0 : i32
      %dma_wait3A_80 = tpu.memref_slice %arg2[%dma_wait3A_78, %dma_wait3A_79] : memref<10000x128xf32, #tpu.memory_space<hbm>> -> memref<10000x128xf32, #tpu.memory_space<hbm>>
      tpu.wait_indirect_dma semaphore(%arg10 : memref<!tpu.dma_semaphore, #tpu.memory_space<semaphore_mem>>) src(%dma_wait3A_80 : memref<10000x128xf32, #tpu.memory_space<hbm>>) dst(%arg8 : memref<128x128xf32, #tpu.memory_space<vmem>>)
      %mul3A_81 = arith.constant 5120 : i32
      %mul3A_82 = arith.muli %add3A, %mul3A_81 : i32
      %mul3A_83 = arith.constant 4 : i32
      %mul3A_84 = arith.muli %scan3A_6, %mul3A_83 : i32
      %add3A_85 = arith.constant 2 : i32
      %add3A_86 = arith.addi %mul3A_84, %add3A_85 : i32
      %mul3A_87 = arith.constant 128 : i32
      %mul3A_88 = arith.muli %add3A_86, %mul3A_87 : i32
      %add3A_89 = arith.addi %mul3A_82, %mul3A_88 : i32
      "tpu.region"() ({
        %run_scoped3A = tpu.sem_alloc : memref<!tpu.dma_semaphore, #tpu.memory_space<semaphore_mem>>
        %dma_start3A_105 = arith.constant 0 : i32
        %dma_start3A_106 = tpu.memref_slice %arg4[%add3A_89, %dma_start3A_105] : memref<163840x128xf32, #tpu.memory_space<hbm>> -> memref<128x128xf32, #tpu.memory_space<hbm>>
        %dma_start3A_107 = arith.constant 0 : i32
        %dma_start3A_108 = tpu.memref_slice %arg4[%add3A_89, %dma_start3A_107] : memref<163840x128xf32, #tpu.memory_space<hbm>> -> memref<128x128xf32, #tpu.memory_space<hbm>>
        tpu.enqueue_dma source(%arg8 : memref<128x128xf32, #tpu.memory_space<vmem>>) target(%dma_start3A_108 : memref<128x128xf32, #tpu.memory_space<hbm>>) target_semaphore(%run_scoped3A : memref<!tpu.dma_semaphore, #tpu.memory_space<semaphore_mem>>)
        %dma_wait3A_109 = arith.constant 0 : i32
        %dma_wait3A_110 = tpu.memref_slice %arg4[%add3A_89, %dma_wait3A_109] : memref<163840x128xf32, #tpu.memory_space<hbm>> -> memref<128x128xf32, #tpu.memory_space<hbm>>
        %dma_wait3A_111 = arith.constant 0 : i32
        %dma_wait3A_112 = tpu.memref_slice %arg4[%add3A_89, %dma_wait3A_111] : memref<163840x128xf32, #tpu.memory_space<hbm>> -> memref<128x128xf32, #tpu.memory_space<hbm>>
        tpu.wait_dma2 semaphore(%run_scoped3A : memref<!tpu.dma_semaphore, #tpu.memory_space<semaphore_mem>>) src(%arg8 : memref<128x128xf32, #tpu.memory_space<vmem>>) dst(%dma_wait3A_112 : memref<128x128xf32, #tpu.memory_space<hbm>>)
        tpu.yield
      }) : () -> ()
      %dma_wait3A_90 = arith.constant 0 : i32
      %dma_wait3A_91 = tpu.memref_slice %arg5[%add3A_39, %dma_wait3A_90] : memref<40x128xi32, #tpu.memory_space<vmem>> -> memref<1x128xi32, #tpu.memory_space<vmem>>
      %dma_wait3A_92 = tpu.memref_squeeze %dma_wait3A_91 : memref<1x128xi32, #tpu.memory_space<vmem>> -> memref<128xi32, #tpu.memory_space<vmem>>
      %dma_wait3A_93 = arith.constant 0 : i32
      %dma_wait3A_94 = arith.constant 0 : i32
      %dma_wait3A_95 = tpu.memref_slice %arg2[%dma_wait3A_93, %dma_wait3A_94] : memref<10000x128xf32, #tpu.memory_space<hbm>> -> memref<10000x128xf32, #tpu.memory_space<hbm>>
      tpu.wait_indirect_dma semaphore(%arg10 : memref<!tpu.dma_semaphore, #tpu.memory_space<semaphore_mem>>) src(%dma_wait3A_95 : memref<10000x128xf32, #tpu.memory_space<hbm>>) dst(%arg9 : memref<128x128xf32, #tpu.memory_space<vmem>>)
      %mul3A_96 = arith.constant 5120 : i32
      %mul3A_97 = arith.muli %add3A, %mul3A_96 : i32
      %mul3A_98 = arith.constant 4 : i32
      %mul3A_99 = arith.muli %scan3A_6, %mul3A_98 : i32
      %add3A_100 = arith.constant 3 : i32
      %add3A_101 = arith.addi %mul3A_99, %add3A_100 : i32
      %mul3A_102 = arith.constant 128 : i32
      %mul3A_103 = arith.muli %add3A_101, %mul3A_102 : i32
      %add3A_104 = arith.addi %mul3A_97, %mul3A_103 : i32
      "tpu.region"() ({
        %run_scoped3A = tpu.sem_alloc : memref<!tpu.dma_semaphore, #tpu.memory_space<semaphore_mem>>
        %dma_start3A_105 = arith.constant 0 : i32
        %dma_start3A_106 = tpu.memref_slice %arg4[%add3A_104, %dma_start3A_105] : memref<163840x128xf32, #tpu.memory_space<hbm>> -> memref<128x128xf32, #tpu.memory_space<hbm>>
        %dma_start3A_107 = arith.constant 0 : i32
        %dma_start3A_108 = tpu.memref_slice %arg4[%add3A_104, %dma_start3A_107] : memref<163840x128xf32, #tpu.memory_space<hbm>> -> memref<128x128xf32, #tpu.memory_space<hbm>>
        tpu.enqueue_dma source(%arg9 : memref<128x128xf32, #tpu.memory_space<vmem>>) target(%dma_start3A_108 : memref<128x128xf32, #tpu.memory_space<hbm>>) target_semaphore(%run_scoped3A : memref<!tpu.dma_semaphore, #tpu.memory_space<semaphore_mem>>)
        %dma_wait3A_109 = arith.constant 0 : i32
        %dma_wait3A_110 = tpu.memref_slice %arg4[%add3A_104, %dma_wait3A_109] : memref<163840x128xf32, #tpu.memory_space<hbm>> -> memref<128x128xf32, #tpu.memory_space<hbm>>
        %dma_wait3A_111 = arith.constant 0 : i32
        %dma_wait3A_112 = tpu.memref_slice %arg4[%add3A_104, %dma_wait3A_111] : memref<163840x128xf32, #tpu.memory_space<hbm>> -> memref<128x128xf32, #tpu.memory_space<hbm>>
        tpu.wait_dma2 semaphore(%run_scoped3A : memref<!tpu.dma_semaphore, #tpu.memory_space<semaphore_mem>>) src(%arg9 : memref<128x128xf32, #tpu.memory_space<vmem>>) dst(%dma_wait3A_112 : memref<128x128xf32, #tpu.memory_space<hbm>>)
        tpu.yield
      }) : () -> ()
    }
    %scan3A_5 = arith.constant 10 : i32
    return
  }
}

#map = affine_map<(d0, d1) -> (0, 0)>
#map1 = affine_map<(d0, d1) -> (0, 0, 0)>
module attributes {stable_mosaic.version = 14 : i64} {
  func.func @_sc_scatter_body(%arg0: i32, %arg1: i32, %arg2: memref<163840x128xf32, #tpu.memory_space<hbm>>, %arg3: memref<32x40x128xi32, #tpu.memory_space<hbm>>, %arg4: memref<10240x128xf32, #tpu.memory_space<hbm>>, %arg5: memref<2x10240x128xf32, #tpu.memory_space<hbm>>, %arg6: memref<40x128xi32, #tpu.memory_space<vmem>>, %arg7: memref<128x128xf32, #tpu.memory_space<vmem>>, %arg8: memref<10240x128xf32, #tpu.memory_space<vmem_shared>>, %arg9: memref<!tpu.dma_semaphore, #tpu.memory_space<semaphore_mem>>) attributes {dimension_semantics = [#tpu.dimension_semantics<core_parallel>, #tpu.dimension_semantics<subcore_parallel>], iteration_bounds = array<i64: 2, 16>, scalar_prefetch = 0 : i64, scratch_operands = 4 : i64, tpu.core_type = #tpu.core_type<sc_vector_subcore>, window_params = [{transform_indices = #map}, {transform_indices = #map1}, {transform_indices = #map}, {transform_indices = #map1}]} {
    %mul3A = arith.constant 2 : i32
    %mul3A_0 = arith.muli %arg1, %mul3A : i32
    %add3A = arith.addi %mul3A_0, %arg0 : i32
    %eq3A = arith.constant 0 : i32
    %eq3A_1 = arith.cmpi eq, %arg1, %eq3A : i32
    %convert_element_type3A = arith.extui %eq3A_1 : i1 to i32
    %cond3A = arith.constant 0 : i32
    %cond3A_2 = arith.cmpi ne, %convert_element_type3A, %cond3A : i32
    scf.if %cond3A_2 {
      "tpu.region"() ({
        %run_scoped3A = tpu.sem_alloc : memref<!tpu.dma_semaphore, #tpu.memory_space<semaphore_mem>>
        tpu.enqueue_dma source(%arg4 : memref<10240x128xf32, #tpu.memory_space<hbm>>) target(%arg8 : memref<10240x128xf32, #tpu.memory_space<vmem_shared>>) target_semaphore(%run_scoped3A : memref<!tpu.dma_semaphore, #tpu.memory_space<semaphore_mem>>)
        tpu.wait_dma2 semaphore(%run_scoped3A : memref<!tpu.dma_semaphore, #tpu.memory_space<semaphore_mem>>) src(%arg4 : memref<10240x128xf32, #tpu.memory_space<hbm>>) dst(%arg8 : memref<10240x128xf32, #tpu.memory_space<vmem_shared>>)
        tpu.yield
      }) : () -> ()
    } else {
    }
    %barrier3A = arith.constant 0 : index
    tpu.barrier barrier_id(%barrier3A)
    "tpu.region"() ({
      %run_scoped3A = tpu.sem_alloc : memref<!tpu.dma_semaphore, #tpu.memory_space<semaphore_mem>>
      %dma_start3A = arith.constant 0 : i32
      %dma_start3A_13 = arith.constant 0 : i32
      %dma_start3A_14 = tpu.memref_slice %arg3[%add3A, %dma_start3A, %dma_start3A_13] : memref<32x40x128xi32, #tpu.memory_space<hbm>> -> memref<1x40x128xi32, #tpu.memory_space<hbm>>
      %dma_start3A_15 = tpu.memref_squeeze %dma_start3A_14 : memref<1x40x128xi32, #tpu.memory_space<hbm>> -> memref<40x128xi32, #tpu.memory_space<hbm>>
      %dma_start3A_16 = arith.constant 0 : i32
      %dma_start3A_17 = arith.constant 0 : i32
      %dma_start3A_18 = tpu.memref_slice %arg3[%add3A, %dma_start3A_16, %dma_start3A_17] : memref<32x40x128xi32, #tpu.memory_space<hbm>> -> memref<1x40x128xi32, #tpu.memory_space<hbm>>
      %dma_start3A_19 = tpu.memref_squeeze %dma_start3A_18 : memref<1x40x128xi32, #tpu.memory_space<hbm>> -> memref<40x128xi32, #tpu.memory_space<hbm>>
      tpu.enqueue_dma source(%dma_start3A_19 : memref<40x128xi32, #tpu.memory_space<hbm>>) target(%arg6 : memref<40x128xi32, #tpu.memory_space<vmem>>) target_semaphore(%run_scoped3A : memref<!tpu.dma_semaphore, #tpu.memory_space<semaphore_mem>>)
      %dma_wait3A = arith.constant 0 : i32
      %dma_wait3A_20 = arith.constant 0 : i32
      %dma_wait3A_21 = tpu.memref_slice %arg3[%add3A, %dma_wait3A, %dma_wait3A_20] : memref<32x40x128xi32, #tpu.memory_space<hbm>> -> memref<1x40x128xi32, #tpu.memory_space<hbm>>
      %dma_wait3A_22 = tpu.memref_squeeze %dma_wait3A_21 : memref<1x40x128xi32, #tpu.memory_space<hbm>> -> memref<40x128xi32, #tpu.memory_space<hbm>>
      %dma_wait3A_23 = arith.constant 0 : i32
      %dma_wait3A_24 = arith.constant 0 : i32
      %dma_wait3A_25 = tpu.memref_slice %arg3[%add3A, %dma_wait3A_23, %dma_wait3A_24] : memref<32x40x128xi32, #tpu.memory_space<hbm>> -> memref<1x40x128xi32, #tpu.memory_space<hbm>>
      %dma_wait3A_26 = tpu.memref_squeeze %dma_wait3A_25 : memref<1x40x128xi32, #tpu.memory_space<hbm>> -> memref<40x128xi32, #tpu.memory_space<hbm>>
      tpu.wait_dma2 semaphore(%run_scoped3A : memref<!tpu.dma_semaphore, #tpu.memory_space<semaphore_mem>>) src(%dma_wait3A_26 : memref<40x128xi32, #tpu.memory_space<hbm>>) dst(%arg6 : memref<40x128xi32, #tpu.memory_space<vmem>>)
      tpu.yield
    }) : () -> ()
    %scan3A = arith.constant 0 : i32
    %scan3A_3 = arith.constant 0 : i32
    %scan3A_4 = arith.constant 40 : i32
    %scan3A_5 = arith.addi %scan3A_3, %scan3A_4 : i32
    %scan3A_6 = arith.constant 1 : i32
    scf.for %scan3A_13 = %scan3A_3 to %scan3A_5 step %scan3A_6  : i32 {
      %mul3A_14 = arith.constant 5120 : i32
      %mul3A_15 = arith.muli %add3A, %mul3A_14 : i32
      %mul3A_16 = arith.constant 128 : i32
      %mul3A_17 = arith.muli %scan3A_13, %mul3A_16 : i32
      %add3A_18 = arith.addi %mul3A_15, %mul3A_17 : i32
      "tpu.region"() ({
        %run_scoped3A = tpu.sem_alloc : memref<!tpu.dma_semaphore, #tpu.memory_space<semaphore_mem>>
        %dma_start3A = arith.constant 0 : i32
        %dma_start3A_19 = tpu.memref_slice %arg2[%add3A_18, %dma_start3A] : memref<163840x128xf32, #tpu.memory_space<hbm>> -> memref<128x128xf32, #tpu.memory_space<hbm>>
        %dma_start3A_20 = arith.constant 0 : i32
        %dma_start3A_21 = tpu.memref_slice %arg2[%add3A_18, %dma_start3A_20] : memref<163840x128xf32, #tpu.memory_space<hbm>> -> memref<128x128xf32, #tpu.memory_space<hbm>>
        tpu.enqueue_dma source(%dma_start3A_21 : memref<128x128xf32, #tpu.memory_space<hbm>>) target(%arg7 : memref<128x128xf32, #tpu.memory_space<vmem>>) target_semaphore(%run_scoped3A : memref<!tpu.dma_semaphore, #tpu.memory_space<semaphore_mem>>)
        %dma_wait3A = arith.constant 0 : i32
        %dma_wait3A_22 = tpu.memref_slice %arg2[%add3A_18, %dma_wait3A] : memref<163840x128xf32, #tpu.memory_space<hbm>> -> memref<128x128xf32, #tpu.memory_space<hbm>>
        %dma_wait3A_23 = arith.constant 0 : i32
        %dma_wait3A_24 = tpu.memref_slice %arg2[%add3A_18, %dma_wait3A_23] : memref<163840x128xf32, #tpu.memory_space<hbm>> -> memref<128x128xf32, #tpu.memory_space<hbm>>
        tpu.wait_dma2 semaphore(%run_scoped3A : memref<!tpu.dma_semaphore, #tpu.memory_space<semaphore_mem>>) src(%dma_wait3A_24 : memref<128x128xf32, #tpu.memory_space<hbm>>) dst(%arg7 : memref<128x128xf32, #tpu.memory_space<vmem>>)
        tpu.yield
      }) : () -> ()
      "tpu.region"() ({
        %run_scoped3A = tpu.sem_alloc : memref<!tpu.dma_semaphore, #tpu.memory_space<semaphore_mem>>
        %dma_start3A = arith.constant 0 : i32
        %dma_start3A_19 = tpu.memref_slice %arg6[%scan3A_13, %dma_start3A] : memref<40x128xi32, #tpu.memory_space<vmem>> -> memref<1x128xi32, #tpu.memory_space<vmem>>
        %dma_start3A_20 = tpu.memref_squeeze %dma_start3A_19 : memref<1x128xi32, #tpu.memory_space<vmem>> -> memref<128xi32, #tpu.memory_space<vmem>>
        %dma_start3A_21 = arith.constant 0 : i32
        %dma_start3A_22 = arith.constant 0 : i32
        %dma_start3A_23 = tpu.memref_slice %arg8[%dma_start3A_21, %dma_start3A_22] : memref<10240x128xf32, #tpu.memory_space<vmem_shared>> -> memref<10240x128xf32, #tpu.memory_space<vmem_shared>>
        tpu.enqueue_indirect_dma source(%arg7 : memref<128x128xf32, #tpu.memory_space<vmem>>) target(%dma_start3A_23 : memref<10240x128xf32, #tpu.memory_space<vmem_shared>>) offsets(%dma_start3A_20 : memref<128xi32, #tpu.memory_space<vmem>>) semaphore(%run_scoped3A : memref<!tpu.dma_semaphore, #tpu.memory_space<semaphore_mem>>) {add = true}
        %dma_wait3A = arith.constant 0 : i32
        %dma_wait3A_24 = tpu.memref_slice %arg6[%scan3A_13, %dma_wait3A] : memref<40x128xi32, #tpu.memory_space<vmem>> -> memref<1x128xi32, #tpu.memory_space<vmem>>
        %dma_wait3A_25 = tpu.memref_squeeze %dma_wait3A_24 : memref<1x128xi32, #tpu.memory_space<vmem>> -> memref<128xi32, #tpu.memory_space<vmem>>
        %dma_wait3A_26 = arith.constant 0 : i32
        %dma_wait3A_27 = arith.constant 0 : i32
        %dma_wait3A_28 = tpu.memref_slice %arg8[%dma_wait3A_26, %dma_wait3A_27] : memref<10240x128xf32, #tpu.memory_space<vmem_shared>> -> memref<10240x128xf32, #tpu.memory_space<vmem_shared>>
        tpu.wait_indirect_dma semaphore(%run_scoped3A : memref<!tpu.dma_semaphore, #tpu.memory_space<semaphore_mem>>) src(%arg7 : memref<128x128xf32, #tpu.memory_space<vmem>>) dst(%dma_wait3A_28 : memref<10240x128xf32, #tpu.memory_space<vmem_shared>>)
        tpu.yield
      }) : () -> ()
    }
    %scan3A_7 = arith.constant 40 : i32
    %barrier3A_8 = arith.constant 0 : index
    tpu.barrier barrier_id(%barrier3A_8)
    %mul3A_9 = arith.constant 640 : i32
    %mul3A_10 = arith.muli %arg1, %mul3A_9 : i32
    %mul3A_11 = arith.constant 640 : i32
    %mul3A_12 = arith.muli %arg1, %mul3A_11 : i32
    "tpu.region"() ({
      %run_scoped3A = tpu.sem_alloc : memref<!tpu.dma_semaphore, #tpu.memory_space<semaphore_mem>>
      %dma_start3A = arith.constant 0 : i32
      %dma_start3A_13 = tpu.memref_slice %arg5[%arg0, %mul3A_12, %dma_start3A] : memref<2x10240x128xf32, #tpu.memory_space<hbm>> -> memref<1x640x128xf32, #tpu.memory_space<hbm>>
      %dma_start3A_14 = tpu.memref_squeeze %dma_start3A_13 : memref<1x640x128xf32, #tpu.memory_space<hbm>> -> memref<640x128xf32, #tpu.memory_space<hbm>>
      %dma_start3A_15 = arith.constant 0 : i32
      %dma_start3A_16 = tpu.memref_slice %arg8[%mul3A_10, %dma_start3A_15] : memref<10240x128xf32, #tpu.memory_space<vmem_shared>> -> memref<640x128xf32, #tpu.memory_space<vmem_shared>>
      tpu.enqueue_dma source(%dma_start3A_16 : memref<640x128xf32, #tpu.memory_space<vmem_shared>>) target(%dma_start3A_14 : memref<640x128xf32, #tpu.memory_space<hbm>>) target_semaphore(%run_scoped3A : memref<!tpu.dma_semaphore, #tpu.memory_space<semaphore_mem>>)
      %dma_wait3A = arith.constant 0 : i32
      %dma_wait3A_17 = tpu.memref_slice %arg5[%arg0, %mul3A_12, %dma_wait3A] : memref<2x10240x128xf32, #tpu.memory_space<hbm>> -> memref<1x640x128xf32, #tpu.memory_space<hbm>>
      %dma_wait3A_18 = tpu.memref_squeeze %dma_wait3A_17 : memref<1x640x128xf32, #tpu.memory_space<hbm>> -> memref<640x128xf32, #tpu.memory_space<hbm>>
      %dma_wait3A_19 = arith.constant 0 : i32
      %dma_wait3A_20 = tpu.memref_slice %arg8[%mul3A_10, %dma_wait3A_19] : memref<10240x128xf32, #tpu.memory_space<vmem_shared>> -> memref<640x128xf32, #tpu.memory_space<vmem_shared>>
      tpu.wait_dma2 semaphore(%run_scoped3A : memref<!tpu.dma_semaphore, #tpu.memory_space<semaphore_mem>>) src(%dma_wait3A_20 : memref<640x128xf32, #tpu.memory_space<vmem_shared>>) dst(%dma_wait3A_18 : memref<640x128xf32, #tpu.memory_space<hbm>>)
      tpu.yield
    }) : () -> ()
    return
  }
}

#map = affine_map<(d0, d1) -> (0, 0)>
#map1 = affine_map<(d0, d1) -> (0, 0, 0)>
module attributes {stable_mosaic.version = 14 : i64} {
  func.func @_sc_scatter_body(%arg0: i32, %arg1: i32, %arg2: memref<163840x128xf32, #tpu.memory_space<hbm>>, %arg3: memref<32x40x128xi32, #tpu.memory_space<hbm>>, %arg4: memref<10240x128xf32, #tpu.memory_space<hbm>>, %arg5: memref<2x10240x128xf32, #tpu.memory_space<hbm>>, %arg6: memref<40x128xi32, #tpu.memory_space<vmem>>, %arg7: memref<128x128xf32, #tpu.memory_space<vmem>>, %arg8: memref<10240x128xf32, #tpu.memory_space<vmem_shared>>, %arg9: memref<!tpu.dma_semaphore, #tpu.memory_space<semaphore_mem>>) attributes {dimension_semantics = [#tpu.dimension_semantics<core_parallel>, #tpu.dimension_semantics<subcore_parallel>], iteration_bounds = array<i64: 2, 16>, scalar_prefetch = 0 : i64, scratch_operands = 4 : i64, tpu.core_type = #tpu.core_type<sc_vector_subcore>, window_params = [{transform_indices = #map}, {transform_indices = #map1}, {transform_indices = #map}, {transform_indices = #map1}]} {
    %mul3A = arith.constant 2 : i32
    %mul3A_0 = arith.muli %arg1, %mul3A : i32
    %add3A = arith.addi %mul3A_0, %arg0 : i32
    %eq3A = arith.constant 0 : i32
    %eq3A_1 = arith.cmpi eq, %arg1, %eq3A : i32
    %convert_element_type3A = arith.extui %eq3A_1 : i1 to i32
    %cond3A = arith.constant 0 : i32
    %cond3A_2 = arith.cmpi ne, %convert_element_type3A, %cond3A : i32
    scf.if %cond3A_2 {
      "tpu.region"() ({
        %run_scoped3A = tpu.sem_alloc : memref<!tpu.dma_semaphore, #tpu.memory_space<semaphore_mem>>
        tpu.enqueue_dma source(%arg4 : memref<10240x128xf32, #tpu.memory_space<hbm>>) target(%arg8 : memref<10240x128xf32, #tpu.memory_space<vmem_shared>>) target_semaphore(%run_scoped3A : memref<!tpu.dma_semaphore, #tpu.memory_space<semaphore_mem>>)
        tpu.wait_dma2 semaphore(%run_scoped3A : memref<!tpu.dma_semaphore, #tpu.memory_space<semaphore_mem>>) src(%arg4 : memref<10240x128xf32, #tpu.memory_space<hbm>>) dst(%arg8 : memref<10240x128xf32, #tpu.memory_space<vmem_shared>>)
        tpu.yield
      }) : () -> ()
    } else {
    }
    %barrier3A = arith.constant 0 : index
    tpu.barrier barrier_id(%barrier3A)
    "tpu.region"() ({
      %run_scoped3A = tpu.sem_alloc : memref<!tpu.dma_semaphore, #tpu.memory_space<semaphore_mem>>
      %dma_start3A = arith.constant 0 : i32
      %dma_start3A_13 = arith.constant 0 : i32
      %dma_start3A_14 = tpu.memref_slice %arg3[%add3A, %dma_start3A, %dma_start3A_13] : memref<32x40x128xi32, #tpu.memory_space<hbm>> -> memref<1x40x128xi32, #tpu.memory_space<hbm>>
      %dma_start3A_15 = tpu.memref_squeeze %dma_start3A_14 : memref<1x40x128xi32, #tpu.memory_space<hbm>> -> memref<40x128xi32, #tpu.memory_space<hbm>>
      %dma_start3A_16 = arith.constant 0 : i32
      %dma_start3A_17 = arith.constant 0 : i32
      %dma_start3A_18 = tpu.memref_slice %arg3[%add3A, %dma_start3A_16, %dma_start3A_17] : memref<32x40x128xi32, #tpu.memory_space<hbm>> -> memref<1x40x128xi32, #tpu.memory_space<hbm>>
      %dma_start3A_19 = tpu.memref_squeeze %dma_start3A_18 : memref<1x40x128xi32, #tpu.memory_space<hbm>> -> memref<40x128xi32, #tpu.memory_space<hbm>>
      tpu.enqueue_dma source(%dma_start3A_19 : memref<40x128xi32, #tpu.memory_space<hbm>>) target(%arg6 : memref<40x128xi32, #tpu.memory_space<vmem>>) target_semaphore(%run_scoped3A : memref<!tpu.dma_semaphore, #tpu.memory_space<semaphore_mem>>)
      %dma_wait3A = arith.constant 0 : i32
      %dma_wait3A_20 = arith.constant 0 : i32
      %dma_wait3A_21 = tpu.memref_slice %arg3[%add3A, %dma_wait3A, %dma_wait3A_20] : memref<32x40x128xi32, #tpu.memory_space<hbm>> -> memref<1x40x128xi32, #tpu.memory_space<hbm>>
      %dma_wait3A_22 = tpu.memref_squeeze %dma_wait3A_21 : memref<1x40x128xi32, #tpu.memory_space<hbm>> -> memref<40x128xi32, #tpu.memory_space<hbm>>
      %dma_wait3A_23 = arith.constant 0 : i32
      %dma_wait3A_24 = arith.constant 0 : i32
      %dma_wait3A_25 = tpu.memref_slice %arg3[%add3A, %dma_wait3A_23, %dma_wait3A_24] : memref<32x40x128xi32, #tpu.memory_space<hbm>> -> memref<1x40x128xi32, #tpu.memory_space<hbm>>
      %dma_wait3A_26 = tpu.memref_squeeze %dma_wait3A_25 : memref<1x40x128xi32, #tpu.memory_space<hbm>> -> memref<40x128xi32, #tpu.memory_space<hbm>>
      tpu.wait_dma2 semaphore(%run_scoped3A : memref<!tpu.dma_semaphore, #tpu.memory_space<semaphore_mem>>) src(%dma_wait3A_26 : memref<40x128xi32, #tpu.memory_space<hbm>>) dst(%arg6 : memref<40x128xi32, #tpu.memory_space<vmem>>)
      tpu.yield
    }) : () -> ()
    %scan3A = arith.constant 0 : i32
    %scan3A_3 = arith.constant 0 : i32
    %scan3A_4 = arith.constant 40 : i32
    %scan3A_5 = arith.addi %scan3A_3, %scan3A_4 : i32
    %scan3A_6 = arith.constant 1 : i32
    scf.for %scan3A_13 = %scan3A_3 to %scan3A_5 step %scan3A_6  : i32 {
      %mul3A_14 = arith.constant 5120 : i32
      %mul3A_15 = arith.muli %add3A, %mul3A_14 : i32
      %mul3A_16 = arith.constant 128 : i32
      %mul3A_17 = arith.muli %scan3A_13, %mul3A_16 : i32
      %add3A_18 = arith.addi %mul3A_15, %mul3A_17 : i32
      "tpu.region"() ({
        %run_scoped3A = tpu.sem_alloc : memref<!tpu.dma_semaphore, #tpu.memory_space<semaphore_mem>>
        %dma_start3A = arith.constant 0 : i32
        %dma_start3A_19 = tpu.memref_slice %arg2[%add3A_18, %dma_start3A] : memref<163840x128xf32, #tpu.memory_space<hbm>> -> memref<128x128xf32, #tpu.memory_space<hbm>>
        %dma_start3A_20 = arith.constant 0 : i32
        %dma_start3A_21 = tpu.memref_slice %arg2[%add3A_18, %dma_start3A_20] : memref<163840x128xf32, #tpu.memory_space<hbm>> -> memref<128x128xf32, #tpu.memory_space<hbm>>
        tpu.enqueue_dma source(%dma_start3A_21 : memref<128x128xf32, #tpu.memory_space<hbm>>) target(%arg7 : memref<128x128xf32, #tpu.memory_space<vmem>>) target_semaphore(%run_scoped3A : memref<!tpu.dma_semaphore, #tpu.memory_space<semaphore_mem>>)
        %dma_wait3A = arith.constant 0 : i32
        %dma_wait3A_22 = tpu.memref_slice %arg2[%add3A_18, %dma_wait3A] : memref<163840x128xf32, #tpu.memory_space<hbm>> -> memref<128x128xf32, #tpu.memory_space<hbm>>
        %dma_wait3A_23 = arith.constant 0 : i32
        %dma_wait3A_24 = tpu.memref_slice %arg2[%add3A_18, %dma_wait3A_23] : memref<163840x128xf32, #tpu.memory_space<hbm>> -> memref<128x128xf32, #tpu.memory_space<hbm>>
        tpu.wait_dma2 semaphore(%run_scoped3A : memref<!tpu.dma_semaphore, #tpu.memory_space<semaphore_mem>>) src(%dma_wait3A_24 : memref<128x128xf32, #tpu.memory_space<hbm>>) dst(%arg7 : memref<128x128xf32, #tpu.memory_space<vmem>>)
        tpu.yield
      }) : () -> ()
      "tpu.region"() ({
        %run_scoped3A = tpu.sem_alloc : memref<!tpu.dma_semaphore, #tpu.memory_space<semaphore_mem>>
        %dma_start3A = arith.constant 0 : i32
        %dma_start3A_19 = tpu.memref_slice %arg6[%scan3A_13, %dma_start3A] : memref<40x128xi32, #tpu.memory_space<vmem>> -> memref<1x128xi32, #tpu.memory_space<vmem>>
        %dma_start3A_20 = tpu.memref_squeeze %dma_start3A_19 : memref<1x128xi32, #tpu.memory_space<vmem>> -> memref<128xi32, #tpu.memory_space<vmem>>
        %dma_start3A_21 = arith.constant 0 : i32
        %dma_start3A_22 = arith.constant 0 : i32
        %dma_start3A_23 = tpu.memref_slice %arg8[%dma_start3A_21, %dma_start3A_22] : memref<10240x128xf32, #tpu.memory_space<vmem_shared>> -> memref<10240x128xf32, #tpu.memory_space<vmem_shared>>
        tpu.enqueue_indirect_dma source(%arg7 : memref<128x128xf32, #tpu.memory_space<vmem>>) target(%dma_start3A_23 : memref<10240x128xf32, #tpu.memory_space<vmem_shared>>) offsets(%dma_start3A_20 : memref<128xi32, #tpu.memory_space<vmem>>) semaphore(%run_scoped3A : memref<!tpu.dma_semaphore, #tpu.memory_space<semaphore_mem>>) {add = true}
        %dma_wait3A = arith.constant 0 : i32
        %dma_wait3A_24 = tpu.memref_slice %arg6[%scan3A_13, %dma_wait3A] : memref<40x128xi32, #tpu.memory_space<vmem>> -> memref<1x128xi32, #tpu.memory_space<vmem>>
        %dma_wait3A_25 = tpu.memref_squeeze %dma_wait3A_24 : memref<1x128xi32, #tpu.memory_space<vmem>> -> memref<128xi32, #tpu.memory_space<vmem>>
        %dma_wait3A_26 = arith.constant 0 : i32
        %dma_wait3A_27 = arith.constant 0 : i32
        %dma_wait3A_28 = tpu.memref_slice %arg8[%dma_wait3A_26, %dma_wait3A_27] : memref<10240x128xf32, #tpu.memory_space<vmem_shared>> -> memref<10240x128xf32, #tpu.memory_space<vmem_shared>>
        tpu.wait_indirect_dma semaphore(%run_scoped3A : memref<!tpu.dma_semaphore, #tpu.memory_space<semaphore_mem>>) src(%arg7 : memref<128x128xf32, #tpu.memory_space<vmem>>) dst(%dma_wait3A_28 : memref<10240x128xf32, #tpu.memory_space<vmem_shared>>)
        tpu.yield
      }) : () -> ()
    }
    %scan3A_7 = arith.constant 40 : i32
    %barrier3A_8 = arith.constant 0 : index
    tpu.barrier barrier_id(%barrier3A_8)
    %mul3A_9 = arith.constant 640 : i32
    %mul3A_10 = arith.muli %arg1, %mul3A_9 : i32
    %mul3A_11 = arith.constant 640 : i32
    %mul3A_12 = arith.muli %arg1, %mul3A_11 : i32
    "tpu.region"() ({
      %run_scoped3A = tpu.sem_alloc : memref<!tpu.dma_semaphore, #tpu.memory_space<semaphore_mem>>
      %dma_start3A = arith.constant 0 : i32
      %dma_start3A_13 = tpu.memref_slice %arg5[%arg0, %mul3A_12, %dma_start3A] : memref<2x10240x128xf32, #tpu.memory_space<hbm>> -> memref<1x640x128xf32, #tpu.memory_space<hbm>>
      %dma_start3A_14 = tpu.memref_squeeze %dma_start3A_13 : memref<1x640x128xf32, #tpu.memory_space<hbm>> -> memref<640x128xf32, #tpu.memory_space<hbm>>
      %dma_start3A_15 = arith.constant 0 : i32
      %dma_start3A_16 = tpu.memref_slice %arg8[%mul3A_10, %dma_start3A_15] : memref<10240x128xf32, #tpu.memory_space<vmem_shared>> -> memref<640x128xf32, #tpu.memory_space<vmem_shared>>
      tpu.enqueue_dma source(%dma_start3A_16 : memref<640x128xf32, #tpu.memory_space<vmem_shared>>) target(%dma_start3A_14 : memref<640x128xf32, #tpu.memory_space<hbm>>) target_semaphore(%run_scoped3A : memref<!tpu.dma_semaphore, #tpu.memory_space<semaphore_mem>>)
      %dma_wait3A = arith.constant 0 : i32
      %dma_wait3A_17 = tpu.memref_slice %arg5[%arg0, %mul3A_12, %dma_wait3A] : memref<2x10240x128xf32, #tpu.memory_space<hbm>> -> memref<1x640x128xf32, #tpu.memory_space<hbm>>
      %dma_wait3A_18 = tpu.memref_squeeze %dma_wait3A_17 : memref<1x640x128xf32, #tpu.memory_space<hbm>> -> memref<640x128xf32, #tpu.memory_space<hbm>>
      %dma_wait3A_19 = arith.constant 0 : i32
      %dma_wait3A_20 = tpu.memref_slice %arg8[%mul3A_10, %dma_wait3A_19] : memref<10240x128xf32, #tpu.memory_space<vmem_shared>> -> memref<640x128xf32, #tpu.memory_space<vmem_shared>>
      tpu.wait_dma2 semaphore(%run_scoped3A : memref<!tpu.dma_semaphore, #tpu.memory_space<semaphore_mem>>) src(%dma_wait3A_20 : memref<640x128xf32, #tpu.memory_space<vmem_shared>>) dst(%dma_wait3A_18 : memref<640x128xf32, #tpu.memory_space<hbm>>)
      tpu.yield
    }) : () -> ()
    return
  }
}

#map = affine_map<(d0, d1) -> (0, 0)>
#map1 = affine_map<(d0, d1) -> (0, 0, 0)>
module attributes {stable_mosaic.version = 14 : i64} {
  func.func @_sc_gather_body(%arg0: i32, %arg1: i32, %arg2: memref<10000x128xf32, #tpu.memory_space<hbm>>, %arg3: memref<32x40x128xi32, #tpu.memory_space<hbm>>, %arg4: memref<163840x128xf32, #tpu.memory_space<hbm>>, %arg5: memref<40x128xi32, #tpu.memory_space<vmem>>, %arg6: memref<128x128xf32, #tpu.memory_space<vmem>>, %arg7: memref<128x128xf32, #tpu.memory_space<vmem>>, %arg8: memref<128x128xf32, #tpu.memory_space<vmem>>, %arg9: memref<128x128xf32, #tpu.memory_space<vmem>>, %arg10: memref<!tpu.dma_semaphore, #tpu.memory_space<semaphore_mem>>) attributes {dimension_semantics = [#tpu.dimension_semantics<core_parallel>, #tpu.dimension_semantics<subcore_parallel>], iteration_bounds = array<i64: 2, 16>, scalar_prefetch = 0 : i64, scratch_operands = 6 : i64, tpu.core_type = #tpu.core_type<sc_vector_subcore>, window_params = [{transform_indices = #map}, {transform_indices = #map1}, {transform_indices = #map}]} {
    %mul3A = arith.constant 2 : i32
    %mul3A_0 = arith.muli %arg1, %mul3A : i32
    %add3A = arith.addi %mul3A_0, %arg0 : i32
    "tpu.region"() ({
      %run_scoped3A = tpu.sem_alloc : memref<!tpu.dma_semaphore, #tpu.memory_space<semaphore_mem>>
      %dma_start3A = arith.constant 0 : i32
      %dma_start3A_6 = arith.constant 0 : i32
      %dma_start3A_7 = tpu.memref_slice %arg3[%add3A, %dma_start3A, %dma_start3A_6] : memref<32x40x128xi32, #tpu.memory_space<hbm>> -> memref<1x40x128xi32, #tpu.memory_space<hbm>>
      %dma_start3A_8 = tpu.memref_squeeze %dma_start3A_7 : memref<1x40x128xi32, #tpu.memory_space<hbm>> -> memref<40x128xi32, #tpu.memory_space<hbm>>
      %dma_start3A_9 = arith.constant 0 : i32
      %dma_start3A_10 = arith.constant 0 : i32
      %dma_start3A_11 = tpu.memref_slice %arg3[%add3A, %dma_start3A_9, %dma_start3A_10] : memref<32x40x128xi32, #tpu.memory_space<hbm>> -> memref<1x40x128xi32, #tpu.memory_space<hbm>>
      %dma_start3A_12 = tpu.memref_squeeze %dma_start3A_11 : memref<1x40x128xi32, #tpu.memory_space<hbm>> -> memref<40x128xi32, #tpu.memory_space<hbm>>
      tpu.enqueue_dma source(%dma_start3A_12 : memref<40x128xi32, #tpu.memory_space<hbm>>) target(%arg5 : memref<40x128xi32, #tpu.memory_space<vmem>>) target_semaphore(%run_scoped3A : memref<!tpu.dma_semaphore, #tpu.memory_space<semaphore_mem>>)
      %dma_wait3A = arith.constant 0 : i32
      %dma_wait3A_13 = arith.constant 0 : i32
      %dma_wait3A_14 = tpu.memref_slice %arg3[%add3A, %dma_wait3A, %dma_wait3A_13] : memref<32x40x128xi32, #tpu.memory_space<hbm>> -> memref<1x40x128xi32, #tpu.memory_space<hbm>>
      %dma_wait3A_15 = tpu.memref_squeeze %dma_wait3A_14 : memref<1x40x128xi32, #tpu.memory_space<hbm>> -> memref<40x128xi32, #tpu.memory_space<hbm>>
      %dma_wait3A_16 = arith.constant 0 : i32
      %dma_wait3A_17 = arith.constant 0 : i32
      %dma_wait3A_18 = tpu.memref_slice %arg3[%add3A, %dma_wait3A_16, %dma_wait3A_17] : memref<32x40x128xi32, #tpu.memory_space<hbm>> -> memref<1x40x128xi32, #tpu.memory_space<hbm>>
      %dma_wait3A_19 = tpu.memref_squeeze %dma_wait3A_18 : memref<1x40x128xi32, #tpu.memory_space<hbm>> -> memref<40x128xi32, #tpu.memory_space<hbm>>
      tpu.wait_dma2 semaphore(%run_scoped3A : memref<!tpu.dma_semaphore, #tpu.memory_space<semaphore_mem>>) src(%dma_wait3A_19 : memref<40x128xi32, #tpu.memory_space<hbm>>) dst(%arg5 : memref<40x128xi32, #tpu.memory_space<vmem>>)
      tpu.yield
    }) : () -> ()
    %scan3A = arith.constant 0 : i32
    %scan3A_1 = arith.constant 0 : i32
    %scan3A_2 = arith.constant 10 : i32
    %scan3A_3 = arith.addi %scan3A_1, %scan3A_2 : i32
    %scan3A_4 = arith.constant 1 : i32
    scf.for %scan3A_6 = %scan3A_1 to %scan3A_3 step %scan3A_4  : i32 {
      %mul3A_7 = arith.constant 4 : i32
      %mul3A_8 = arith.muli %scan3A_6, %mul3A_7 : i32
      %add3A_9 = arith.constant 0 : i32
      %add3A_10 = arith.addi %mul3A_8, %add3A_9 : i32
      %dma_start3A = arith.constant 0 : i32
      %dma_start3A_11 = tpu.memref_slice %arg5[%add3A_10, %dma_start3A] : memref<40x128xi32, #tpu.memory_space<vmem>> -> memref<1x128xi32, #tpu.memory_space<vmem>>
      %dma_start3A_12 = tpu.memref_squeeze %dma_start3A_11 : memref<1x128xi32, #tpu.memory_space<vmem>> -> memref<128xi32, #tpu.memory_space<vmem>>
      %dma_start3A_13 = arith.constant 0 : i32
      %dma_start3A_14 = arith.constant 0 : i32
      %dma_start3A_15 = tpu.memref_slice %arg2[%dma_start3A_13, %dma_start3A_14] : memref<10000x128xf32, #tpu.memory_space<hbm>> -> memref<10000x128xf32, #tpu.memory_space<hbm>>
      tpu.enqueue_indirect_dma source(%dma_start3A_15 : memref<10000x128xf32, #tpu.memory_space<hbm>>) target(%arg6 : memref<128x128xf32, #tpu.memory_space<vmem>>) offsets(%dma_start3A_12 : memref<128xi32, #tpu.memory_space<vmem>>) semaphore(%arg10 : memref<!tpu.dma_semaphore, #tpu.memory_space<semaphore_mem>>)
      %mul3A_16 = arith.constant 4 : i32
      %mul3A_17 = arith.muli %scan3A_6, %mul3A_16 : i32
      %add3A_18 = arith.constant 1 : i32
      %add3A_19 = arith.addi %mul3A_17, %add3A_18 : i32
      %dma_start3A_20 = arith.constant 0 : i32
      %dma_start3A_21 = tpu.memref_slice %arg5[%add3A_19, %dma_start3A_20] : memref<40x128xi32, #tpu.memory_space<vmem>> -> memref<1x128xi32, #tpu.memory_space<vmem>>
      %dma_start3A_22 = tpu.memref_squeeze %dma_start3A_21 : memref<1x128xi32, #tpu.memory_space<vmem>> -> memref<128xi32, #tpu.memory_space<vmem>>
      %dma_start3A_23 = arith.constant 0 : i32
      %dma_start3A_24 = arith.constant 0 : i32
      %dma_start3A_25 = tpu.memref_slice %arg2[%dma_start3A_23, %dma_start3A_24] : memref<10000x128xf32, #tpu.memory_space<hbm>> -> memref<10000x128xf32, #tpu.memory_space<hbm>>
      tpu.enqueue_indirect_dma source(%dma_start3A_25 : memref<10000x128xf32, #tpu.memory_space<hbm>>) target(%arg7 : memref<128x128xf32, #tpu.memory_space<vmem>>) offsets(%dma_start3A_22 : memref<128xi32, #tpu.memory_space<vmem>>) semaphore(%arg10 : memref<!tpu.dma_semaphore, #tpu.memory_space<semaphore_mem>>)
      %mul3A_26 = arith.constant 4 : i32
      %mul3A_27 = arith.muli %scan3A_6, %mul3A_26 : i32
      %add3A_28 = arith.constant 2 : i32
      %add3A_29 = arith.addi %mul3A_27, %add3A_28 : i32
      %dma_start3A_30 = arith.constant 0 : i32
      %dma_start3A_31 = tpu.memref_slice %arg5[%add3A_29, %dma_start3A_30] : memref<40x128xi32, #tpu.memory_space<vmem>> -> memref<1x128xi32, #tpu.memory_space<vmem>>
      %dma_start3A_32 = tpu.memref_squeeze %dma_start3A_31 : memref<1x128xi32, #tpu.memory_space<vmem>> -> memref<128xi32, #tpu.memory_space<vmem>>
      %dma_start3A_33 = arith.constant 0 : i32
      %dma_start3A_34 = arith.constant 0 : i32
      %dma_start3A_35 = tpu.memref_slice %arg2[%dma_start3A_33, %dma_start3A_34] : memref<10000x128xf32, #tpu.memory_space<hbm>> -> memref<10000x128xf32, #tpu.memory_space<hbm>>
      tpu.enqueue_indirect_dma source(%dma_start3A_35 : memref<10000x128xf32, #tpu.memory_space<hbm>>) target(%arg8 : memref<128x128xf32, #tpu.memory_space<vmem>>) offsets(%dma_start3A_32 : memref<128xi32, #tpu.memory_space<vmem>>) semaphore(%arg10 : memref<!tpu.dma_semaphore, #tpu.memory_space<semaphore_mem>>)
      %mul3A_36 = arith.constant 4 : i32
      %mul3A_37 = arith.muli %scan3A_6, %mul3A_36 : i32
      %add3A_38 = arith.constant 3 : i32
      %add3A_39 = arith.addi %mul3A_37, %add3A_38 : i32
      %dma_start3A_40 = arith.constant 0 : i32
      %dma_start3A_41 = tpu.memref_slice %arg5[%add3A_39, %dma_start3A_40] : memref<40x128xi32, #tpu.memory_space<vmem>> -> memref<1x128xi32, #tpu.memory_space<vmem>>
      %dma_start3A_42 = tpu.memref_squeeze %dma_start3A_41 : memref<1x128xi32, #tpu.memory_space<vmem>> -> memref<128xi32, #tpu.memory_space<vmem>>
      %dma_start3A_43 = arith.constant 0 : i32
      %dma_start3A_44 = arith.constant 0 : i32
      %dma_start3A_45 = tpu.memref_slice %arg2[%dma_start3A_43, %dma_start3A_44] : memref<10000x128xf32, #tpu.memory_space<hbm>> -> memref<10000x128xf32, #tpu.memory_space<hbm>>
      tpu.enqueue_indirect_dma source(%dma_start3A_45 : memref<10000x128xf32, #tpu.memory_space<hbm>>) target(%arg9 : memref<128x128xf32, #tpu.memory_space<vmem>>) offsets(%dma_start3A_42 : memref<128xi32, #tpu.memory_space<vmem>>) semaphore(%arg10 : memref<!tpu.dma_semaphore, #tpu.memory_space<semaphore_mem>>)
      %dma_wait3A = arith.constant 0 : i32
      %dma_wait3A_46 = tpu.memref_slice %arg5[%add3A_10, %dma_wait3A] : memref<40x128xi32, #tpu.memory_space<vmem>> -> memref<1x128xi32, #tpu.memory_space<vmem>>
      %dma_wait3A_47 = tpu.memref_squeeze %dma_wait3A_46 : memref<1x128xi32, #tpu.memory_space<vmem>> -> memref<128xi32, #tpu.memory_space<vmem>>
      %dma_wait3A_48 = arith.constant 0 : i32
      %dma_wait3A_49 = arith.constant 0 : i32
      %dma_wait3A_50 = tpu.memref_slice %arg2[%dma_wait3A_48, %dma_wait3A_49] : memref<10000x128xf32, #tpu.memory_space<hbm>> -> memref<10000x128xf32, #tpu.memory_space<hbm>>
      tpu.wait_indirect_dma semaphore(%arg10 : memref<!tpu.dma_semaphore, #tpu.memory_space<semaphore_mem>>) src(%dma_wait3A_50 : memref<10000x128xf32, #tpu.memory_space<hbm>>) dst(%arg6 : memref<128x128xf32, #tpu.memory_space<vmem>>)
      %mul3A_51 = arith.constant 5120 : i32
      %mul3A_52 = arith.muli %add3A, %mul3A_51 : i32
      %mul3A_53 = arith.constant 4 : i32
      %mul3A_54 = arith.muli %scan3A_6, %mul3A_53 : i32
      %add3A_55 = arith.constant 0 : i32
      %add3A_56 = arith.addi %mul3A_54, %add3A_55 : i32
      %mul3A_57 = arith.constant 128 : i32
      %mul3A_58 = arith.muli %add3A_56, %mul3A_57 : i32
      %add3A_59 = arith.addi %mul3A_52, %mul3A_58 : i32
      "tpu.region"() ({
        %run_scoped3A = tpu.sem_alloc : memref<!tpu.dma_semaphore, #tpu.memory_space<semaphore_mem>>
        %dma_start3A_105 = arith.constant 0 : i32
        %dma_start3A_106 = tpu.memref_slice %arg4[%add3A_59, %dma_start3A_105] : memref<163840x128xf32, #tpu.memory_space<hbm>> -> memref<128x128xf32, #tpu.memory_space<hbm>>
        %dma_start3A_107 = arith.constant 0 : i32
        %dma_start3A_108 = tpu.memref_slice %arg4[%add3A_59, %dma_start3A_107] : memref<163840x128xf32, #tpu.memory_space<hbm>> -> memref<128x128xf32, #tpu.memory_space<hbm>>
        tpu.enqueue_dma source(%arg6 : memref<128x128xf32, #tpu.memory_space<vmem>>) target(%dma_start3A_108 : memref<128x128xf32, #tpu.memory_space<hbm>>) target_semaphore(%run_scoped3A : memref<!tpu.dma_semaphore, #tpu.memory_space<semaphore_mem>>)
        %dma_wait3A_109 = arith.constant 0 : i32
        %dma_wait3A_110 = tpu.memref_slice %arg4[%add3A_59, %dma_wait3A_109] : memref<163840x128xf32, #tpu.memory_space<hbm>> -> memref<128x128xf32, #tpu.memory_space<hbm>>
        %dma_wait3A_111 = arith.constant 0 : i32
        %dma_wait3A_112 = tpu.memref_slice %arg4[%add3A_59, %dma_wait3A_111] : memref<163840x128xf32, #tpu.memory_space<hbm>> -> memref<128x128xf32, #tpu.memory_space<hbm>>
        tpu.wait_dma2 semaphore(%run_scoped3A : memref<!tpu.dma_semaphore, #tpu.memory_space<semaphore_mem>>) src(%arg6 : memref<128x128xf32, #tpu.memory_space<vmem>>) dst(%dma_wait3A_112 : memref<128x128xf32, #tpu.memory_space<hbm>>)
        tpu.yield
      }) : () -> ()
      %dma_wait3A_60 = arith.constant 0 : i32
      %dma_wait3A_61 = tpu.memref_slice %arg5[%add3A_19, %dma_wait3A_60] : memref<40x128xi32, #tpu.memory_space<vmem>> -> memref<1x128xi32, #tpu.memory_space<vmem>>
      %dma_wait3A_62 = tpu.memref_squeeze %dma_wait3A_61 : memref<1x128xi32, #tpu.memory_space<vmem>> -> memref<128xi32, #tpu.memory_space<vmem>>
      %dma_wait3A_63 = arith.constant 0 : i32
      %dma_wait3A_64 = arith.constant 0 : i32
      %dma_wait3A_65 = tpu.memref_slice %arg2[%dma_wait3A_63, %dma_wait3A_64] : memref<10000x128xf32, #tpu.memory_space<hbm>> -> memref<10000x128xf32, #tpu.memory_space<hbm>>
      tpu.wait_indirect_dma semaphore(%arg10 : memref<!tpu.dma_semaphore, #tpu.memory_space<semaphore_mem>>) src(%dma_wait3A_65 : memref<10000x128xf32, #tpu.memory_space<hbm>>) dst(%arg7 : memref<128x128xf32, #tpu.memory_space<vmem>>)
      %mul3A_66 = arith.constant 5120 : i32
      %mul3A_67 = arith.muli %add3A, %mul3A_66 : i32
      %mul3A_68 = arith.constant 4 : i32
      %mul3A_69 = arith.muli %scan3A_6, %mul3A_68 : i32
      %add3A_70 = arith.constant 1 : i32
      %add3A_71 = arith.addi %mul3A_69, %add3A_70 : i32
      %mul3A_72 = arith.constant 128 : i32
      %mul3A_73 = arith.muli %add3A_71, %mul3A_72 : i32
      %add3A_74 = arith.addi %mul3A_67, %mul3A_73 : i32
      "tpu.region"() ({
        %run_scoped3A = tpu.sem_alloc : memref<!tpu.dma_semaphore, #tpu.memory_space<semaphore_mem>>
        %dma_start3A_105 = arith.constant 0 : i32
        %dma_start3A_106 = tpu.memref_slice %arg4[%add3A_74, %dma_start3A_105] : memref<163840x128xf32, #tpu.memory_space<hbm>> -> memref<128x128xf32, #tpu.memory_space<hbm>>
        %dma_start3A_107 = arith.constant 0 : i32
        %dma_start3A_108 = tpu.memref_slice %arg4[%add3A_74, %dma_start3A_107] : memref<163840x128xf32, #tpu.memory_space<hbm>> -> memref<128x128xf32, #tpu.memory_space<hbm>>
        tpu.enqueue_dma source(%arg7 : memref<128x128xf32, #tpu.memory_space<vmem>>) target(%dma_start3A_108 : memref<128x128xf32, #tpu.memory_space<hbm>>) target_semaphore(%run_scoped3A : memref<!tpu.dma_semaphore, #tpu.memory_space<semaphore_mem>>)
        %dma_wait3A_109 = arith.constant 0 : i32
        %dma_wait3A_110 = tpu.memref_slice %arg4[%add3A_74, %dma_wait3A_109] : memref<163840x128xf32, #tpu.memory_space<hbm>> -> memref<128x128xf32, #tpu.memory_space<hbm>>
        %dma_wait3A_111 = arith.constant 0 : i32
        %dma_wait3A_112 = tpu.memref_slice %arg4[%add3A_74, %dma_wait3A_111] : memref<163840x128xf32, #tpu.memory_space<hbm>> -> memref<128x128xf32, #tpu.memory_space<hbm>>
        tpu.wait_dma2 semaphore(%run_scoped3A : memref<!tpu.dma_semaphore, #tpu.memory_space<semaphore_mem>>) src(%arg7 : memref<128x128xf32, #tpu.memory_space<vmem>>) dst(%dma_wait3A_112 : memref<128x128xf32, #tpu.memory_space<hbm>>)
        tpu.yield
      }) : () -> ()
      %dma_wait3A_75 = arith.constant 0 : i32
      %dma_wait3A_76 = tpu.memref_slice %arg5[%add3A_29, %dma_wait3A_75] : memref<40x128xi32, #tpu.memory_space<vmem>> -> memref<1x128xi32, #tpu.memory_space<vmem>>
      %dma_wait3A_77 = tpu.memref_squeeze %dma_wait3A_76 : memref<1x128xi32, #tpu.memory_space<vmem>> -> memref<128xi32, #tpu.memory_space<vmem>>
      %dma_wait3A_78 = arith.constant 0 : i32
      %dma_wait3A_79 = arith.constant 0 : i32
      %dma_wait3A_80 = tpu.memref_slice %arg2[%dma_wait3A_78, %dma_wait3A_79] : memref<10000x128xf32, #tpu.memory_space<hbm>> -> memref<10000x128xf32, #tpu.memory_space<hbm>>
      tpu.wait_indirect_dma semaphore(%arg10 : memref<!tpu.dma_semaphore, #tpu.memory_space<semaphore_mem>>) src(%dma_wait3A_80 : memref<10000x128xf32, #tpu.memory_space<hbm>>) dst(%arg8 : memref<128x128xf32, #tpu.memory_space<vmem>>)
      %mul3A_81 = arith.constant 5120 : i32
      %mul3A_82 = arith.muli %add3A, %mul3A_81 : i32
      %mul3A_83 = arith.constant 4 : i32
      %mul3A_84 = arith.muli %scan3A_6, %mul3A_83 : i32
      %add3A_85 = arith.constant 2 : i32
      %add3A_86 = arith.addi %mul3A_84, %add3A_85 : i32
      %mul3A_87 = arith.constant 128 : i32
      %mul3A_88 = arith.muli %add3A_86, %mul3A_87 : i32
      %add3A_89 = arith.addi %mul3A_82, %mul3A_88 : i32
      "tpu.region"() ({
        %run_scoped3A = tpu.sem_alloc : memref<!tpu.dma_semaphore, #tpu.memory_space<semaphore_mem>>
        %dma_start3A_105 = arith.constant 0 : i32
        %dma_start3A_106 = tpu.memref_slice %arg4[%add3A_89, %dma_start3A_105] : memref<163840x128xf32, #tpu.memory_space<hbm>> -> memref<128x128xf32, #tpu.memory_space<hbm>>
        %dma_start3A_107 = arith.constant 0 : i32
        %dma_start3A_108 = tpu.memref_slice %arg4[%add3A_89, %dma_start3A_107] : memref<163840x128xf32, #tpu.memory_space<hbm>> -> memref<128x128xf32, #tpu.memory_space<hbm>>
        tpu.enqueue_dma source(%arg8 : memref<128x128xf32, #tpu.memory_space<vmem>>) target(%dma_start3A_108 : memref<128x128xf32, #tpu.memory_space<hbm>>) target_semaphore(%run_scoped3A : memref<!tpu.dma_semaphore, #tpu.memory_space<semaphore_mem>>)
        %dma_wait3A_109 = arith.constant 0 : i32
        %dma_wait3A_110 = tpu.memref_slice %arg4[%add3A_89, %dma_wait3A_109] : memref<163840x128xf32, #tpu.memory_space<hbm>> -> memref<128x128xf32, #tpu.memory_space<hbm>>
        %dma_wait3A_111 = arith.constant 0 : i32
        %dma_wait3A_112 = tpu.memref_slice %arg4[%add3A_89, %dma_wait3A_111] : memref<163840x128xf32, #tpu.memory_space<hbm>> -> memref<128x128xf32, #tpu.memory_space<hbm>>
        tpu.wait_dma2 semaphore(%run_scoped3A : memref<!tpu.dma_semaphore, #tpu.memory_space<semaphore_mem>>) src(%arg8 : memref<128x128xf32, #tpu.memory_space<vmem>>) dst(%dma_wait3A_112 : memref<128x128xf32, #tpu.memory_space<hbm>>)
        tpu.yield
      }) : () -> ()
      %dma_wait3A_90 = arith.constant 0 : i32
      %dma_wait3A_91 = tpu.memref_slice %arg5[%add3A_39, %dma_wait3A_90] : memref<40x128xi32, #tpu.memory_space<vmem>> -> memref<1x128xi32, #tpu.memory_space<vmem>>
      %dma_wait3A_92 = tpu.memref_squeeze %dma_wait3A_91 : memref<1x128xi32, #tpu.memory_space<vmem>> -> memref<128xi32, #tpu.memory_space<vmem>>
      %dma_wait3A_93 = arith.constant 0 : i32
      %dma_wait3A_94 = arith.constant 0 : i32
      %dma_wait3A_95 = tpu.memref_slice %arg2[%dma_wait3A_93, %dma_wait3A_94] : memref<10000x128xf32, #tpu.memory_space<hbm>> -> memref<10000x128xf32, #tpu.memory_space<hbm>>
      tpu.wait_indirect_dma semaphore(%arg10 : memref<!tpu.dma_semaphore, #tpu.memory_space<semaphore_mem>>) src(%dma_wait3A_95 : memref<10000x128xf32, #tpu.memory_space<hbm>>) dst(%arg9 : memref<128x128xf32, #tpu.memory_space<vmem>>)
      %mul3A_96 = arith.constant 5120 : i32
      %mul3A_97 = arith.muli %add3A, %mul3A_96 : i32
      %mul3A_98 = arith.constant 4 : i32
      %mul3A_99 = arith.muli %scan3A_6, %mul3A_98 : i32
      %add3A_100 = arith.constant 3 : i32
      %add3A_101 = arith.addi %mul3A_99, %add3A_100 : i32
      %mul3A_102 = arith.constant 128 : i32
      %mul3A_103 = arith.muli %add3A_101, %mul3A_102 : i32
      %add3A_104 = arith.addi %mul3A_97, %mul3A_103 : i32
      "tpu.region"() ({
        %run_scoped3A = tpu.sem_alloc : memref<!tpu.dma_semaphore, #tpu.memory_space<semaphore_mem>>
        %dma_start3A_105 = arith.constant 0 : i32
        %dma_start3A_106 = tpu.memref_slice %arg4[%add3A_104, %dma_start3A_105] : memref<163840x128xf32, #tpu.memory_space<hbm>> -> memref<128x128xf32, #tpu.memory_space<hbm>>
        %dma_start3A_107 = arith.constant 0 : i32
        %dma_start3A_108 = tpu.memref_slice %arg4[%add3A_104, %dma_start3A_107] : memref<163840x128xf32, #tpu.memory_space<hbm>> -> memref<128x128xf32, #tpu.memory_space<hbm>>
        tpu.enqueue_dma source(%arg9 : memref<128x128xf32, #tpu.memory_space<vmem>>) target(%dma_start3A_108 : memref<128x128xf32, #tpu.memory_space<hbm>>) target_semaphore(%run_scoped3A : memref<!tpu.dma_semaphore, #tpu.memory_space<semaphore_mem>>)
        %dma_wait3A_109 = arith.constant 0 : i32
        %dma_wait3A_110 = tpu.memref_slice %arg4[%add3A_104, %dma_wait3A_109] : memref<163840x128xf32, #tpu.memory_space<hbm>> -> memref<128x128xf32, #tpu.memory_space<hbm>>
        %dma_wait3A_111 = arith.constant 0 : i32
        %dma_wait3A_112 = tpu.memref_slice %arg4[%add3A_104, %dma_wait3A_111] : memref<163840x128xf32, #tpu.memory_space<hbm>> -> memref<128x128xf32, #tpu.memory_space<hbm>>
        tpu.wait_dma2 semaphore(%run_scoped3A : memref<!tpu.dma_semaphore, #tpu.memory_space<semaphore_mem>>) src(%arg9 : memref<128x128xf32, #tpu.memory_space<vmem>>) dst(%dma_wait3A_112 : memref<128x128xf32, #tpu.memory_space<hbm>>)
        tpu.yield
      }) : () -> ()
    }
    %scan3A_5 = arith.constant 10 : i32
    return
  }
}

#map = affine_map<(d0, d1) -> (0, 0)>
#map1 = affine_map<(d0, d1) -> (0, 0, 0)>
module attributes {stable_mosaic.version = 14 : i64} {
  func.func @_sc_scatter_body(%arg0: i32, %arg1: i32, %arg2: memref<163840x128xf32, #tpu.memory_space<hbm>>, %arg3: memref<32x40x128xi32, #tpu.memory_space<hbm>>, %arg4: memref<10240x128xf32, #tpu.memory_space<hbm>>, %arg5: memref<2x10240x128xf32, #tpu.memory_space<hbm>>, %arg6: memref<40x128xi32, #tpu.memory_space<vmem>>, %arg7: memref<128x128xf32, #tpu.memory_space<vmem>>, %arg8: memref<10240x128xf32, #tpu.memory_space<vmem_shared>>, %arg9: memref<!tpu.dma_semaphore, #tpu.memory_space<semaphore_mem>>) attributes {dimension_semantics = [#tpu.dimension_semantics<core_parallel>, #tpu.dimension_semantics<subcore_parallel>], iteration_bounds = array<i64: 2, 16>, scalar_prefetch = 0 : i64, scratch_operands = 4 : i64, tpu.core_type = #tpu.core_type<sc_vector_subcore>, window_params = [{transform_indices = #map}, {transform_indices = #map1}, {transform_indices = #map}, {transform_indices = #map1}]} {
    %mul3A = arith.constant 2 : i32
    %mul3A_0 = arith.muli %arg1, %mul3A : i32
    %add3A = arith.addi %mul3A_0, %arg0 : i32
    %eq3A = arith.constant 0 : i32
    %eq3A_1 = arith.cmpi eq, %arg1, %eq3A : i32
    %convert_element_type3A = arith.extui %eq3A_1 : i1 to i32
    %cond3A = arith.constant 0 : i32
    %cond3A_2 = arith.cmpi ne, %convert_element_type3A, %cond3A : i32
    scf.if %cond3A_2 {
      "tpu.region"() ({
        %run_scoped3A = tpu.sem_alloc : memref<!tpu.dma_semaphore, #tpu.memory_space<semaphore_mem>>
        tpu.enqueue_dma source(%arg4 : memref<10240x128xf32, #tpu.memory_space<hbm>>) target(%arg8 : memref<10240x128xf32, #tpu.memory_space<vmem_shared>>) target_semaphore(%run_scoped3A : memref<!tpu.dma_semaphore, #tpu.memory_space<semaphore_mem>>)
        tpu.wait_dma2 semaphore(%run_scoped3A : memref<!tpu.dma_semaphore, #tpu.memory_space<semaphore_mem>>) src(%arg4 : memref<10240x128xf32, #tpu.memory_space<hbm>>) dst(%arg8 : memref<10240x128xf32, #tpu.memory_space<vmem_shared>>)
        tpu.yield
      }) : () -> ()
    } else {
    }
    %barrier3A = arith.constant 0 : index
    tpu.barrier barrier_id(%barrier3A)
    "tpu.region"() ({
      %run_scoped3A = tpu.sem_alloc : memref<!tpu.dma_semaphore, #tpu.memory_space<semaphore_mem>>
      %dma_start3A = arith.constant 0 : i32
      %dma_start3A_13 = arith.constant 0 : i32
      %dma_start3A_14 = tpu.memref_slice %arg3[%add3A, %dma_start3A, %dma_start3A_13] : memref<32x40x128xi32, #tpu.memory_space<hbm>> -> memref<1x40x128xi32, #tpu.memory_space<hbm>>
      %dma_start3A_15 = tpu.memref_squeeze %dma_start3A_14 : memref<1x40x128xi32, #tpu.memory_space<hbm>> -> memref<40x128xi32, #tpu.memory_space<hbm>>
      %dma_start3A_16 = arith.constant 0 : i32
      %dma_start3A_17 = arith.constant 0 : i32
      %dma_start3A_18 = tpu.memref_slice %arg3[%add3A, %dma_start3A_16, %dma_start3A_17] : memref<32x40x128xi32, #tpu.memory_space<hbm>> -> memref<1x40x128xi32, #tpu.memory_space<hbm>>
      %dma_start3A_19 = tpu.memref_squeeze %dma_start3A_18 : memref<1x40x128xi32, #tpu.memory_space<hbm>> -> memref<40x128xi32, #tpu.memory_space<hbm>>
      tpu.enqueue_dma source(%dma_start3A_19 : memref<40x128xi32, #tpu.memory_space<hbm>>) target(%arg6 : memref<40x128xi32, #tpu.memory_space<vmem>>) target_semaphore(%run_scoped3A : memref<!tpu.dma_semaphore, #tpu.memory_space<semaphore_mem>>)
      %dma_wait3A = arith.constant 0 : i32
      %dma_wait3A_20 = arith.constant 0 : i32
      %dma_wait3A_21 = tpu.memref_slice %arg3[%add3A, %dma_wait3A, %dma_wait3A_20] : memref<32x40x128xi32, #tpu.memory_space<hbm>> -> memref<1x40x128xi32, #tpu.memory_space<hbm>>
      %dma_wait3A_22 = tpu.memref_squeeze %dma_wait3A_21 : memref<1x40x128xi32, #tpu.memory_space<hbm>> -> memref<40x128xi32, #tpu.memory_space<hbm>>
      %dma_wait3A_23 = arith.constant 0 : i32
      %dma_wait3A_24 = arith.constant 0 : i32
      %dma_wait3A_25 = tpu.memref_slice %arg3[%add3A, %dma_wait3A_23, %dma_wait3A_24] : memref<32x40x128xi32, #tpu.memory_space<hbm>> -> memref<1x40x128xi32, #tpu.memory_space<hbm>>
      %dma_wait3A_26 = tpu.memref_squeeze %dma_wait3A_25 : memref<1x40x128xi32, #tpu.memory_space<hbm>> -> memref<40x128xi32, #tpu.memory_space<hbm>>
      tpu.wait_dma2 semaphore(%run_scoped3A : memref<!tpu.dma_semaphore, #tpu.memory_space<semaphore_mem>>) src(%dma_wait3A_26 : memref<40x128xi32, #tpu.memory_space<hbm>>) dst(%arg6 : memref<40x128xi32, #tpu.memory_space<vmem>>)
      tpu.yield
    }) : () -> ()
    %scan3A = arith.constant 0 : i32
    %scan3A_3 = arith.constant 0 : i32
    %scan3A_4 = arith.constant 40 : i32
    %scan3A_5 = arith.addi %scan3A_3, %scan3A_4 : i32
    %scan3A_6 = arith.constant 1 : i32
    scf.for %scan3A_13 = %scan3A_3 to %scan3A_5 step %scan3A_6  : i32 {
      %mul3A_14 = arith.constant 5120 : i32
      %mul3A_15 = arith.muli %add3A, %mul3A_14 : i32
      %mul3A_16 = arith.constant 128 : i32
      %mul3A_17 = arith.muli %scan3A_13, %mul3A_16 : i32
      %add3A_18 = arith.addi %mul3A_15, %mul3A_17 : i32
      "tpu.region"() ({
        %run_scoped3A = tpu.sem_alloc : memref<!tpu.dma_semaphore, #tpu.memory_space<semaphore_mem>>
        %dma_start3A = arith.constant 0 : i32
        %dma_start3A_19 = tpu.memref_slice %arg2[%add3A_18, %dma_start3A] : memref<163840x128xf32, #tpu.memory_space<hbm>> -> memref<128x128xf32, #tpu.memory_space<hbm>>
        %dma_start3A_20 = arith.constant 0 : i32
        %dma_start3A_21 = tpu.memref_slice %arg2[%add3A_18, %dma_start3A_20] : memref<163840x128xf32, #tpu.memory_space<hbm>> -> memref<128x128xf32, #tpu.memory_space<hbm>>
        tpu.enqueue_dma source(%dma_start3A_21 : memref<128x128xf32, #tpu.memory_space<hbm>>) target(%arg7 : memref<128x128xf32, #tpu.memory_space<vmem>>) target_semaphore(%run_scoped3A : memref<!tpu.dma_semaphore, #tpu.memory_space<semaphore_mem>>)
        %dma_wait3A = arith.constant 0 : i32
        %dma_wait3A_22 = tpu.memref_slice %arg2[%add3A_18, %dma_wait3A] : memref<163840x128xf32, #tpu.memory_space<hbm>> -> memref<128x128xf32, #tpu.memory_space<hbm>>
        %dma_wait3A_23 = arith.constant 0 : i32
        %dma_wait3A_24 = tpu.memref_slice %arg2[%add3A_18, %dma_wait3A_23] : memref<163840x128xf32, #tpu.memory_space<hbm>> -> memref<128x128xf32, #tpu.memory_space<hbm>>
        tpu.wait_dma2 semaphore(%run_scoped3A : memref<!tpu.dma_semaphore, #tpu.memory_space<semaphore_mem>>) src(%dma_wait3A_24 : memref<128x128xf32, #tpu.memory_space<hbm>>) dst(%arg7 : memref<128x128xf32, #tpu.memory_space<vmem>>)
        tpu.yield
      }) : () -> ()
      "tpu.region"() ({
        %run_scoped3A = tpu.sem_alloc : memref<!tpu.dma_semaphore, #tpu.memory_space<semaphore_mem>>
        %dma_start3A = arith.constant 0 : i32
        %dma_start3A_19 = tpu.memref_slice %arg6[%scan3A_13, %dma_start3A] : memref<40x128xi32, #tpu.memory_space<vmem>> -> memref<1x128xi32, #tpu.memory_space<vmem>>
        %dma_start3A_20 = tpu.memref_squeeze %dma_start3A_19 : memref<1x128xi32, #tpu.memory_space<vmem>> -> memref<128xi32, #tpu.memory_space<vmem>>
        %dma_start3A_21 = arith.constant 0 : i32
        %dma_start3A_22 = arith.constant 0 : i32
        %dma_start3A_23 = tpu.memref_slice %arg8[%dma_start3A_21, %dma_start3A_22] : memref<10240x128xf32, #tpu.memory_space<vmem_shared>> -> memref<10240x128xf32, #tpu.memory_space<vmem_shared>>
        tpu.enqueue_indirect_dma source(%arg7 : memref<128x128xf32, #tpu.memory_space<vmem>>) target(%dma_start3A_23 : memref<10240x128xf32, #tpu.memory_space<vmem_shared>>) offsets(%dma_start3A_20 : memref<128xi32, #tpu.memory_space<vmem>>) semaphore(%run_scoped3A : memref<!tpu.dma_semaphore, #tpu.memory_space<semaphore_mem>>) {add = true}
        %dma_wait3A = arith.constant 0 : i32
        %dma_wait3A_24 = tpu.memref_slice %arg6[%scan3A_13, %dma_wait3A] : memref<40x128xi32, #tpu.memory_space<vmem>> -> memref<1x128xi32, #tpu.memory_space<vmem>>
        %dma_wait3A_25 = tpu.memref_squeeze %dma_wait3A_24 : memref<1x128xi32, #tpu.memory_space<vmem>> -> memref<128xi32, #tpu.memory_space<vmem>>
        %dma_wait3A_26 = arith.constant 0 : i32
        %dma_wait3A_27 = arith.constant 0 : i32
        %dma_wait3A_28 = tpu.memref_slice %arg8[%dma_wait3A_26, %dma_wait3A_27] : memref<10240x128xf32, #tpu.memory_space<vmem_shared>> -> memref<10240x128xf32, #tpu.memory_space<vmem_shared>>
        tpu.wait_indirect_dma semaphore(%run_scoped3A : memref<!tpu.dma_semaphore, #tpu.memory_space<semaphore_mem>>) src(%arg7 : memref<128x128xf32, #tpu.memory_space<vmem>>) dst(%dma_wait3A_28 : memref<10240x128xf32, #tpu.memory_space<vmem_shared>>)
        tpu.yield
      }) : () -> ()
    }
    %scan3A_7 = arith.constant 40 : i32
    %barrier3A_8 = arith.constant 0 : index
    tpu.barrier barrier_id(%barrier3A_8)
    %mul3A_9 = arith.constant 640 : i32
    %mul3A_10 = arith.muli %arg1, %mul3A_9 : i32
    %mul3A_11 = arith.constant 640 : i32
    %mul3A_12 = arith.muli %arg1, %mul3A_11 : i32
    "tpu.region"() ({
      %run_scoped3A = tpu.sem_alloc : memref<!tpu.dma_semaphore, #tpu.memory_space<semaphore_mem>>
      %dma_start3A = arith.constant 0 : i32
      %dma_start3A_13 = tpu.memref_slice %arg5[%arg0, %mul3A_12, %dma_start3A] : memref<2x10240x128xf32, #tpu.memory_space<hbm>> -> memref<1x640x128xf32, #tpu.memory_space<hbm>>
      %dma_start3A_14 = tpu.memref_squeeze %dma_start3A_13 : memref<1x640x128xf32, #tpu.memory_space<hbm>> -> memref<640x128xf32, #tpu.memory_space<hbm>>
      %dma_start3A_15 = arith.constant 0 : i32
      %dma_start3A_16 = tpu.memref_slice %arg8[%mul3A_10, %dma_start3A_15] : memref<10240x128xf32, #tpu.memory_space<vmem_shared>> -> memref<640x128xf32, #tpu.memory_space<vmem_shared>>
      tpu.enqueue_dma source(%dma_start3A_16 : memref<640x128xf32, #tpu.memory_space<vmem_shared>>) target(%dma_start3A_14 : memref<640x128xf32, #tpu.memory_space<hbm>>) target_semaphore(%run_scoped3A : memref<!tpu.dma_semaphore, #tpu.memory_space<semaphore_mem>>)
      %dma_wait3A = arith.constant 0 : i32
      %dma_wait3A_17 = tpu.memref_slice %arg5[%arg0, %mul3A_12, %dma_wait3A] : memref<2x10240x128xf32, #tpu.memory_space<hbm>> -> memref<1x640x128xf32, #tpu.memory_space<hbm>>
      %dma_wait3A_18 = tpu.memref_squeeze %dma_wait3A_17 : memref<1x640x128xf32, #tpu.memory_space<hbm>> -> memref<640x128xf32, #tpu.memory_space<hbm>>
      %dma_wait3A_19 = arith.constant 0 : i32
      %dma_wait3A_20 = tpu.memref_slice %arg8[%mul3A_10, %dma_wait3A_19] : memref<10240x128xf32, #tpu.memory_space<vmem_shared>> -> memref<640x128xf32, #tpu.memory_space<vmem_shared>>
      tpu.wait_dma2 semaphore(%run_scoped3A : memref<!tpu.dma_semaphore, #tpu.memory_space<semaphore_mem>>) src(%dma_wait3A_20 : memref<640x128xf32, #tpu.memory_space<vmem_shared>>) dst(%dma_wait3A_18 : memref<640x128xf32, #tpu.memory_space<hbm>>)
      tpu.yield
    }) : () -> ()
    return
  }
}

module attributes {stable_mosaic.version = 14 : i64} {
  func.func @_node_mlp_body(%arg0: memref<10000x128xf32, #tpu.memory_space<vmem>>, %arg1: memref<128x32xf32, #tpu.memory_space<vmem>>, %arg2: memref<1x32xf32, #tpu.memory_space<vmem>>, %arg3: memref<10000x128xf32, #tpu.memory_space<vmem>>) attributes {dimension_semantics = [], scalar_prefetch = 0 : i64, scratch_operands = 0 : i64, tpu.core_type = #tpu.core_type<tc>} {
    %get3A = arith.constant 0 : index
    %get3A_0 = arith.constant 0 : index
    %get3A_1 = vector.load %arg0[%get3A, %get3A_0] : memref<10000x128xf32, #tpu.memory_space<vmem>>, vector<10000x128xf32>
    %get3A_2 = arith.constant 0 : index
    %get3A_3 = arith.constant 0 : index
    %get3A_4 = vector.load %arg1[%get3A_2, %get3A_3] : memref<128x32xf32, #tpu.memory_space<vmem>>, vector<128x32xf32>
    %dot_general3A = arith.constant dense<0.000000e+00> : vector<10000x32xf32>
    %dot_general3A_5 = tpu.matmul %get3A_1, %get3A_4, %dot_general3A {dimension_numbers = #tpu.dot_dimension_numbers<[1], [0], [0], [1], [0, 0, 1, 1], [], []>, transpose_lhs_hint = false} : vector<10000x128xf32>, vector<128x32xf32>, vector<10000x32xf32> -> vector<10000x32xf32>
    %get3A_6 = arith.constant 0 : index
    %get3A_7 = arith.constant 0 : index
    %get3A_8 = vector.load %arg2[%get3A_6, %get3A_7] : memref<1x32xf32, #tpu.memory_space<vmem>>, vector<1x32xf32>
    %add3A = vector.broadcast %get3A_8 : vector<1x32xf32> to vector<10000x32xf32>
    %add3A_9 = arith.addf %dot_general3A_5, %add3A : vector<10000x32xf32>
    %max3A = arith.constant 0.000000e+00 : f32
    %max3A_10 = vector.broadcast %max3A : f32 to vector<10000x32xf32>
    %max3A_11 = arith.maximumf %add3A_9, %max3A_10 : vector<10000x32xf32>
    %broadcast_in_dim3A = arith.constant 0.000000e+00 : f32
    %broadcast_in_dim3A_12 = vector.broadcast %broadcast_in_dim3A : f32 to vector<10000x96xf32>
    %concatenate3A = tpu.concatenate %max3A_11, %broadcast_in_dim3A_12 in 1 : vector<10000x32xf32>, vector<10000x96xf32> -> vector<10000x128xf32>
    %swap3A = arith.constant 0 : index
    %swap3A_13 = arith.constant 0 : index
    %swap3A_14 = vector.load %arg3[%swap3A, %swap3A_13] : memref<10000x128xf32, #tpu.memory_space<vmem>>, vector<10000x128xf32>
    tpu.vector_store %arg3[%swap3A, %swap3A_13], %concatenate3A {strides = array<i32>} : memref<10000x128xf32, #tpu.memory_space<vmem>>, vector<10000x128xf32>,
    return
  }
}

module attributes {stable_mosaic.version = 14 : i64} {
  func.func @_msg_body(%arg0: i32, %arg1: memref<1024x16xf32, #tpu.memory_space<vmem>>, %arg2: memref<1024x128xf32, #tpu.memory_space<vmem>>, %arg3: memref<16x1024xf32, #tpu.memory_space<vmem>>, %arg4: memref<1x1024xf32, #tpu.memory_space<vmem>>, %arg5: memref<32x1024xf32, #tpu.memory_space<vmem>>, %arg6: memref<1024x128xf32, #tpu.memory_space<vmem>>) attributes {dimension_semantics = [#tpu.dimension_semantics<arbitrary>], iteration_bounds = array<i64: 160>, scalar_prefetch = 0 : i64, scratch_operands = 0 : i64, tpu.core_type = #tpu.core_type<tc>, window_params = [{transform_indices = @transform_0, window_bounds = array<i64: 1024, 16>}, {transform_indices = @transform_1, window_bounds = array<i64: 1024, 128>}, {pipeline_mode = #tpu.pipeline_mode<synchronous>, transform_indices = @transform_2, window_bounds = array<i64: 16, 1024>}, {pipeline_mode = #tpu.pipeline_mode<synchronous>, transform_indices = @transform_3, window_bounds = array<i64: 1, 1024>}, {pipeline_mode = #tpu.pipeline_mode<synchronous>, transform_indices = @transform_4, window_bounds = array<i64: 32, 1024>}, {transform_indices = @transform_5, window_bounds = array<i64: 1024, 128>}]} {
    %get3A = arith.constant 0 : index
    %get3A_0 = arith.constant 0 : index
    %get3A_1 = vector.load %arg1[%get3A, %get3A_0] : memref<1024x16xf32, #tpu.memory_space<vmem>>, vector<1024x16xf32>
    %get3A_2 = arith.constant 0 : index
    %get3A_3 = arith.constant 0 : index
    %get3A_4 = vector.load %arg3[%get3A_2, %get3A_3] : memref<16x1024xf32, #tpu.memory_space<vmem>>, vector<16x1024xf32>
    %dot_general3A = arith.constant dense<0.000000e+00> : vector<1024x1024xf32>
    %dot_general3A_5 = tpu.matmul %get3A_1, %get3A_4, %dot_general3A {dimension_numbers = #tpu.dot_dimension_numbers<[1], [0], [0], [1], [0, 0, 1, 1], [], []>, transpose_lhs_hint = false} : vector<1024x16xf32>, vector<16x1024xf32>, vector<1024x1024xf32> -> vector<1024x1024xf32>
    %get3A_6 = arith.constant 0 : index
    %get3A_7 = arith.constant 0 : index
    %get3A_8 = vector.load %arg4[%get3A_6, %get3A_7] : memref<1x1024xf32, #tpu.memory_space<vmem>>, vector<1x1024xf32>
    %add3A = vector.broadcast %get3A_8 : vector<1x1024xf32> to vector<1024x1024xf32>
    %add3A_9 = arith.addf %dot_general3A_5, %add3A : vector<1024x1024xf32>
    %max3A = arith.constant 0.000000e+00 : f32
    %max3A_10 = vector.broadcast %max3A : f32 to vector<1024x1024xf32>
    %max3A_11 = arith.maximumf %add3A_9, %max3A_10 : vector<1024x1024xf32>
    %get3A_12 = arith.constant 0 : index
    %get3A_13 = arith.constant 0 : index
    %get3A_14 = vector.load %arg2[%get3A_12, %get3A_13] : memref<1024x128xf32, #tpu.memory_space<vmem>>, vector<1024x32xf32>
    %get3A_15 = arith.constant 0 : index
    %get3A_16 = arith.constant 0 : index
    %get3A_17 = vector.load %arg5[%get3A_15, %get3A_16] : memref<32x1024xf32, #tpu.memory_space<vmem>>, vector<32x1024xf32>
    %dot_general3A_18 = arith.constant dense<0.000000e+00> : vector<1024x1024xf32>
    %dot_general3A_19 = tpu.matmul %get3A_14, %get3A_17, %dot_general3A_18 {dimension_numbers = #tpu.dot_dimension_numbers<[1], [0], [0], [1], [0, 0, 1, 1], [], []>, transpose_lhs_hint = false} : vector<1024x32xf32>, vector<32x1024xf32>, vector<1024x1024xf32> -> vector<1024x1024xf32>
    %slice3A = vector.extract_strided_slice %max3A_11 {offsets = [0, 0], sizes = [1024, 128], strides = [1, 1]} : vector<1024x1024xf32> to vector<1024x128xf32>
    %slice3A_20 = vector.extract_strided_slice %dot_general3A_19 {offsets = [0, 0], sizes = [1024, 128], strides = [1, 1]} : vector<1024x1024xf32> to vector<1024x128xf32>
    %mul3A = arith.mulf %slice3A, %slice3A_20 : vector<1024x128xf32>
    %slice3A_21 = vector.extract_strided_slice %max3A_11 {offsets = [0, 128], sizes = [1024, 128], strides = [1, 1]} : vector<1024x1024xf32> to vector<1024x128xf32>
    %slice3A_22 = vector.extract_strided_slice %dot_general3A_19 {offsets = [0, 128], sizes = [1024, 128], strides = [1, 1]} : vector<1024x1024xf32> to vector<1024x128xf32>
    %mul3A_23 = arith.mulf %slice3A_21, %slice3A_22 : vector<1024x128xf32>
    %add3A_24 = arith.addf %mul3A, %mul3A_23 : vector<1024x128xf32>
    %slice3A_25 = vector.extract_strided_slice %max3A_11 {offsets = [0, 256], sizes = [1024, 128], strides = [1, 1]} : vector<1024x1024xf32> to vector<1024x128xf32>
    %slice3A_26 = vector.extract_strided_slice %dot_general3A_19 {offsets = [0, 256], sizes = [1024, 128], strides = [1, 1]} : vector<1024x1024xf32> to vector<1024x128xf32>
    %mul3A_27 = arith.mulf %slice3A_25, %slice3A_26 : vector<1024x128xf32>
    %add3A_28 = arith.addf %add3A_24, %mul3A_27 : vector<1024x128xf32>
    %slice3A_29 = vector.extract_strided_slice %max3A_11 {offsets = [0, 384], sizes = [1024, 128], strides = [1, 1]} : vector<1024x1024xf32> to vector<1024x128xf32>
    %slice3A_30 = vector.extract_strided_slice %dot_general3A_19 {offsets = [0, 384], sizes = [1024, 128], strides = [1, 1]} : vector<1024x1024xf32> to vector<1024x128xf32>
    %mul3A_31 = arith.mulf %slice3A_29, %slice3A_30 : vector<1024x128xf32>
    %add3A_32 = arith.addf %add3A_28, %mul3A_31 : vector<1024x128xf32>
    %slice3A_33 = vector.extract_strided_slice %max3A_11 {offsets = [0, 512], sizes = [1024, 128], strides = [1, 1]} : vector<1024x1024xf32> to vector<1024x128xf32>
    %slice3A_34 = vector.extract_strided_slice %dot_general3A_19 {offsets = [0, 512], sizes = [1024, 128], strides = [1, 1]} : vector<1024x1024xf32> to vector<1024x128xf32>
    %mul3A_35 = arith.mulf %slice3A_33, %slice3A_34 : vector<1024x128xf32>
    %add3A_36 = arith.addf %add3A_32, %mul3A_35 : vector<1024x128xf32>
    %slice3A_37 = vector.extract_strided_slice %max3A_11 {offsets = [0, 640], sizes = [1024, 128], strides = [1, 1]} : vector<1024x1024xf32> to vector<1024x128xf32>
    %slice3A_38 = vector.extract_strided_slice %dot_general3A_19 {offsets = [0, 640], sizes = [1024, 128], strides = [1, 1]} : vector<1024x1024xf32> to vector<1024x128xf32>
    %mul3A_39 = arith.mulf %slice3A_37, %slice3A_38 : vector<1024x128xf32>
    %add3A_40 = arith.addf %add3A_36, %mul3A_39 : vector<1024x128xf32>
    %slice3A_41 = vector.extract_strided_slice %max3A_11 {offsets = [0, 768], sizes = [1024, 128], strides = [1, 1]} : vector<1024x1024xf32> to vector<1024x128xf32>
    %slice3A_42 = vector.extract_strided_slice %dot_general3A_19 {offsets = [0, 768], sizes = [1024, 128], strides = [1, 1]} : vector<1024x1024xf32> to vector<1024x128xf32>
    %mul3A_43 = arith.mulf %slice3A_41, %slice3A_42 : vector<1024x128xf32>
    %add3A_44 = arith.addf %add3A_40, %mul3A_43 : vector<1024x128xf32>
    %slice3A_45 = vector.extract_strided_slice %max3A_11 {offsets = [0, 896], sizes = [1024, 128], strides = [1, 1]} : vector<1024x1024xf32> to vector<1024x128xf32>
    %slice3A_46 = vector.extract_strided_slice %dot_general3A_19 {offsets = [0, 896], sizes = [1024, 128], strides = [1, 1]} : vector<1024x1024xf32> to vector<1024x128xf32>
    %mul3A_47 = arith.mulf %slice3A_45, %slice3A_46 : vector<1024x128xf32>
    %add3A_48 = arith.addf %add3A_44, %mul3A_47 : vector<1024x128xf32>
    %slice3A_49 = vector.extract_strided_slice %add3A_48 {offsets = [0, 0], sizes = [1024, 32], strides = [1, 1]} : vector<1024x128xf32> to vector<1024x32xf32>
    %slice3A_50 = vector.extract_strided_slice %add3A_48 {offsets = [0, 32], sizes = [1024, 32], strides = [1, 1]} : vector<1024x128xf32> to vector<1024x32xf32>
    %add3A_51 = arith.addf %slice3A_49, %slice3A_50 : vector<1024x32xf32>
    %slice3A_52 = vector.extract_strided_slice %add3A_48 {offsets = [0, 64], sizes = [1024, 32], strides = [1, 1]} : vector<1024x128xf32> to vector<1024x32xf32>
    %add3A_53 = arith.addf %add3A_51, %slice3A_52 : vector<1024x32xf32>
    %slice3A_54 = vector.extract_strided_slice %add3A_48 {offsets = [0, 96], sizes = [1024, 32], strides = [1, 1]} : vector<1024x128xf32> to vector<1024x32xf32>
    %add3A_55 = arith.addf %add3A_53, %slice3A_54 : vector<1024x32xf32>
    %broadcast_in_dim3A = arith.constant 0.000000e+00 : f32
    %broadcast_in_dim3A_56 = vector.broadcast %broadcast_in_dim3A : f32 to vector<1024x96xf32>
    %concatenate3A = tpu.concatenate %add3A_55, %broadcast_in_dim3A_56 in 1 : vector<1024x32xf32>, vector<1024x96xf32> -> vector<1024x128xf32>
    %swap3A = arith.constant 0 : index
    %swap3A_57 = arith.constant 0 : index
    %swap3A_58 = vector.load %arg6[%swap3A, %swap3A_57] : memref<1024x128xf32, #tpu.memory_space<vmem>>, vector<1024x128xf32>
    tpu.vector_store %arg6[%swap3A, %swap3A_57], %concatenate3A {strides = array<i32>} : memref<1024x128xf32, #tpu.memory_space<vmem>>, vector<1024x128xf32>,
    return
  }
  func.func @transform_0(%arg0: i32) -> (i32, i32) {
    %c0_i32 = arith.constant 0 : i32
    %c0_i32_0 = arith.constant 0 : i32
    return %arg0, %c0_i32 : i32, i32
  }
  func.func @transform_1(%arg0: i32) -> (i32, i32) {
    %c0_i32 = arith.constant 0 : i32
    %c0_i32_0 = arith.constant 0 : i32
    return %arg0, %c0_i32 : i32, i32
  }
  func.func @transform_2(%arg0: i32) -> (i32, i32) {
    %c0_i32 = arith.constant 0 : i32
    %c0_i32_0 = arith.constant 0 : i32
    %c0_i32_1 = arith.constant 0 : i32
    return %c0_i32, %c0_i32_0 : i32, i32
  }
  func.func @transform_3(%arg0: i32) -> (i32, i32) {
    %c0_i32 = arith.constant 0 : i32
    %c0_i32_0 = arith.constant 0 : i32
    %c0_i32_1 = arith.constant 0 : i32
    return %c0_i32, %c0_i32_0 : i32, i32
  }
  func.func @transform_4(%arg0: i32) -> (i32, i32) {
    %c0_i32 = arith.constant 0 : i32
    %c0_i32_0 = arith.constant 0 : i32
    %c0_i32_1 = arith.constant 0 : i32
    return %c0_i32, %c0_i32_0 : i32, i32
  }
  func.func @transform_5(%arg0: i32) -> (i32, i32) {
    %c0_i32 = arith.constant 0 : i32
    %c0_i32_0 = arith.constant 0 : i32
    return %arg0, %c0_i32 : i32, i32
  }
}

module attributes {stable_mosaic.version = 14 : i64} {
  func.func @_gru_body(%arg0: memref<2x10240x128xf32, #tpu.memory_space<vmem>>, %arg1: memref<10000x128xf32, #tpu.memory_space<vmem>>, %arg2: memref<32x32xf32, #tpu.memory_space<vmem>>, %arg3: memref<1x32xf32, #tpu.memory_space<vmem>>, %arg4: memref<32x96xf32, #tpu.memory_space<vmem>>, %arg5: memref<1x96xf32, #tpu.memory_space<vmem>>, %arg6: memref<32x96xf32, #tpu.memory_space<vmem>>, %arg7: memref<1x96xf32, #tpu.memory_space<vmem>>, %arg8: memref<10000x128xf32, #tpu.memory_space<vmem>>) attributes {dimension_semantics = [], scalar_prefetch = 0 : i64, scratch_operands = 0 : i64, tpu.core_type = #tpu.core_type<tc>} {
    %get3A = arith.constant 0 : index
    %get3A_0 = arith.constant 0 : index
    %get3A_1 = vector.load %arg1[%get3A, %get3A_0] : memref<10000x128xf32, #tpu.memory_space<vmem>>, vector<10000x32xf32>
    %get3A_2 = arith.constant 0 : index
    %get3A_3 = arith.constant 0 : index
    %get3A_4 = arith.constant 0 : index
    %get3A_5 = vector.load %arg0[%get3A_2, %get3A_3, %get3A_4] : memref<2x10240x128xf32, #tpu.memory_space<vmem>>, vector<1x10000x32xf32>
    %get3A_6 = vector.shape_cast %get3A_5 : vector<1x10000x32xf32> to vector<10000x32xf32>
    %get3A_7 = arith.constant 1 : index
    %get3A_8 = arith.constant 0 : index
    %get3A_9 = arith.constant 0 : index
    %get3A_10 = vector.load %arg0[%get3A_7, %get3A_8, %get3A_9] : memref<2x10240x128xf32, #tpu.memory_space<vmem>>, vector<1x10000x32xf32>
    %get3A_11 = vector.shape_cast %get3A_10 : vector<1x10000x32xf32> to vector<10000x32xf32>
    %add3A = arith.addf %get3A_6, %get3A_11 : vector<10000x32xf32>
    %get3A_12 = arith.constant 0 : index
    %get3A_13 = arith.constant 0 : index
    %get3A_14 = vector.load %arg2[%get3A_12, %get3A_13] : memref<32x32xf32, #tpu.memory_space<vmem>>, vector<32x32xf32>
    %dot_general3A = arith.constant dense<0.000000e+00> : vector<10000x32xf32>
    %dot_general3A_15 = tpu.matmul %get3A_1, %get3A_14, %dot_general3A {dimension_numbers = #tpu.dot_dimension_numbers<[1], [0], [0], [1], [0, 0, 1, 1], [], []>, transpose_lhs_hint = false} : vector<10000x32xf32>, vector<32x32xf32>, vector<10000x32xf32> -> vector<10000x32xf32>
    %add3A_16 = arith.addf %add3A, %dot_general3A_15 : vector<10000x32xf32>
    %get3A_17 = arith.constant 0 : index
    %get3A_18 = arith.constant 0 : index
    %get3A_19 = vector.load %arg3[%get3A_17, %get3A_18] : memref<1x32xf32, #tpu.memory_space<vmem>>, vector<1x32xf32>
    %add3A_20 = vector.broadcast %get3A_19 : vector<1x32xf32> to vector<10000x32xf32>
    %add3A_21 = arith.addf %add3A_16, %add3A_20 : vector<10000x32xf32>
    %max3A = arith.constant 0.000000e+00 : f32
    %max3A_22 = vector.broadcast %max3A : f32 to vector<10000x32xf32>
    %max3A_23 = arith.maximumf %add3A_21, %max3A_22 : vector<10000x32xf32>
    %get3A_24 = arith.constant 0 : index
    %get3A_25 = arith.constant 0 : index
    %get3A_26 = vector.load %arg4[%get3A_24, %get3A_25] : memref<32x96xf32, #tpu.memory_space<vmem>>, vector<32x96xf32>
    %dot_general3A_27 = arith.constant dense<0.000000e+00> : vector<10000x96xf32>
    %dot_general3A_28 = tpu.matmul %max3A_23, %get3A_26, %dot_general3A_27 {dimension_numbers = #tpu.dot_dimension_numbers<[1], [0], [0], [1], [0, 0, 1, 1], [], []>, transpose_lhs_hint = false} : vector<10000x32xf32>, vector<32x96xf32>, vector<10000x96xf32> -> vector<10000x96xf32>
    %get3A_29 = arith.constant 0 : index
    %get3A_30 = arith.constant 0 : index
    %get3A_31 = vector.load %arg5[%get3A_29, %get3A_30] : memref<1x96xf32, #tpu.memory_space<vmem>>, vector<1x96xf32>
    %add3A_32 = vector.broadcast %get3A_31 : vector<1x96xf32> to vector<10000x96xf32>
    %add3A_33 = arith.addf %dot_general3A_28, %add3A_32 : vector<10000x96xf32>
    %get3A_34 = arith.constant 0 : index
    %get3A_35 = arith.constant 0 : index
    %get3A_36 = vector.load %arg6[%get3A_34, %get3A_35] : memref<32x96xf32, #tpu.memory_space<vmem>>, vector<32x96xf32>
    %dot_general3A_37 = arith.constant dense<0.000000e+00> : vector<10000x96xf32>
    %dot_general3A_38 = tpu.matmul %get3A_1, %get3A_36, %dot_general3A_37 {dimension_numbers = #tpu.dot_dimension_numbers<[1], [0], [0], [1], [0, 0, 1, 1], [], []>, transpose_lhs_hint = false} : vector<10000x32xf32>, vector<32x96xf32>, vector<10000x96xf32> -> vector<10000x96xf32>
    %get3A_39 = arith.constant 0 : index
    %get3A_40 = arith.constant 0 : index
    %get3A_41 = vector.load %arg7[%get3A_39, %get3A_40] : memref<1x96xf32, #tpu.memory_space<vmem>>, vector<1x96xf32>
    %add3A_42 = vector.broadcast %get3A_41 : vector<1x96xf32> to vector<10000x96xf32>
    %add3A_43 = arith.addf %dot_general3A_38, %add3A_42 : vector<10000x96xf32>
    %slice3A = vector.extract_strided_slice %add3A_33 {offsets = [0, 0], sizes = [10000, 32], strides = [1, 1]} : vector<10000x96xf32> to vector<10000x32xf32>
    %slice3A_44 = vector.extract_strided_slice %add3A_43 {offsets = [0, 0], sizes = [10000, 32], strides = [1, 1]} : vector<10000x96xf32> to vector<10000x32xf32>
    %add3A_45 = arith.addf %slice3A, %slice3A_44 : vector<10000x32xf32>
    %logistic3A = arith.negf %add3A_45 : vector<10000x32xf32>
    %logistic3A_46 = math.exp %logistic3A : vector<10000x32xf32>
    %logistic3A_47 = arith.constant 1.000000e+00 : f32
    %logistic3A_48 = vector.broadcast %logistic3A_47 : f32 to vector<10000x32xf32>
    %logistic3A_49 = arith.addf %logistic3A_48, %logistic3A_46 : vector<10000x32xf32>
    %logistic3A_50 = arith.divf %logistic3A_48, %logistic3A_49 : vector<10000x32xf32>
    %slice3A_51 = vector.extract_strided_slice %add3A_33 {offsets = [0, 32], sizes = [10000, 32], strides = [1, 1]} : vector<10000x96xf32> to vector<10000x32xf32>
    %slice3A_52 = vector.extract_strided_slice %add3A_43 {offsets = [0, 32], sizes = [10000, 32], strides = [1, 1]} : vector<10000x96xf32> to vector<10000x32xf32>
    %add3A_53 = arith.addf %slice3A_51, %slice3A_52 : vector<10000x32xf32>
    %logistic3A_54 = arith.negf %add3A_53 : vector<10000x32xf32>
    %logistic3A_55 = math.exp %logistic3A_54 : vector<10000x32xf32>
    %logistic3A_56 = arith.constant 1.000000e+00 : f32
    %logistic3A_57 = vector.broadcast %logistic3A_56 : f32 to vector<10000x32xf32>
    %logistic3A_58 = arith.addf %logistic3A_57, %logistic3A_55 : vector<10000x32xf32>
    %logistic3A_59 = arith.divf %logistic3A_57, %logistic3A_58 : vector<10000x32xf32>
    %slice3A_60 = vector.extract_strided_slice %add3A_33 {offsets = [0, 64], sizes = [10000, 32], strides = [1, 1]} : vector<10000x96xf32> to vector<10000x32xf32>
    %slice3A_61 = vector.extract_strided_slice %add3A_43 {offsets = [0, 64], sizes = [10000, 32], strides = [1, 1]} : vector<10000x96xf32> to vector<10000x32xf32>
    %mul3A = arith.mulf %logistic3A_50, %slice3A_61 : vector<10000x32xf32>
    %add3A_62 = arith.addf %slice3A_60, %mul3A : vector<10000x32xf32>
    %tanh3A = math.tanh %add3A_62 : vector<10000x32xf32>
    %sub3A = arith.constant 1.000000e+00 : f32
    %sub3A_63 = vector.broadcast %sub3A : f32 to vector<10000x32xf32>
    %sub3A_64 = arith.subf %sub3A_63, %logistic3A_59 : vector<10000x32xf32>
    %mul3A_65 = arith.mulf %sub3A_64, %tanh3A : vector<10000x32xf32>
    %mul3A_66 = arith.mulf %logistic3A_59, %get3A_1 : vector<10000x32xf32>
    %add3A_67 = arith.addf %mul3A_65, %mul3A_66 : vector<10000x32xf32>
    %broadcast_in_dim3A = arith.constant 0.000000e+00 : f32
    %broadcast_in_dim3A_68 = vector.broadcast %broadcast_in_dim3A : f32 to vector<10000x96xf32>
    %concatenate3A = tpu.concatenate %add3A_67, %broadcast_in_dim3A_68 in 1 : vector<10000x32xf32>, vector<10000x96xf32> -> vector<10000x128xf32>
    %swap3A = arith.constant 0 : index
    %swap3A_69 = arith.constant 0 : index
    %swap3A_70 = vector.load %arg8[%swap3A, %swap3A_69] : memref<10000x128xf32, #tpu.memory_space<vmem>>, vector<10000x128xf32>
    tpu.vector_store %arg8[%swap3A, %swap3A_69], %concatenate3A {strides = array<i32>} : memref<10000x128xf32, #tpu.memory_space<vmem>>, vector<10000x128xf32>,
    return
  }
}

module attributes {stable_mosaic.version = 14 : i64} {
  func.func @_s2s_body(%arg0: memref<10000x128xf32, #tpu.memory_space<vmem>>, %arg1: memref<10000x128xf32, #tpu.memory_space<vmem>>, %arg2: memref<10000x1xi32, #tpu.memory_space<vmem>>, %arg3: memref<1x128xf32, #tpu.memory_space<vmem>>, %arg4: memref<128x256xf32, #tpu.memory_space<vmem>>, %arg5: memref<1x256xf32, #tpu.memory_space<vmem>>, %arg6: memref<64x256xf32, #tpu.memory_space<vmem>>, %arg7: memref<1x256xf32, #tpu.memory_space<vmem>>, %arg8: memref<128x128xf32, #tpu.memory_space<vmem>>, %arg9: memref<1x128xf32, #tpu.memory_space<vmem>>, %arg10: memref<1x128xf32, #tpu.memory_space<vmem>>, %arg11: memref<1x128xf32, #tpu.memory_space<vmem>>, %arg12: memref<1x1xf32, #tpu.memory_space<vmem>>, %arg13: memref<128x128xf32, #tpu.memory_space<vmem>>, %arg14: memref<128x128xf32, #tpu.memory_space<vmem>>, %arg15: memref<1x128xf32, #tpu.memory_space<vmem>>, %arg16: memref<1x128xf32, #tpu.memory_space<vmem>>, %arg17: memref<1x128xf32, #tpu.memory_space<vmem>>, %arg18: memref<1x1xf32, #tpu.memory_space<vmem>>, %arg19: memref<256x128xf32, #tpu.memory_space<vmem>>) attributes {dimension_semantics = [], scalar_prefetch = 0 : i64, scratch_operands = 0 : i64, tpu.core_type = #tpu.core_type<tc>} {
    %broadcast_in_dim3A = arith.constant 0.000000e+00 : f32
    %broadcast_in_dim3A_0 = vector.broadcast %broadcast_in_dim3A : f32 to vector<256x128xf32>
    %broadcast_in_dim3A_1 = arith.constant 0.000000e+00 : f32
    %broadcast_in_dim3A_2 = vector.broadcast %broadcast_in_dim3A_1 : f32 to vector<256x64xf32>
    %broadcast_in_dim3A_3 = arith.constant 0.000000e+00 : f32
    %broadcast_in_dim3A_4 = vector.broadcast %broadcast_in_dim3A_3 : f32 to vector<256x64xf32>
    %get3A = arith.constant 0 : index
    %get3A_5 = arith.constant 0 : index
    %get3A_6 = vector.load %arg4[%get3A, %get3A_5] : memref<128x256xf32, #tpu.memory_space<vmem>>, vector<128x256xf32>
    %dot_general3A = arith.constant dense<0.000000e+00> : vector<256x256xf32>
    %dot_general3A_7 = tpu.matmul %broadcast_in_dim3A_0, %get3A_6, %dot_general3A {dimension_numbers = #tpu.dot_dimension_numbers<[1], [0], [0], [1], [0, 0, 1, 1], [], []>, transpose_lhs_hint = false} : vector<256x128xf32>, vector<128x256xf32>, vector<256x256xf32> -> vector<256x256xf32>
    %get3A_8 = arith.constant 0 : index
    %get3A_9 = arith.constant 0 : index
    %get3A_10 = vector.load %arg5[%get3A_8, %get3A_9] : memref<1x256xf32, #tpu.memory_space<vmem>>, vector<1x256xf32>
    %add3A = vector.broadcast %get3A_10 : vector<1x256xf32> to vector<256x256xf32>
    %add3A_11 = arith.addf %dot_general3A_7, %add3A : vector<256x256xf32>
    %get3A_12 = arith.constant 0 : index
    %get3A_13 = arith.constant 0 : index
    %get3A_14 = vector.load %arg6[%get3A_12, %get3A_13] : memref<64x256xf32, #tpu.memory_space<vmem>>, vector<64x256xf32>
    %dot_general3A_15 = arith.constant dense<0.000000e+00> : vector<256x256xf32>
    %dot_general3A_16 = tpu.matmul %broadcast_in_dim3A_2, %get3A_14, %dot_general3A_15 {dimension_numbers = #tpu.dot_dimension_numbers<[1], [0], [0], [1], [0, 0, 1, 1], [], []>, transpose_lhs_hint = false} : vector<256x64xf32>, vector<64x256xf32>, vector<256x256xf32> -> vector<256x256xf32>
    %add3A_17 = arith.addf %add3A_11, %dot_general3A_16 : vector<256x256xf32>
    %get3A_18 = arith.constant 0 : index
    %get3A_19 = arith.constant 0 : index
    %get3A_20 = vector.load %arg7[%get3A_18, %get3A_19] : memref<1x256xf32, #tpu.memory_space<vmem>>, vector<1x256xf32>
    %add3A_21 = vector.broadcast %get3A_20 : vector<1x256xf32> to vector<256x256xf32>
    %add3A_22 = arith.addf %add3A_17, %add3A_21 : vector<256x256xf32>
    %slice3A = vector.extract_strided_slice %add3A_22 {offsets = [0, 0], sizes = [256, 64], strides = [1, 1]} : vector<256x256xf32> to vector<256x64xf32>
    %logistic3A = arith.negf %slice3A : vector<256x64xf32>
    %logistic3A_23 = math.exp %logistic3A : vector<256x64xf32>
    %logistic3A_24 = arith.constant 1.000000e+00 : f32
    %logistic3A_25 = vector.broadcast %logistic3A_24 : f32 to vector<256x64xf32>
    %logistic3A_26 = arith.addf %logistic3A_25, %logistic3A_23 : vector<256x64xf32>
    %logistic3A_27 = arith.divf %logistic3A_25, %logistic3A_26 : vector<256x64xf32>
    %slice3A_28 = vector.extract_strided_slice %add3A_22 {offsets = [0, 64], sizes = [256, 64], strides = [1, 1]} : vector<256x256xf32> to vector<256x64xf32>
    %logistic3A_29 = arith.negf %slice3A_28 : vector<256x64xf32>
    %logistic3A_30 = math.exp %logistic3A_29 : vector<256x64xf32>
    %logistic3A_31 = arith.constant 1.000000e+00 : f32
    %logistic3A_32 = vector.broadcast %logistic3A_31 : f32 to vector<256x64xf32>
    %logistic3A_33 = arith.addf %logistic3A_32, %logistic3A_30 : vector<256x64xf32>
    %logistic3A_34 = arith.divf %logistic3A_32, %logistic3A_33 : vector<256x64xf32>
    %slice3A_35 = vector.extract_strided_slice %add3A_22 {offsets = [0, 128], sizes = [256, 64], strides = [1, 1]} : vector<256x256xf32> to vector<256x64xf32>
    %tanh3A = math.tanh %slice3A_35 : vector<256x64xf32>
    %slice3A_36 = vector.extract_strided_slice %add3A_22 {offsets = [0, 192], sizes = [256, 64], strides = [1, 1]} : vector<256x256xf32> to vector<256x64xf32>
    %logistic3A_37 = arith.negf %slice3A_36 : vector<256x64xf32>
    %logistic3A_38 = math.exp %logistic3A_37 : vector<256x64xf32>
    %logistic3A_39 = arith.constant 1.000000e+00 : f32
    %logistic3A_40 = vector.broadcast %logistic3A_39 : f32 to vector<256x64xf32>
    %logistic3A_41 = arith.addf %logistic3A_40, %logistic3A_38 : vector<256x64xf32>
    %logistic3A_42 = arith.divf %logistic3A_40, %logistic3A_41 : vector<256x64xf32>
    %mul3A = arith.mulf %logistic3A_34, %broadcast_in_dim3A_4 : vector<256x64xf32>
    %mul3A_43 = arith.mulf %logistic3A_27, %tanh3A : vector<256x64xf32>
    %add3A_44 = arith.addf %mul3A, %mul3A_43 : vector<256x64xf32>
    %tanh3A_45 = math.tanh %add3A_44 : vector<256x64xf32>
    %mul3A_46 = arith.mulf %logistic3A_42, %tanh3A_45 : vector<256x64xf32>
    %broadcast_in_dim3A_47 = arith.constant -1.000000e+30 : f32
    %broadcast_in_dim3A_48 = vector.broadcast %broadcast_in_dim3A_47 : f32 to vector<1x256xf32>
    %scan3A = arith.constant 0 : i32
    %scan3A_49 = arith.constant 10 : i32
    %scan3A_50 = arith.addi %scan3A, %scan3A_49 : i32
    %scan3A_51 = arith.constant 1 : i32
    %scan3A_52 = scf.for %scan3A_345 = %scan3A to %scan3A_50 step %scan3A_51 iter_args(%scan3A_346 = %broadcast_in_dim3A_48) -> (vector<1x256xf32>)  : i32 {
      %mul3A_347 = arith.constant 1000 : i32
      %mul3A_348 = arith.muli %scan3A_345, %mul3A_347 : i32
      %get3A_349 = arith.index_cast %mul3A_348 : i32 to index
      %get3A_350 = arith.constant 0 : index
      %get3A_351 = vector.load %arg0[%get3A_349, %get3A_350] : memref<10000x128xf32, #tpu.memory_space<vmem>>, vector<1000x32xf32>
      %get3A_352 = arith.index_cast %mul3A_348 : i32 to index
      %get3A_353 = arith.constant 0 : index
      %get3A_354 = vector.load %arg1[%get3A_352, %get3A_353] : memref<10000x128xf32, #tpu.memory_space<vmem>>, vector<1000x32xf32>
      %concatenate3A_355 = tpu.concatenate %get3A_351, %get3A_354 in 1 : vector<1000x32xf32>, vector<1000x32xf32> -> vector<1000x64xf32>
      %iota3A = tpu.iota {dimensions = array<i32: 1>} : vector<1000x256xi32>
      %get3A_356 = arith.index_cast %mul3A_348 : i32 to index
      %get3A_357 = arith.constant 0 : index
      %get3A_358 = vector.load %arg2[%get3A_356, %get3A_357] : memref<10000x1xi32, #tpu.memory_space<vmem>>, vector<1000x1xi32>
      %eq3A = vector.broadcast %get3A_358 : vector<1000x1xi32> to vector<1000x256xi32>
      %eq3A_359 = arith.cmpi eq, %eq3A, %iota3A : vector<1000x256xi32>
      %dot_general3A_360 = arith.constant dense<0.000000e+00> : vector<1000x256xf32>
      %dot_general3A_361 = tpu.matmul %concatenate3A_355, %mul3A_46, %dot_general3A_360 {dimension_numbers = #tpu.dot_dimension_numbers<[1], [1], [0], [0], [0, 0, 1, 0], [], []>, transpose_lhs_hint = false} : vector<1000x64xf32>, vector<256x64xf32>, vector<1000x256xf32> -> vector<1000x256xf32>
      %jit3A_362 = arith.constant -1.000000e+30 : f32
      %broadcast_in_dim3A_363 = vector.broadcast %jit3A_362 : f32 to vector<1000x256xf32>
      %select_n3A_364 = arith.select %eq3A_359, %dot_general3A_361, %broadcast_in_dim3A_363 : vector<1000x256xi1>, vector<1000x256xf32>
      %reduce_max3A = arith.constant dense<0xFF800000> : vector<256xf32>
      %reduce_max3A_365 = vector.multi_reduction <maximumf>, %select_n3A_364, %reduce_max3A [0] : vector<1000x256xf32> to vector<256xf32>
      %broadcast_in_dim3A_366 = vector.shape_cast %reduce_max3A_365 : vector<256xf32> to vector<1x256xf32>
      %max3A = arith.maximumf %scan3A_346, %broadcast_in_dim3A_366 : vector<1x256xf32>
      scf.yield %max3A : vector<1x256xf32>
    }
    %scan3A_53 = arith.constant 10 : i32
    %gt3A = arith.constant -1.000000e+29 : f32
    %gt3A_54 = vector.broadcast %gt3A : f32 to vector<1x256xf32>
    %gt3A_55 = arith.cmpf ogt, %scan3A_52, %gt3A_54 : vector<1x256xf32>
    %jit3A = arith.constant 0.000000e+00 : f32
    %broadcast_in_dim3A_56 = vector.broadcast %jit3A : f32 to vector<1x256xf32>
    %select_n3A = arith.select %gt3A_55, %scan3A_52, %broadcast_in_dim3A_56 : vector<1x256xi1>, vector<1x256xf32>
    %broadcast_in_dim3A_57 = arith.constant 0.000000e+00 : f32
    %broadcast_in_dim3A_58 = vector.broadcast %broadcast_in_dim3A_57 : f32 to vector<256x8xf32>
    %broadcast_in_dim3A_59 = arith.constant 0.000000e+00 : f32
    %broadcast_in_dim3A_60 = vector.broadcast %broadcast_in_dim3A_59 : f32 to vector<256x64xf32>
    %scan3A_61 = arith.constant 0 : i32
    %scan3A_62 = arith.constant 10 : i32
    %scan3A_63 = arith.addi %scan3A_61, %scan3A_62 : i32
    %scan3A_64 = arith.constant 1 : i32
    %scan3A_65:2 = scf.for %scan3A_345 = %scan3A_61 to %scan3A_63 step %scan3A_64 iter_args(%scan3A_346 = %broadcast_in_dim3A_58, %scan3A_347 = %broadcast_in_dim3A_60) -> (vector<256x8xf32>, vector<256x64xf32>)  : i32 {
      %mul3A_348 = arith.constant 1000 : i32
      %mul3A_349 = arith.muli %scan3A_345, %mul3A_348 : i32
      %get3A_350 = arith.index_cast %mul3A_349 : i32 to index
      %get3A_351 = arith.constant 0 : index
      %get3A_352 = vector.load %arg0[%get3A_350, %get3A_351] : memref<10000x128xf32, #tpu.memory_space<vmem>>, vector<1000x32xf32>
      %get3A_353 = arith.index_cast %mul3A_349 : i32 to index
      %get3A_354 = arith.constant 0 : index
      %get3A_355 = vector.load %arg1[%get3A_353, %get3A_354] : memref<10000x128xf32, #tpu.memory_space<vmem>>, vector<1000x32xf32>
      %concatenate3A_356 = tpu.concatenate %get3A_352, %get3A_355 in 1 : vector<1000x32xf32>, vector<1000x32xf32> -> vector<1000x64xf32>
      %iota3A = tpu.iota {dimensions = array<i32: 1>} : vector<1000x256xi32>
      %get3A_357 = arith.index_cast %mul3A_349 : i32 to index
      %get3A_358 = arith.constant 0 : index
      %get3A_359 = vector.load %arg2[%get3A_357, %get3A_358] : memref<10000x1xi32, #tpu.memory_space<vmem>>, vector<1000x1xi32>
      %eq3A = vector.broadcast %get3A_359 : vector<1000x1xi32> to vector<1000x256xi32>
      %eq3A_360 = arith.cmpi eq, %eq3A, %iota3A : vector<1000x256xi32>
      %convert_element_type3A = arith.extui %eq3A_360 : vector<1000x256xi1> to vector<1000x256xi32>
      %convert_element_type3A_361 = arith.sitofp %convert_element_type3A : vector<1000x256xi32> to vector<1000x256xf32>
      %dot_general3A_362 = arith.constant dense<0.000000e+00> : vector<1000x256xf32>
      %dot_general3A_363 = tpu.matmul %concatenate3A_356, %mul3A_46, %dot_general3A_362 {dimension_numbers = #tpu.dot_dimension_numbers<[1], [1], [0], [0], [0, 0, 1, 0], [], []>, transpose_lhs_hint = false} : vector<1000x64xf32>, vector<256x64xf32>, vector<1000x256xf32> -> vector<1000x256xf32>
      %jit3A_364 = arith.constant 0.000000e+00 : f32
      %broadcast_in_dim3A_365 = vector.broadcast %jit3A_364 : f32 to vector<1000x256xf32>
      %select_n3A_366 = arith.select %eq3A_360, %dot_general3A_363, %broadcast_in_dim3A_365 : vector<1000x256xi1>, vector<1000x256xf32>
      %reduce_sum3A_367 = arith.constant dense<0.000000e+00> : vector<1000xf32>
      %reduce_sum3A_368 = vector.multi_reduction <add>, %select_n3A_366, %reduce_sum3A_367 [1] : vector<1000x256xf32> to vector<1000xf32>
      %broadcast_in_dim3A_369 = vector.shape_cast %reduce_sum3A_368 : vector<1000xf32> to vector<1000x1xf32>
      %mul3A_370 = vector.broadcast %select_n3A : vector<1x256xf32> to vector<1000x256xf32>
      %mul3A_371 = arith.mulf %convert_element_type3A_361, %mul3A_370 : vector<1000x256xf32>
      %reduce_sum3A_372 = arith.constant dense<0.000000e+00> : vector<1000xf32>
      %reduce_sum3A_373 = vector.multi_reduction <add>, %mul3A_371, %reduce_sum3A_372 [1] : vector<1000x256xf32> to vector<1000xf32>
      %broadcast_in_dim3A_374 = vector.shape_cast %reduce_sum3A_373 : vector<1000xf32> to vector<1000x1xf32>
      %sub3A_375 = arith.subf %broadcast_in_dim3A_369, %broadcast_in_dim3A_374 : vector<1000x1xf32>
      %exp3A = math.exp %sub3A_375 : vector<1000x1xf32>
      %mul3A_376 = vector.broadcast %exp3A : vector<1000x1xf32> to vector<1000x256xf32>
      %mul3A_377 = arith.mulf %convert_element_type3A_361, %mul3A_376 : vector<1000x256xf32>
      %broadcast_in_dim3A_378 = arith.constant 1.000000e+00 : f32
      %broadcast_in_dim3A_379 = vector.broadcast %broadcast_in_dim3A_378 : f32 to vector<1000x8xf32>
      %dot_general3A_380 = arith.constant dense<0.000000e+00> : vector<256x8xf32>
      %dot_general3A_381 = tpu.matmul %mul3A_377, %broadcast_in_dim3A_379, %dot_general3A_380 {dimension_numbers = #tpu.dot_dimension_numbers<[0], [0], [1], [1], [0, 1, 1, 1], [], []>, transpose_lhs_hint = false} : vector<1000x256xf32>, vector<1000x8xf32>, vector<256x8xf32> -> vector<256x8xf32>
      %dot_general3A_382 = arith.constant dense<0.000000e+00> : vector<256x64xf32>
      %dot_general3A_383 = tpu.matmul %mul3A_377, %concatenate3A_356, %dot_general3A_382 {dimension_numbers = #tpu.dot_dimension_numbers<[0], [0], [1], [1], [0, 1, 1, 1], [], []>, transpose_lhs_hint = false} : vector<1000x256xf32>, vector<1000x64xf32>, vector<256x64xf32> -> vector<256x64xf32>
      %add3A_384 = arith.addf %scan3A_346, %dot_general3A_381 : vector<256x8xf32>
      %add3A_385 = arith.addf %scan3A_347, %dot_general3A_383 : vector<256x64xf32>
      scf.yield %add3A_384, %add3A_385 : vector<256x8xf32>, vector<256x64xf32>
    }
    %scan3A_66 = arith.constant 10 : i32
    %slice3A_67 = vector.extract_strided_slice %scan3A_65#0 {offsets = [0, 0], sizes = [256, 1], strides = [1, 1]} : vector<256x8xf32> to vector<256x1xf32>
    %add3A_68 = arith.constant 1.000000e-16 : f32
    %add3A_69 = vector.broadcast %add3A_68 : f32 to vector<256x1xf32>
    %add3A_70 = arith.addf %slice3A_67, %add3A_69 : vector<256x1xf32>
    %div3A = vector.broadcast %add3A_70 : vector<256x1xf32> to vector<256x64xf32>
    %div3A_71 = arith.divf %scan3A_65#1, %div3A : vector<256x64xf32>
    %concatenate3A = tpu.concatenate %mul3A_46, %div3A_71 in 1 : vector<256x64xf32>, vector<256x64xf32> -> vector<256x128xf32>
    %get3A_72 = arith.constant 0 : index
    %get3A_73 = arith.constant 0 : index
    %get3A_74 = vector.load %arg4[%get3A_72, %get3A_73] : memref<128x256xf32, #tpu.memory_space<vmem>>, vector<128x256xf32>
    %dot_general3A_75 = arith.constant dense<0.000000e+00> : vector<256x256xf32>
    %dot_general3A_76 = tpu.matmul %concatenate3A, %get3A_74, %dot_general3A_75 {dimension_numbers = #tpu.dot_dimension_numbers<[1], [0], [0], [1], [0, 0, 1, 1], [], []>, transpose_lhs_hint = false} : vector<256x128xf32>, vector<128x256xf32>, vector<256x256xf32> -> vector<256x256xf32>
    %get3A_77 = arith.constant 0 : index
    %get3A_78 = arith.constant 0 : index
    %get3A_79 = vector.load %arg5[%get3A_77, %get3A_78] : memref<1x256xf32, #tpu.memory_space<vmem>>, vector<1x256xf32>
    %add3A_80 = vector.broadcast %get3A_79 : vector<1x256xf32> to vector<256x256xf32>
    %add3A_81 = arith.addf %dot_general3A_76, %add3A_80 : vector<256x256xf32>
    %get3A_82 = arith.constant 0 : index
    %get3A_83 = arith.constant 0 : index
    %get3A_84 = vector.load %arg6[%get3A_82, %get3A_83] : memref<64x256xf32, #tpu.memory_space<vmem>>, vector<64x256xf32>
    %dot_general3A_85 = arith.constant dense<0.000000e+00> : vector<256x256xf32>
    %dot_general3A_86 = tpu.matmul %mul3A_46, %get3A_84, %dot_general3A_85 {dimension_numbers = #tpu.dot_dimension_numbers<[1], [0], [0], [1], [0, 0, 1, 1], [], []>, transpose_lhs_hint = false} : vector<256x64xf32>, vector<64x256xf32>, vector<256x256xf32> -> vector<256x256xf32>
    %add3A_87 = arith.addf %add3A_81, %dot_general3A_86 : vector<256x256xf32>
    %get3A_88 = arith.constant 0 : index
    %get3A_89 = arith.constant 0 : index
    %get3A_90 = vector.load %arg7[%get3A_88, %get3A_89] : memref<1x256xf32, #tpu.memory_space<vmem>>, vector<1x256xf32>
    %add3A_91 = vector.broadcast %get3A_90 : vector<1x256xf32> to vector<256x256xf32>
    %add3A_92 = arith.addf %add3A_87, %add3A_91 : vector<256x256xf32>
    %slice3A_93 = vector.extract_strided_slice %add3A_92 {offsets = [0, 0], sizes = [256, 64], strides = [1, 1]} : vector<256x256xf32> to vector<256x64xf32>
    %logistic3A_94 = arith.negf %slice3A_93 : vector<256x64xf32>
    %logistic3A_95 = math.exp %logistic3A_94 : vector<256x64xf32>
    %logistic3A_96 = arith.constant 1.000000e+00 : f32
    %logistic3A_97 = vector.broadcast %logistic3A_96 : f32 to vector<256x64xf32>
    %logistic3A_98 = arith.addf %logistic3A_97, %logistic3A_95 : vector<256x64xf32>
    %logistic3A_99 = arith.divf %logistic3A_97, %logistic3A_98 : vector<256x64xf32>
    %slice3A_100 = vector.extract_strided_slice %add3A_92 {offsets = [0, 64], sizes = [256, 64], strides = [1, 1]} : vector<256x256xf32> to vector<256x64xf32>
    %logistic3A_101 = arith.negf %slice3A_100 : vector<256x64xf32>
    %logistic3A_102 = math.exp %logistic3A_101 : vector<256x64xf32>
    %logistic3A_103 = arith.constant 1.000000e+00 : f32
    %logistic3A_104 = vector.broadcast %logistic3A_103 : f32 to vector<256x64xf32>
    %logistic3A_105 = arith.addf %logistic3A_104, %logistic3A_102 : vector<256x64xf32>
    %logistic3A_106 = arith.divf %logistic3A_104, %logistic3A_105 : vector<256x64xf32>
    %slice3A_107 = vector.extract_strided_slice %add3A_92 {offsets = [0, 128], sizes = [256, 64], strides = [1, 1]} : vector<256x256xf32> to vector<256x64xf32>
    %tanh3A_108 = math.tanh %slice3A_107 : vector<256x64xf32>
    %slice3A_109 = vector.extract_strided_slice %add3A_92 {offsets = [0, 192], sizes = [256, 64], strides = [1, 1]} : vector<256x256xf32> to vector<256x64xf32>
    %logistic3A_110 = arith.negf %slice3A_109 : vector<256x64xf32>
    %logistic3A_111 = math.exp %logistic3A_110 : vector<256x64xf32>
    %logistic3A_112 = arith.constant 1.000000e+00 : f32
    %logistic3A_113 = vector.broadcast %logistic3A_112 : f32 to vector<256x64xf32>
    %logistic3A_114 = arith.addf %logistic3A_113, %logistic3A_111 : vector<256x64xf32>
    %logistic3A_115 = arith.divf %logistic3A_113, %logistic3A_114 : vector<256x64xf32>
    %mul3A_116 = arith.mulf %logistic3A_106, %add3A_44 : vector<256x64xf32>
    %mul3A_117 = arith.mulf %logistic3A_99, %tanh3A_108 : vector<256x64xf32>
    %add3A_118 = arith.addf %mul3A_116, %mul3A_117 : vector<256x64xf32>
    %tanh3A_119 = math.tanh %add3A_118 : vector<256x64xf32>
    %mul3A_120 = arith.mulf %logistic3A_115, %tanh3A_119 : vector<256x64xf32>
    %broadcast_in_dim3A_121 = arith.constant -1.000000e+30 : f32
    %broadcast_in_dim3A_122 = vector.broadcast %broadcast_in_dim3A_121 : f32 to vector<1x256xf32>
    %scan3A_123 = arith.constant 0 : i32
    %scan3A_124 = arith.constant 10 : i32
    %scan3A_125 = arith.addi %scan3A_123, %scan3A_124 : i32
    %scan3A_126 = arith.constant 1 : i32
    %scan3A_127 = scf.for %scan3A_345 = %scan3A_123 to %scan3A_125 step %scan3A_126 iter_args(%scan3A_346 = %broadcast_in_dim3A_122) -> (vector<1x256xf32>)  : i32 {
      %mul3A_347 = arith.constant 1000 : i32
      %mul3A_348 = arith.muli %scan3A_345, %mul3A_347 : i32
      %get3A_349 = arith.index_cast %mul3A_348 : i32 to index
      %get3A_350 = arith.constant 0 : index
      %get3A_351 = vector.load %arg0[%get3A_349, %get3A_350] : memref<10000x128xf32, #tpu.memory_space<vmem>>, vector<1000x32xf32>
      %get3A_352 = arith.index_cast %mul3A_348 : i32 to index
      %get3A_353 = arith.constant 0 : index
      %get3A_354 = vector.load %arg1[%get3A_352, %get3A_353] : memref<10000x128xf32, #tpu.memory_space<vmem>>, vector<1000x32xf32>
      %concatenate3A_355 = tpu.concatenate %get3A_351, %get3A_354 in 1 : vector<1000x32xf32>, vector<1000x32xf32> -> vector<1000x64xf32>
      %iota3A = tpu.iota {dimensions = array<i32: 1>} : vector<1000x256xi32>
      %get3A_356 = arith.index_cast %mul3A_348 : i32 to index
      %get3A_357 = arith.constant 0 : index
      %get3A_358 = vector.load %arg2[%get3A_356, %get3A_357] : memref<10000x1xi32, #tpu.memory_space<vmem>>, vector<1000x1xi32>
      %eq3A = vector.broadcast %get3A_358 : vector<1000x1xi32> to vector<1000x256xi32>
      %eq3A_359 = arith.cmpi eq, %eq3A, %iota3A : vector<1000x256xi32>
      %dot_general3A_360 = arith.constant dense<0.000000e+00> : vector<1000x256xf32>
      %dot_general3A_361 = tpu.matmul %concatenate3A_355, %mul3A_120, %dot_general3A_360 {dimension_numbers = #tpu.dot_dimension_numbers<[1], [1], [0], [0], [0, 0, 1, 0], [], []>, transpose_lhs_hint = false} : vector<1000x64xf32>, vector<256x64xf32>, vector<1000x256xf32> -> vector<1000x256xf32>
      %jit3A_362 = arith.constant -1.000000e+30 : f32
      %broadcast_in_dim3A_363 = vector.broadcast %jit3A_362 : f32 to vector<1000x256xf32>
      %select_n3A_364 = arith.select %eq3A_359, %dot_general3A_361, %broadcast_in_dim3A_363 : vector<1000x256xi1>, vector<1000x256xf32>
      %reduce_max3A = arith.constant dense<0xFF800000> : vector<256xf32>
      %reduce_max3A_365 = vector.multi_reduction <maximumf>, %select_n3A_364, %reduce_max3A [0] : vector<1000x256xf32> to vector<256xf32>
      %broadcast_in_dim3A_366 = vector.shape_cast %reduce_max3A_365 : vector<256xf32> to vector<1x256xf32>
      %max3A = arith.maximumf %scan3A_346, %broadcast_in_dim3A_366 : vector<1x256xf32>
      scf.yield %max3A : vector<1x256xf32>
    }
    %scan3A_128 = arith.constant 10 : i32
    %gt3A_129 = arith.constant -1.000000e+29 : f32
    %gt3A_130 = vector.broadcast %gt3A_129 : f32 to vector<1x256xf32>
    %gt3A_131 = arith.cmpf ogt, %scan3A_127, %gt3A_130 : vector<1x256xf32>
    %jit3A_132 = arith.constant 0.000000e+00 : f32
    %broadcast_in_dim3A_133 = vector.broadcast %jit3A_132 : f32 to vector<1x256xf32>
    %select_n3A_134 = arith.select %gt3A_131, %scan3A_127, %broadcast_in_dim3A_133 : vector<1x256xi1>, vector<1x256xf32>
    %broadcast_in_dim3A_135 = arith.constant 0.000000e+00 : f32
    %broadcast_in_dim3A_136 = vector.broadcast %broadcast_in_dim3A_135 : f32 to vector<256x8xf32>
    %broadcast_in_dim3A_137 = arith.constant 0.000000e+00 : f32
    %broadcast_in_dim3A_138 = vector.broadcast %broadcast_in_dim3A_137 : f32 to vector<256x64xf32>
    %scan3A_139 = arith.constant 0 : i32
    %scan3A_140 = arith.constant 10 : i32
    %scan3A_141 = arith.addi %scan3A_139, %scan3A_140 : i32
    %scan3A_142 = arith.constant 1 : i32
    %scan3A_143:2 = scf.for %scan3A_345 = %scan3A_139 to %scan3A_141 step %scan3A_142 iter_args(%scan3A_346 = %broadcast_in_dim3A_136, %scan3A_347 = %broadcast_in_dim3A_138) -> (vector<256x8xf32>, vector<256x64xf32>)  : i32 {
      %mul3A_348 = arith.constant 1000 : i32
      %mul3A_349 = arith.muli %scan3A_345, %mul3A_348 : i32
      %get3A_350 = arith.index_cast %mul3A_349 : i32 to index
      %get3A_351 = arith.constant 0 : index
      %get3A_352 = vector.load %arg0[%get3A_350, %get3A_351] : memref<10000x128xf32, #tpu.memory_space<vmem>>, vector<1000x32xf32>
      %get3A_353 = arith.index_cast %mul3A_349 : i32 to index
      %get3A_354 = arith.constant 0 : index
      %get3A_355 = vector.load %arg1[%get3A_353, %get3A_354] : memref<10000x128xf32, #tpu.memory_space<vmem>>, vector<1000x32xf32>
      %concatenate3A_356 = tpu.concatenate %get3A_352, %get3A_355 in 1 : vector<1000x32xf32>, vector<1000x32xf32> -> vector<1000x64xf32>
      %iota3A = tpu.iota {dimensions = array<i32: 1>} : vector<1000x256xi32>
      %get3A_357 = arith.index_cast %mul3A_349 : i32 to index
      %get3A_358 = arith.constant 0 : index
      %get3A_359 = vector.load %arg2[%get3A_357, %get3A_358] : memref<10000x1xi32, #tpu.memory_space<vmem>>, vector<1000x1xi32>
      %eq3A = vector.broadcast %get3A_359 : vector<1000x1xi32> to vector<1000x256xi32>
      %eq3A_360 = arith.cmpi eq, %eq3A, %iota3A : vector<1000x256xi32>
      %convert_element_type3A = arith.extui %eq3A_360 : vector<1000x256xi1> to vector<1000x256xi32>
      %convert_element_type3A_361 = arith.sitofp %convert_element_type3A : vector<1000x256xi32> to vector<1000x256xf32>
      %dot_general3A_362 = arith.constant dense<0.000000e+00> : vector<1000x256xf32>
      %dot_general3A_363 = tpu.matmul %concatenate3A_356, %mul3A_120, %dot_general3A_362 {dimension_numbers = #tpu.dot_dimension_numbers<[1], [1], [0], [0], [0, 0, 1, 0], [], []>, transpose_lhs_hint = false} : vector<1000x64xf32>, vector<256x64xf32>, vector<1000x256xf32> -> vector<1000x256xf32>
      %jit3A_364 = arith.constant 0.000000e+00 : f32
      %broadcast_in_dim3A_365 = vector.broadcast %jit3A_364 : f32 to vector<1000x256xf32>
      %select_n3A_366 = arith.select %eq3A_360, %dot_general3A_363, %broadcast_in_dim3A_365 : vector<1000x256xi1>, vector<1000x256xf32>
      %reduce_sum3A_367 = arith.constant dense<0.000000e+00> : vector<1000xf32>
      %reduce_sum3A_368 = vector.multi_reduction <add>, %select_n3A_366, %reduce_sum3A_367 [1] : vector<1000x256xf32> to vector<1000xf32>
      %broadcast_in_dim3A_369 = vector.shape_cast %reduce_sum3A_368 : vector<1000xf32> to vector<1000x1xf32>
      %mul3A_370 = vector.broadcast %select_n3A_134 : vector<1x256xf32> to vector<1000x256xf32>
      %mul3A_371 = arith.mulf %convert_element_type3A_361, %mul3A_370 : vector<1000x256xf32>
      %reduce_sum3A_372 = arith.constant dense<0.000000e+00> : vector<1000xf32>
      %reduce_sum3A_373 = vector.multi_reduction <add>, %mul3A_371, %reduce_sum3A_372 [1] : vector<1000x256xf32> to vector<1000xf32>
      %broadcast_in_dim3A_374 = vector.shape_cast %reduce_sum3A_373 : vector<1000xf32> to vector<1000x1xf32>
      %sub3A_375 = arith.subf %broadcast_in_dim3A_369, %broadcast_in_dim3A_374 : vector<1000x1xf32>
      %exp3A = math.exp %sub3A_375 : vector<1000x1xf32>
      %mul3A_376 = vector.broadcast %exp3A : vector<1000x1xf32> to vector<1000x256xf32>
      %mul3A_377 = arith.mulf %convert_element_type3A_361, %mul3A_376 : vector<1000x256xf32>
      %broadcast_in_dim3A_378 = arith.constant 1.000000e+00 : f32
      %broadcast_in_dim3A_379 = vector.broadcast %broadcast_in_dim3A_378 : f32 to vector<1000x8xf32>
      %dot_general3A_380 = arith.constant dense<0.000000e+00> : vector<256x8xf32>
      %dot_general3A_381 = tpu.matmul %mul3A_377, %broadcast_in_dim3A_379, %dot_general3A_380 {dimension_numbers = #tpu.dot_dimension_numbers<[0], [0], [1], [1], [0, 1, 1, 1], [], []>, transpose_lhs_hint = false} : vector<1000x256xf32>, vector<1000x8xf32>, vector<256x8xf32> -> vector<256x8xf32>
      %dot_general3A_382 = arith.constant dense<0.000000e+00> : vector<256x64xf32>
      %dot_general3A_383 = tpu.matmul %mul3A_377, %concatenate3A_356, %dot_general3A_382 {dimension_numbers = #tpu.dot_dimension_numbers<[0], [0], [1], [1], [0, 1, 1, 1], [], []>, transpose_lhs_hint = false} : vector<1000x256xf32>, vector<1000x64xf32>, vector<256x64xf32> -> vector<256x64xf32>
      %add3A_384 = arith.addf %scan3A_346, %dot_general3A_381 : vector<256x8xf32>
      %add3A_385 = arith.addf %scan3A_347, %dot_general3A_383 : vector<256x64xf32>
      scf.yield %add3A_384, %add3A_385 : vector<256x8xf32>, vector<256x64xf32>
    }
    %scan3A_144 = arith.constant 10 : i32
    %slice3A_145 = vector.extract_strided_slice %scan3A_143#0 {offsets = [0, 0], sizes = [256, 1], strides = [1, 1]} : vector<256x8xf32> to vector<256x1xf32>
    %add3A_146 = arith.constant 1.000000e-16 : f32
    %add3A_147 = vector.broadcast %add3A_146 : f32 to vector<256x1xf32>
    %add3A_148 = arith.addf %slice3A_145, %add3A_147 : vector<256x1xf32>
    %div3A_149 = vector.broadcast %add3A_148 : vector<256x1xf32> to vector<256x64xf32>
    %div3A_150 = arith.divf %scan3A_143#1, %div3A_149 : vector<256x64xf32>
    %concatenate3A_151 = tpu.concatenate %mul3A_120, %div3A_150 in 1 : vector<256x64xf32>, vector<256x64xf32> -> vector<256x128xf32>
    %get3A_152 = arith.constant 0 : index
    %get3A_153 = arith.constant 0 : index
    %get3A_154 = vector.load %arg4[%get3A_152, %get3A_153] : memref<128x256xf32, #tpu.memory_space<vmem>>, vector<128x256xf32>
    %dot_general3A_155 = arith.constant dense<0.000000e+00> : vector<256x256xf32>
    %dot_general3A_156 = tpu.matmul %concatenate3A_151, %get3A_154, %dot_general3A_155 {dimension_numbers = #tpu.dot_dimension_numbers<[1], [0], [0], [1], [0, 0, 1, 1], [], []>, transpose_lhs_hint = false} : vector<256x128xf32>, vector<128x256xf32>, vector<256x256xf32> -> vector<256x256xf32>
    %get3A_157 = arith.constant 0 : index
    %get3A_158 = arith.constant 0 : index
    %get3A_159 = vector.load %arg5[%get3A_157, %get3A_158] : memref<1x256xf32, #tpu.memory_space<vmem>>, vector<1x256xf32>
    %add3A_160 = vector.broadcast %get3A_159 : vector<1x256xf32> to vector<256x256xf32>
    %add3A_161 = arith.addf %dot_general3A_156, %add3A_160 : vector<256x256xf32>
    %get3A_162 = arith.constant 0 : index
    %get3A_163 = arith.constant 0 : index
    %get3A_164 = vector.load %arg6[%get3A_162, %get3A_163] : memref<64x256xf32, #tpu.memory_space<vmem>>, vector<64x256xf32>
    %dot_general3A_165 = arith.constant dense<0.000000e+00> : vector<256x256xf32>
    %dot_general3A_166 = tpu.matmul %mul3A_120, %get3A_164, %dot_general3A_165 {dimension_numbers = #tpu.dot_dimension_numbers<[1], [0], [0], [1], [0, 0, 1, 1], [], []>, transpose_lhs_hint = false} : vector<256x64xf32>, vector<64x256xf32>, vector<256x256xf32> -> vector<256x256xf32>
    %add3A_167 = arith.addf %add3A_161, %dot_general3A_166 : vector<256x256xf32>
    %get3A_168 = arith.constant 0 : index
    %get3A_169 = arith.constant 0 : index
    %get3A_170 = vector.load %arg7[%get3A_168, %get3A_169] : memref<1x256xf32, #tpu.memory_space<vmem>>, vector<1x256xf32>
    %add3A_171 = vector.broadcast %get3A_170 : vector<1x256xf32> to vector<256x256xf32>
    %add3A_172 = arith.addf %add3A_167, %add3A_171 : vector<256x256xf32>
    %slice3A_173 = vector.extract_strided_slice %add3A_172 {offsets = [0, 0], sizes = [256, 64], strides = [1, 1]} : vector<256x256xf32> to vector<256x64xf32>
    %logistic3A_174 = arith.negf %slice3A_173 : vector<256x64xf32>
    %logistic3A_175 = math.exp %logistic3A_174 : vector<256x64xf32>
    %logistic3A_176 = arith.constant 1.000000e+00 : f32
    %logistic3A_177 = vector.broadcast %logistic3A_176 : f32 to vector<256x64xf32>
    %logistic3A_178 = arith.addf %logistic3A_177, %logistic3A_175 : vector<256x64xf32>
    %logistic3A_179 = arith.divf %logistic3A_177, %logistic3A_178 : vector<256x64xf32>
    %slice3A_180 = vector.extract_strided_slice %add3A_172 {offsets = [0, 64], sizes = [256, 64], strides = [1, 1]} : vector<256x256xf32> to vector<256x64xf32>
    %logistic3A_181 = arith.negf %slice3A_180 : vector<256x64xf32>
    %logistic3A_182 = math.exp %logistic3A_181 : vector<256x64xf32>
    %logistic3A_183 = arith.constant 1.000000e+00 : f32
    %logistic3A_184 = vector.broadcast %logistic3A_183 : f32 to vector<256x64xf32>
    %logistic3A_185 = arith.addf %logistic3A_184, %logistic3A_182 : vector<256x64xf32>
    %logistic3A_186 = arith.divf %logistic3A_184, %logistic3A_185 : vector<256x64xf32>
    %slice3A_187 = vector.extract_strided_slice %add3A_172 {offsets = [0, 128], sizes = [256, 64], strides = [1, 1]} : vector<256x256xf32> to vector<256x64xf32>
    %tanh3A_188 = math.tanh %slice3A_187 : vector<256x64xf32>
    %slice3A_189 = vector.extract_strided_slice %add3A_172 {offsets = [0, 192], sizes = [256, 64], strides = [1, 1]} : vector<256x256xf32> to vector<256x64xf32>
    %logistic3A_190 = arith.negf %slice3A_189 : vector<256x64xf32>
    %logistic3A_191 = math.exp %logistic3A_190 : vector<256x64xf32>
    %logistic3A_192 = arith.constant 1.000000e+00 : f32
    %logistic3A_193 = vector.broadcast %logistic3A_192 : f32 to vector<256x64xf32>
    %logistic3A_194 = arith.addf %logistic3A_193, %logistic3A_191 : vector<256x64xf32>
    %logistic3A_195 = arith.divf %logistic3A_193, %logistic3A_194 : vector<256x64xf32>
    %mul3A_196 = arith.mulf %logistic3A_186, %add3A_118 : vector<256x64xf32>
    %mul3A_197 = arith.mulf %logistic3A_179, %tanh3A_188 : vector<256x64xf32>
    %add3A_198 = arith.addf %mul3A_196, %mul3A_197 : vector<256x64xf32>
    %tanh3A_199 = math.tanh %add3A_198 : vector<256x64xf32>
    %mul3A_200 = arith.mulf %logistic3A_195, %tanh3A_199 : vector<256x64xf32>
    %broadcast_in_dim3A_201 = arith.constant -1.000000e+30 : f32
    %broadcast_in_dim3A_202 = vector.broadcast %broadcast_in_dim3A_201 : f32 to vector<1x256xf32>
    %scan3A_203 = arith.constant 0 : i32
    %scan3A_204 = arith.constant 10 : i32
    %scan3A_205 = arith.addi %scan3A_203, %scan3A_204 : i32
    %scan3A_206 = arith.constant 1 : i32
    %scan3A_207 = scf.for %scan3A_345 = %scan3A_203 to %scan3A_205 step %scan3A_206 iter_args(%scan3A_346 = %broadcast_in_dim3A_202) -> (vector<1x256xf32>)  : i32 {
      %mul3A_347 = arith.constant 1000 : i32
      %mul3A_348 = arith.muli %scan3A_345, %mul3A_347 : i32
      %get3A_349 = arith.index_cast %mul3A_348 : i32 to index
      %get3A_350 = arith.constant 0 : index
      %get3A_351 = vector.load %arg0[%get3A_349, %get3A_350] : memref<10000x128xf32, #tpu.memory_space<vmem>>, vector<1000x32xf32>
      %get3A_352 = arith.index_cast %mul3A_348 : i32 to index
      %get3A_353 = arith.constant 0 : index
      %get3A_354 = vector.load %arg1[%get3A_352, %get3A_353] : memref<10000x128xf32, #tpu.memory_space<vmem>>, vector<1000x32xf32>
      %concatenate3A_355 = tpu.concatenate %get3A_351, %get3A_354 in 1 : vector<1000x32xf32>, vector<1000x32xf32> -> vector<1000x64xf32>
      %iota3A = tpu.iota {dimensions = array<i32: 1>} : vector<1000x256xi32>
      %get3A_356 = arith.index_cast %mul3A_348 : i32 to index
      %get3A_357 = arith.constant 0 : index
      %get3A_358 = vector.load %arg2[%get3A_356, %get3A_357] : memref<10000x1xi32, #tpu.memory_space<vmem>>, vector<1000x1xi32>
      %eq3A = vector.broadcast %get3A_358 : vector<1000x1xi32> to vector<1000x256xi32>
      %eq3A_359 = arith.cmpi eq, %eq3A, %iota3A : vector<1000x256xi32>
      %dot_general3A_360 = arith.constant dense<0.000000e+00> : vector<1000x256xf32>
      %dot_general3A_361 = tpu.matmul %concatenate3A_355, %mul3A_200, %dot_general3A_360 {dimension_numbers = #tpu.dot_dimension_numbers<[1], [1], [0], [0], [0, 0, 1, 0], [], []>, transpose_lhs_hint = false} : vector<1000x64xf32>, vector<256x64xf32>, vector<1000x256xf32> -> vector<1000x256xf32>
      %jit3A_362 = arith.constant -1.000000e+30 : f32
      %broadcast_in_dim3A_363 = vector.broadcast %jit3A_362 : f32 to vector<1000x256xf32>
      %select_n3A_364 = arith.select %eq3A_359, %dot_general3A_361, %broadcast_in_dim3A_363 : vector<1000x256xi1>, vector<1000x256xf32>
      %reduce_max3A = arith.constant dense<0xFF800000> : vector<256xf32>
      %reduce_max3A_365 = vector.multi_reduction <maximumf>, %select_n3A_364, %reduce_max3A [0] : vector<1000x256xf32> to vector<256xf32>
      %broadcast_in_dim3A_366 = vector.shape_cast %reduce_max3A_365 : vector<256xf32> to vector<1x256xf32>
      %max3A = arith.maximumf %scan3A_346, %broadcast_in_dim3A_366 : vector<1x256xf32>
      scf.yield %max3A : vector<1x256xf32>
    }
    %scan3A_208 = arith.constant 10 : i32
    %gt3A_209 = arith.constant -1.000000e+29 : f32
    %gt3A_210 = vector.broadcast %gt3A_209 : f32 to vector<1x256xf32>
    %gt3A_211 = arith.cmpf ogt, %scan3A_207, %gt3A_210 : vector<1x256xf32>
    %jit3A_212 = arith.constant 0.000000e+00 : f32
    %broadcast_in_dim3A_213 = vector.broadcast %jit3A_212 : f32 to vector<1x256xf32>
    %select_n3A_214 = arith.select %gt3A_211, %scan3A_207, %broadcast_in_dim3A_213 : vector<1x256xi1>, vector<1x256xf32>
    %broadcast_in_dim3A_215 = arith.constant 0.000000e+00 : f32
    %broadcast_in_dim3A_216 = vector.broadcast %broadcast_in_dim3A_215 : f32 to vector<256x8xf32>
    %broadcast_in_dim3A_217 = arith.constant 0.000000e+00 : f32
    %broadcast_in_dim3A_218 = vector.broadcast %broadcast_in_dim3A_217 : f32 to vector<256x64xf32>
    %scan3A_219 = arith.constant 0 : i32
    %scan3A_220 = arith.constant 10 : i32
    %scan3A_221 = arith.addi %scan3A_219, %scan3A_220 : i32
    %scan3A_222 = arith.constant 1 : i32
    %scan3A_223:2 = scf.for %scan3A_345 = %scan3A_219 to %scan3A_221 step %scan3A_222 iter_args(%scan3A_346 = %broadcast_in_dim3A_216, %scan3A_347 = %broadcast_in_dim3A_218) -> (vector<256x8xf32>, vector<256x64xf32>)  : i32 {
      %mul3A_348 = arith.constant 1000 : i32
      %mul3A_349 = arith.muli %scan3A_345, %mul3A_348 : i32
      %get3A_350 = arith.index_cast %mul3A_349 : i32 to index
      %get3A_351 = arith.constant 0 : index
      %get3A_352 = vector.load %arg0[%get3A_350, %get3A_351] : memref<10000x128xf32, #tpu.memory_space<vmem>>, vector<1000x32xf32>
      %get3A_353 = arith.index_cast %mul3A_349 : i32 to index
      %get3A_354 = arith.constant 0 : index
      %get3A_355 = vector.load %arg1[%get3A_353, %get3A_354] : memref<10000x128xf32, #tpu.memory_space<vmem>>, vector<1000x32xf32>
      %concatenate3A_356 = tpu.concatenate %get3A_352, %get3A_355 in 1 : vector<1000x32xf32>, vector<1000x32xf32> -> vector<1000x64xf32>
      %iota3A = tpu.iota {dimensions = array<i32: 1>} : vector<1000x256xi32>
      %get3A_357 = arith.index_cast %mul3A_349 : i32 to index
      %get3A_358 = arith.constant 0 : index
      %get3A_359 = vector.load %arg2[%get3A_357, %get3A_358] : memref<10000x1xi32, #tpu.memory_space<vmem>>, vector<1000x1xi32>
      %eq3A = vector.broadcast %get3A_359 : vector<1000x1xi32> to vector<1000x256xi32>
      %eq3A_360 = arith.cmpi eq, %eq3A, %iota3A : vector<1000x256xi32>
      %convert_element_type3A = arith.extui %eq3A_360 : vector<1000x256xi1> to vector<1000x256xi32>
      %convert_element_type3A_361 = arith.sitofp %convert_element_type3A : vector<1000x256xi32> to vector<1000x256xf32>
      %dot_general3A_362 = arith.constant dense<0.000000e+00> : vector<1000x256xf32>
      %dot_general3A_363 = tpu.matmul %concatenate3A_356, %mul3A_200, %dot_general3A_362 {dimension_numbers = #tpu.dot_dimension_numbers<[1], [1], [0], [0], [0, 0, 1, 0], [], []>, transpose_lhs_hint = false} : vector<1000x64xf32>, vector<256x64xf32>, vector<1000x256xf32> -> vector<1000x256xf32>
      %jit3A_364 = arith.constant 0.000000e+00 : f32
      %broadcast_in_dim3A_365 = vector.broadcast %jit3A_364 : f32 to vector<1000x256xf32>
      %select_n3A_366 = arith.select %eq3A_360, %dot_general3A_363, %broadcast_in_dim3A_365 : vector<1000x256xi1>, vector<1000x256xf32>
      %reduce_sum3A_367 = arith.constant dense<0.000000e+00> : vector<1000xf32>
      %reduce_sum3A_368 = vector.multi_reduction <add>, %select_n3A_366, %reduce_sum3A_367 [1] : vector<1000x256xf32> to vector<1000xf32>
      %broadcast_in_dim3A_369 = vector.shape_cast %reduce_sum3A_368 : vector<1000xf32> to vector<1000x1xf32>
      %mul3A_370 = vector.broadcast %select_n3A_214 : vector<1x256xf32> to vector<1000x256xf32>
      %mul3A_371 = arith.mulf %convert_element_type3A_361, %mul3A_370 : vector<1000x256xf32>
      %reduce_sum3A_372 = arith.constant dense<0.000000e+00> : vector<1000xf32>
      %reduce_sum3A_373 = vector.multi_reduction <add>, %mul3A_371, %reduce_sum3A_372 [1] : vector<1000x256xf32> to vector<1000xf32>
      %broadcast_in_dim3A_374 = vector.shape_cast %reduce_sum3A_373 : vector<1000xf32> to vector<1000x1xf32>
      %sub3A_375 = arith.subf %broadcast_in_dim3A_369, %broadcast_in_dim3A_374 : vector<1000x1xf32>
      %exp3A = math.exp %sub3A_375 : vector<1000x1xf32>
      %mul3A_376 = vector.broadcast %exp3A : vector<1000x1xf32> to vector<1000x256xf32>
      %mul3A_377 = arith.mulf %convert_element_type3A_361, %mul3A_376 : vector<1000x256xf32>
      %broadcast_in_dim3A_378 = arith.constant 1.000000e+00 : f32
      %broadcast_in_dim3A_379 = vector.broadcast %broadcast_in_dim3A_378 : f32 to vector<1000x8xf32>
      %dot_general3A_380 = arith.constant dense<0.000000e+00> : vector<256x8xf32>
      %dot_general3A_381 = tpu.matmul %mul3A_377, %broadcast_in_dim3A_379, %dot_general3A_380 {dimension_numbers = #tpu.dot_dimension_numbers<[0], [0], [1], [1], [0, 1, 1, 1], [], []>, transpose_lhs_hint = false} : vector<1000x256xf32>, vector<1000x8xf32>, vector<256x8xf32> -> vector<256x8xf32>
      %dot_general3A_382 = arith.constant dense<0.000000e+00> : vector<256x64xf32>
      %dot_general3A_383 = tpu.matmul %mul3A_377, %concatenate3A_356, %dot_general3A_382 {dimension_numbers = #tpu.dot_dimension_numbers<[0], [0], [1], [1], [0, 1, 1, 1], [], []>, transpose_lhs_hint = false} : vector<1000x256xf32>, vector<1000x64xf32>, vector<256x64xf32> -> vector<256x64xf32>
      %add3A_384 = arith.addf %scan3A_346, %dot_general3A_381 : vector<256x8xf32>
      %add3A_385 = arith.addf %scan3A_347, %dot_general3A_383 : vector<256x64xf32>
      scf.yield %add3A_384, %add3A_385 : vector<256x8xf32>, vector<256x64xf32>
    }
    %scan3A_224 = arith.constant 10 : i32
    %slice3A_225 = vector.extract_strided_slice %scan3A_223#0 {offsets = [0, 0], sizes = [256, 1], strides = [1, 1]} : vector<256x8xf32> to vector<256x1xf32>
    %add3A_226 = arith.constant 1.000000e-16 : f32
    %add3A_227 = vector.broadcast %add3A_226 : f32 to vector<256x1xf32>
    %add3A_228 = arith.addf %slice3A_225, %add3A_227 : vector<256x1xf32>
    %div3A_229 = vector.broadcast %add3A_228 : vector<256x1xf32> to vector<256x64xf32>
    %div3A_230 = arith.divf %scan3A_223#1, %div3A_229 : vector<256x64xf32>
    %concatenate3A_231 = tpu.concatenate %mul3A_200, %div3A_230 in 1 : vector<256x64xf32>, vector<256x64xf32> -> vector<256x128xf32>
    %get3A_232 = arith.constant 0 : index
    %get3A_233 = arith.constant 0 : index
    %get3A_234 = vector.load %arg8[%get3A_232, %get3A_233] : memref<128x128xf32, #tpu.memory_space<vmem>>, vector<128x128xf32>
    %dot_general3A_235 = arith.constant dense<0.000000e+00> : vector<256x128xf32>
    %dot_general3A_236 = tpu.matmul %concatenate3A_231, %get3A_234, %dot_general3A_235 {dimension_numbers = #tpu.dot_dimension_numbers<[1], [0], [0], [1], [0, 0, 1, 1], [], []>, transpose_lhs_hint = false} : vector<256x128xf32>, vector<128x128xf32>, vector<256x128xf32> -> vector<256x128xf32>
    %get3A_237 = arith.constant 0 : index
    %get3A_238 = arith.constant 0 : index
    %get3A_239 = vector.load %arg9[%get3A_237, %get3A_238] : memref<1x128xf32, #tpu.memory_space<vmem>>, vector<1x128xf32>
    %add3A_240 = vector.broadcast %get3A_239 : vector<1x128xf32> to vector<256x128xf32>
    %add3A_241 = arith.addf %dot_general3A_236, %add3A_240 : vector<256x128xf32>
    %get3A_242 = arith.constant 0 : index
    %get3A_243 = arith.constant 0 : index
    %get3A_244 = vector.load %arg10[%get3A_242, %get3A_243] : memref<1x128xf32, #tpu.memory_space<vmem>>, vector<1x128xf32>
    %get3A_245 = arith.constant 0 : index
    %get3A_246 = arith.constant 0 : index
    %get3A_247 = vector.load %arg11[%get3A_245, %get3A_246] : memref<1x128xf32, #tpu.memory_space<vmem>>, vector<1x128xf32>
    %get3A_248 = arith.constant 0 : index
    %get3A_249 = arith.constant 0 : index
    %get3A_250 = vector.load %arg12[%get3A_248, %get3A_249] : memref<1x1xf32, #tpu.memory_space<vmem>>, vector<1x1xf32>
    %get3A_251 = vector.extract %get3A_250[0, 0] : f32 from vector<1x1xf32>
    %reduce_sum3A = arith.constant dense<0.000000e+00> : vector<256xf32>
    %reduce_sum3A_252 = vector.multi_reduction <add>, %add3A_241, %reduce_sum3A [1] : vector<256x128xf32> to vector<256xf32>
    %broadcast_in_dim3A_253 = vector.shape_cast %reduce_sum3A_252 : vector<256xf32> to vector<256x1xf32>
    %div3A_254 = arith.constant 1.280000e+02 : f32
    %div3A_255 = vector.broadcast %div3A_254 : f32 to vector<256x1xf32>
    %div3A_256 = arith.divf %broadcast_in_dim3A_253, %div3A_255 : vector<256x1xf32>
    %sub3A = vector.broadcast %div3A_256 : vector<256x1xf32> to vector<256x128xf32>
    %sub3A_257 = arith.subf %add3A_241, %sub3A : vector<256x128xf32>
    %integer_pow3A = arith.mulf %sub3A_257, %sub3A_257 : vector<256x128xf32>
    %reduce_sum3A_258 = arith.constant dense<0.000000e+00> : vector<256xf32>
    %reduce_sum3A_259 = vector.multi_reduction <add>, %integer_pow3A, %reduce_sum3A_258 [1] : vector<256x128xf32> to vector<256xf32>
    %broadcast_in_dim3A_260 = vector.shape_cast %reduce_sum3A_259 : vector<256xf32> to vector<256x1xf32>
    %div3A_261 = arith.constant 1.280000e+02 : f32
    %div3A_262 = vector.broadcast %div3A_261 : f32 to vector<256x1xf32>
    %div3A_263 = arith.divf %broadcast_in_dim3A_260, %div3A_262 : vector<256x1xf32>
    %sub3A_264 = vector.broadcast %div3A_256 : vector<256x1xf32> to vector<256x128xf32>
    %sub3A_265 = arith.subf %add3A_241, %sub3A_264 : vector<256x128xf32>
    %add3A_266 = arith.constant 9.99999974E-6 : f32
    %add3A_267 = vector.broadcast %add3A_266 : f32 to vector<256x1xf32>
    %add3A_268 = arith.addf %div3A_263, %add3A_267 : vector<256x1xf32>
    %sqrt3A = math.sqrt %add3A_268 : vector<256x1xf32>
    %div3A_269 = vector.broadcast %sqrt3A : vector<256x1xf32> to vector<256x128xf32>
    %div3A_270 = arith.divf %sub3A_265, %div3A_269 : vector<256x128xf32>
    %mul3A_271 = vector.broadcast %get3A_244 : vector<1x128xf32> to vector<256x128xf32>
    %mul3A_272 = arith.mulf %div3A_270, %mul3A_271 : vector<256x128xf32>
    %add3A_273 = vector.broadcast %get3A_247 : vector<1x128xf32> to vector<256x128xf32>
    %add3A_274 = arith.addf %mul3A_272, %add3A_273 : vector<256x128xf32>
    %ge3A = arith.constant 0.000000e+00 : f32
    %ge3A_275 = vector.broadcast %ge3A : f32 to vector<256x128xf32>
    %ge3A_276 = arith.cmpf oge, %add3A_274, %ge3A_275 : vector<256x128xf32>
    %mul3A_277 = vector.broadcast %get3A_251 : f32 to vector<256x128xf32>
    %mul3A_278 = arith.mulf %mul3A_277, %add3A_274 : vector<256x128xf32>
    %select_n3A_279 = arith.select %ge3A_276, %add3A_274, %mul3A_278 : vector<256x128xi1>, vector<256x128xf32>
    %get3A_280 = arith.constant 0 : index
    %get3A_281 = arith.constant 0 : index
    %get3A_282 = vector.load %arg13[%get3A_280, %get3A_281] : memref<128x128xf32, #tpu.memory_space<vmem>>, vector<128x128xf32>
    %dot_general3A_283 = arith.constant dense<0.000000e+00> : vector<256x128xf32>
    %dot_general3A_284 = tpu.matmul %select_n3A_279, %get3A_282, %dot_general3A_283 {dimension_numbers = #tpu.dot_dimension_numbers<[1], [0], [0], [1], [0, 0, 1, 1], [], []>, transpose_lhs_hint = false} : vector<256x128xf32>, vector<128x128xf32>, vector<256x128xf32> -> vector<256x128xf32>
    %get3A_285 = arith.constant 0 : index
    %get3A_286 = arith.constant 0 : index
    %get3A_287 = vector.load %arg3[%get3A_285, %get3A_286] : memref<1x128xf32, #tpu.memory_space<vmem>>, vector<1x128xf32>
    %get3A_288 = arith.constant 0 : index
    %get3A_289 = arith.constant 0 : index
    %get3A_290 = vector.load %arg14[%get3A_288, %get3A_289] : memref<128x128xf32, #tpu.memory_space<vmem>>, vector<128x128xf32>
    %dot_general3A_291 = arith.constant dense<0.000000e+00> : vector<1x128xf32>
    %dot_general3A_292 = tpu.matmul %get3A_287, %get3A_290, %dot_general3A_291 {dimension_numbers = #tpu.dot_dimension_numbers<[1], [0], [0], [1], [0, 0, 1, 1], [], []>, transpose_lhs_hint = false} : vector<1x128xf32>, vector<128x128xf32>, vector<1x128xf32> -> vector<1x128xf32>
    %add3A_293 = vector.broadcast %dot_general3A_292 : vector<1x128xf32> to vector<256x128xf32>
    %add3A_294 = arith.addf %dot_general3A_284, %add3A_293 : vector<256x128xf32>
    %get3A_295 = arith.constant 0 : index
    %get3A_296 = arith.constant 0 : index
    %get3A_297 = vector.load %arg15[%get3A_295, %get3A_296] : memref<1x128xf32, #tpu.memory_space<vmem>>, vector<1x128xf32>
    %add3A_298 = vector.broadcast %get3A_297 : vector<1x128xf32> to vector<256x128xf32>
    %add3A_299 = arith.addf %add3A_294, %add3A_298 : vector<256x128xf32>
    %get3A_300 = arith.constant 0 : index
    %get3A_301 = arith.constant 0 : index
    %get3A_302 = vector.load %arg16[%get3A_300, %get3A_301] : memref<1x128xf32, #tpu.memory_space<vmem>>, vector<1x128xf32>
    %get3A_303 = arith.constant 0 : index
    %get3A_304 = arith.constant 0 : index
    %get3A_305 = vector.load %arg17[%get3A_303, %get3A_304] : memref<1x128xf32, #tpu.memory_space<vmem>>, vector<1x128xf32>
    %get3A_306 = arith.constant 0 : index
    %get3A_307 = arith.constant 0 : index
    %get3A_308 = vector.load %arg18[%get3A_306, %get3A_307] : memref<1x1xf32, #tpu.memory_space<vmem>>, vector<1x1xf32>
    %get3A_309 = vector.extract %get3A_308[0, 0] : f32 from vector<1x1xf32>
    %reduce_sum3A_310 = arith.constant dense<0.000000e+00> : vector<256xf32>
    %reduce_sum3A_311 = vector.multi_reduction <add>, %add3A_299, %reduce_sum3A_310 [1] : vector<256x128xf32> to vector<256xf32>
    %broadcast_in_dim3A_312 = vector.shape_cast %reduce_sum3A_311 : vector<256xf32> to vector<256x1xf32>
    %div3A_313 = arith.constant 1.280000e+02 : f32
    %div3A_314 = vector.broadcast %div3A_313 : f32 to vector<256x1xf32>
    %div3A_315 = arith.divf %broadcast_in_dim3A_312, %div3A_314 : vector<256x1xf32>
    %sub3A_316 = vector.broadcast %div3A_315 : vector<256x1xf32> to vector<256x128xf32>
    %sub3A_317 = arith.subf %add3A_299, %sub3A_316 : vector<256x128xf32>
    %integer_pow3A_318 = arith.mulf %sub3A_317, %sub3A_317 : vector<256x128xf32>
    %reduce_sum3A_319 = arith.constant dense<0.000000e+00> : vector<256xf32>
    %reduce_sum3A_320 = vector.multi_reduction <add>, %integer_pow3A_318, %reduce_sum3A_319 [1] : vector<256x128xf32> to vector<256xf32>
    %broadcast_in_dim3A_321 = vector.shape_cast %reduce_sum3A_320 : vector<256xf32> to vector<256x1xf32>
    %div3A_322 = arith.constant 1.280000e+02 : f32
    %div3A_323 = vector.broadcast %div3A_322 : f32 to vector<256x1xf32>
    %div3A_324 = arith.divf %broadcast_in_dim3A_321, %div3A_323 : vector<256x1xf32>
    %sub3A_325 = vector.broadcast %div3A_315 : vector<256x1xf32> to vector<256x128xf32>
    %sub3A_326 = arith.subf %add3A_299, %sub3A_325 : vector<256x128xf32>
    %add3A_327 = arith.constant 9.99999974E-6 : f32
    %add3A_328 = vector.broadcast %add3A_327 : f32 to vector<256x1xf32>
    %add3A_329 = arith.addf %div3A_324, %add3A_328 : vector<256x1xf32>
    %sqrt3A_330 = math.sqrt %add3A_329 : vector<256x1xf32>
    %div3A_331 = vector.broadcast %sqrt3A_330 : vector<256x1xf32> to vector<256x128xf32>
    %div3A_332 = arith.divf %sub3A_326, %div3A_331 : vector<256x128xf32>
    %mul3A_333 = vector.broadcast %get3A_302 : vector<1x128xf32> to vector<256x128xf32>
    %mul3A_334 = arith.mulf %div3A_332, %mul3A_333 : vector<256x128xf32>
    %add3A_335 = vector.broadcast %get3A_305 : vector<1x128xf32> to vector<256x128xf32>
    %add3A_336 = arith.addf %mul3A_334, %add3A_335 : vector<256x128xf32>
    %ge3A_337 = arith.constant 0.000000e+00 : f32
    %ge3A_338 = vector.broadcast %ge3A_337 : f32 to vector<256x128xf32>
    %ge3A_339 = arith.cmpf oge, %add3A_336, %ge3A_338 : vector<256x128xf32>
    %mul3A_340 = vector.broadcast %get3A_309 : f32 to vector<256x128xf32>
    %mul3A_341 = arith.mulf %mul3A_340, %add3A_336 : vector<256x128xf32>
    %select_n3A_342 = arith.select %ge3A_339, %add3A_336, %mul3A_341 : vector<256x128xi1>, vector<256x128xf32>
    %swap3A = arith.constant 0 : index
    %swap3A_343 = arith.constant 0 : index
    %swap3A_344 = vector.load %arg19[%swap3A, %swap3A_343] : memref<256x128xf32, #tpu.memory_space<vmem>>, vector<256x128xf32>
    tpu.vector_store %arg19[%swap3A, %swap3A_343], %select_n3A_342 {strides = array<i32>} : memref<256x128xf32, #tpu.memory_space<vmem>>, vector<256x128xf32>,
    return
  }
}

</mosaic_0001>

<sc_bundles>
// kernel: kernel.16.cloned.1.call-start
scs
__scs_entry_jumppad:
0x0: {  	(pc) =	sbr.rel $0x88, $3  }
0x1: {  	(tag) =	ssettag $0x0;
	lr =	simm.s32 $0x1  }
0x2: {  	[smem:$0x3F84] =	sst lr;
	_ =	strace $0xD0000000  }
0x3: {  	_ = 	snop  }
0x4: {  	_ = 	snop  }
0x5: {  	_ = 	snop  }
0x6: {  	_ = 	snop  }
0x7: {  	_ = 	snop  }
__scs_overlays_trampoline_lowered:
0x8: {  	[smem:$0x3F93] =	sst s0  }
0x9: {  	[smem:$0x3F94] =	sst s1  }
0xa: {  	[smem:$0x3F95] =	sst s2  }
0xb: {  	[smem:$0x3F96] =	sst s3  }
0xc: {  	[smem:$0x3F97] =	sst s4  }
0xd: {  	[smem:$0x3F98] =	sst s5  }
0xe: {  	[smem:$0x3F99] =	sst s6  }
0xf: {  	[smem:$0x3F9A] =	sst s7  }
0x10: {  	[smem:$0x3F9B] =	sst s8  }
0x11: {  	[smem:$0x3F9C] =	sst s9;
	s0 =	simm.s32 @!p0 $0x0  }
0x12: {  	s1 =	sld [smem:$0x3F82];
	s0 =	simm.s32 @p0 $0x1  }
0x13: {  	[smem:$0x3F9D] =	sst s0;
	s0 =	simm.s32 @!p1 $0x0  }
0x14: {  	s2 =	sld [smem:$0x3F81];
	s0 =	simm.s32 @p1 $0x1  }
0x15: {  	[smem:$0x3F9E] =	sst s0;
	s0 =	simm.s32 @!p2 $0x0  }
0x16: {  	s3 =	sld [smem:$0x3FDB];
	s0 =	simm.s32 @p2 $0x1  }
0x17: {  	s4 =	simm.s32 $0x1BF5;
	[smem:$0x3FA0] =	sst s0  }
0x18: {  	s0 =	sld [smem:$0x3F83];
	_ =	swait.ge [sflag:s4], $0x0  }
0x19: {  	s7 =	sld [smem:$0x3F84]  }
0x1a: {  	s8 =	sadd.s32 $0xFFFFE003, lr  }
0x1b: {  	s9 =	sadd.s32 $0xFFFFFEF7, lr;
	s5 =	simm.s32 $0xFFFFFFFF;
	p2 =	slt.u32 s8, $0xFFFFF086  }
0x1c: {  	p1 =	slt.u32 s9, $0xF7A;
	s5 =	simm.s32 @!p2 $0x0  }
0x1d: {  	s5 =	simm.s32 @p1 $0x1;
	p0 =	seq.s32 s7, s2  }
0x1e: {  	s7 =	smul.u32 @!p0 $0xF7A, s2;
	p2 =	seq.s32 @!p0 s5, $0x0  }
0x1f: {  	s9 =	smul.u32 $0xF7A, s1;
	s8 =	simm.s32 @!p0 $0x1BF5;
	p2 =	por !p2, p0  }
0x20: {  	[sflag:s8] =	ssyncset.s32 @!p0 $0xFFFFF086;
	s6 =	sadd.s32 @!p0 s3, s7;
	s7 =	simm.s32 @!p0 $0x108  }
0x21: {  	s3 =	sadd.s32 s3, s9;
	s6 =	sadd.s32 @!p0 $0x88, s6;
	s7 =	simm.s32 @p2 $0x1082  }
0x22: {  	[simem:s7], [sflag:s8] =	dma.local @!p0 [hbm:s6], $0xF7A  }
0x23: {  	s9 =	sor.u32 $0xD0000000, s2;
	s6 =	simm.s32 $0x108;
	_ =	swait.ge @!p0 [sflag:s8], $0x0  }
0x24: {  	s3 =	sadd.s32 $0x88, s3;
	s6 =	simm.s32 @!p1 $0x1082;
	[sflag:s4] =	ssyncset.s32 $0xFFFFF086  }
0x25: {  	[simem:s6], [sflag:s4] =	dma.local [hbm:s3], $0xF7A  }
0x26: {  	[smem:$0x3F84] =	sst s1;
	(tag) =	ssettag s2;
	_ =	strace s9  }
0x27: {  	s1 =	sld [smem:$0x3F94]  }
0x28: {  	s2 =	sld [smem:$0x3F95]  }
0x29: {  	s4 =	sld [smem:$0x3F97]  }
0x2a: {  	p0 =	seq.s32 s5, $0x0;
	s5 =	sld [smem:$0x3F98]  }
0x2b: {  	s6 =	sld [smem:$0x3F99]  }
0x2c: {  	s7 =	sld [smem:$0x3F9A]  }
0x2d: {  	s3 =	simm.s32 $0x108;
	s8 =	sld [smem:$0x3F9B]  }
0x2e: {  	s3 =	simm.s32 @!p0 $0x1082;
	s9 =	sld [smem:$0x3F9C]  }
0x2f: {  	lr =	sadd.s32 s0, s3;
	s0 =	sld [smem:$0x3F93]  }
0x30: {  	s3 =	sld [smem:$0x3F96]  }
0x31: {  	[smem:$0x3F9F] =	sst s10  }
0x32: {  	s10 =	sld [smem:$0x3F9D];
	_ =	sdelay $0x3  }
0x33: {  	p0 =	seq.s32 s10, $0x1;
	s10 =	sld [smem:$0x3F9F];
	_ =	sdelay $0x3  }
0x34: {  	[smem:$0x3F9F] =	sst s10  }
0x35: {  	s10 =	sld [smem:$0x3F9E];
	_ =	sdelay $0x3  }
0x36: {  	p1 =	seq.s32 s10, $0x1;
	s10 =	sld [smem:$0x3F9F];
	_ =	sdelay $0x3  }
0x37: {  	[smem:$0x3F9F] =	sst s10  }
0x38: {  	s10 =	sld [smem:$0x3FA0]  }
0x39: {  	_ = 	snop;
	(pc) =	sbr.ind lr, $3  }
0x3a: {  	_ = 	snop  }
0x3b: {  	_ = 	snop  }
0x3c: {  	p2 =	seq.s32 s10, $0x1;
	s10 =	sld [smem:$0x3F9F]  }
0x3d: {  	_ =	shalt  }
0x3e: {  	_ =	shalt  }
0x3f: {  	_ =	shalt  }
0x40: {  	_ =	shalt  }
0x41: {  	_ =	shalt  }
0x42: {  	_ =	shalt  }
0x43: {  	_ =	shalt  }
0x44: {  	_ =	shalt  }
0x45: {  	_ =	shalt  }
0x46: {  	_ =	shalt  }
0x47: {  	_ =	shalt  }
0x48: {  	_ =	shalt  }
0x49: {  	_ =	shalt  }
0x4a: {  	_ =	shalt  }
0x4b: {  	_ =	shalt  }
0x4c: {  	_ =	shalt  }
0x4d: {  	_ =	shalt  }
0x4e: {  	_ =	shalt  }
0x4f: {  	_ =	shalt  }
0x50: {  	_ =	shalt  }
0x51: {  	_ =	shalt  }
0x52: {  	_ =	shalt  }
0x53: {  	_ =	shalt  }
0x54: {  	_ =	shalt  }
0x55: {  	_ =	shalt  }
0x56: {  	_ =	shalt  }
0x57: {  	_ =	shalt  }
0x58: {  	_ =	shalt  }
0x59: {  	_ =	shalt  }
0x5a: {  	_ =	shalt  }
0x5b: {  	_ =	shalt  }
0x5c: {  	_ =	shalt  }
0x5d: {  	_ =	shalt  }
0x5e: {  	_ =	shalt  }
0x5f: {  	_ =	shalt  }
0x60: {  	_ =	shalt  }
0x61: {  	_ =	shalt  }
0x62: {  	_ =	shalt  }
0x63: {  	_ =	shalt  }
0x64: {  	_ =	shalt  }
0x65: {  	_ =	shalt  }
0x66: {  	_ =	shalt  }
0x67: {  	_ =	shalt  }
0x68: {  	_ =	shalt  }
0x69: {  	_ =	shalt  }
0x6a: {  	_ =	shalt  }
0x6b: {  	_ =	shalt  }
0x6c: {  	_ =	shalt  }
0x6d: {  	_ =	shalt  }
0x6e: {  	_ =	shalt  }
0x6f: {  	_ =	shalt  }
0x70: {  	_ =	shalt  }
0x71: {  	_ =	shalt  }
0x72: {  	_ =	shalt  }
0x73: {  	_ =	shalt  }
0x74: {  	_ =	shalt  }
0x75: {  	_ =	shalt  }
0x76: {  	_ =	shalt  }
0x77: {  	_ =	shalt  }
0x78: {  	_ =	shalt  }
0x79: {  	_ =	shalt  }
0x7a: {  	_ =	shalt  }
0x7b: {  	_ =	shalt  }
0x7c: {  	_ =	shalt  }
0x7d: {  	_ =	shalt  }
0x7e: {  	_ =	shalt  }
0x7f: {  	_ =	shalt  }
0x80: {  	_ =	shalt  }
0x81: {  	_ =	shalt  }
0x82: {  	_ =	shalt  }
0x83: {  	_ =	shalt  }
0x84: {  	_ =	shalt  }
0x85: {  	_ =	shalt  }
0x86: {  	_ =	shalt  }
0x87: {  	_ =	shalt  }
.Lfunc_end0:
.L_simem_size_0:
called_computation_lowered:
.L_overlay_start_0:
0x88: {  	s2 =	sld [smem:$0x3FD9]  }
0x89: {  	s3 =	sld [smem:$0x3FFE];
	_ =	sdelay $0x1  }
0x8a: {  	s1 =	srdreg.scid  }
0x8b: {  	s0 =	sand.u32 $0x1, s1  }
0x8c: {  	s16 =	sshll.u32 s0, $0xA;
	s2 =	sadd.s32 s3, s2  }
0x8d: {  	s2 =	sadd.s32 s2, s16  }
0x8e: {  	[smem:$0x3FAB] =	sst s2  }
0x8f: {  	_ = 	snop  }
0x90: {  	(tm) =	ssettm $0x1  }
0x91: {  	s17 =	sld [smem:$0x3FFB];
	_ =	sdelay $0x3  }
0x92: {  	_ =	strace s17  }
0x93: {  	s2 =	sld [smem:$0x3FFC];
	_ =	sdelay $0x3  }
0x94: {  	_ =	strace s2  }
0x95: {  	s2 =	sld [smem:$0x3FFD];
	_ =	sdelay $0x3  }
0x96: {  	_ =	strace s2  }
0x97: {  	_ =	strace $0x8FFFFFFF  }
0x98: {  	s18 =	sld [smem:$0x3FDB];
	_ =	sdelay $0x1  }
0x99: {  	s19 =	simm.s32 $_scs_section_size  }
0x9a: {  	s4 =	simm.s32 $_size__tile_overlayer_lowered;
	s5 =	simm.s32 $_tile_overlayer_lowered  }
0x9b: {  	s22 =	simm.s32 $0x1BFF;
	s21 =	sshll.u32 s5, $0x1;
	s2 =	sadd.s32 s19, s18  }
0x9c: {  	s6 =	simm.s32 $0x0;
	s20 =	sshll.u32 s4, $0x1;
	s4 =	sadd.s32 s21, s2  }
0x9d: {  	[timem:s6], [sflag:s22] =	dma.local [hbm:s4], s20  }
0x9e: {  	_ =	swait.ge [sflag:s22], s20  }
0x9f: {  	s3 =	ssub.s32 $0x0, s20;
	[sflag:s22] =	ssyncset.done $0x0  }
0xa0: {  	[sflag:s22] =	ssyncadd.s32 s3;
	_ =	sdelay $0x1  }
0xa1: {  	s23 =	simm.s32 $0x1B8B  }
0xa2: {  	_ =	swait.ge [sflag:s23], $0x1  }
0xa3: {  	[sflag:s23] =	ssyncset.done $0x0  }
0xa4: {  	s25 =	simm.s32 $0x1B8E;
	s24 =	sld [smem:$0x3FFE];
	[sflag:s23] =	ssyncadd.s32 $0xFFFFFFFF  }
0xa5: {  	s26 =	simm.s32 $execute0_lowered;
	[smem:$0x3FD2] =	sst s25  }
0xa6: {  	s4 =	sshll.u32 s26, $0x1;
	_ =	strace $0x80000046;
	[dreg:$0x1] =	wrdreg $0xFFFFFFFF  }
0xa7: {  	s28 =	simm.s32 $_size_execute0_lowered;
	s2 =	sadd.s32 s2, s4;
	[dreg:$0x0] =	wrdreg $0x0  }
0xa8: {  	s4 =	sshll.u32 s28, $0x1;
	[dreg:$0x2] =	wrdreg s2  }
0xa9: {  	[dreg:$0x3] =	wrdreg s4  }
0xaa: {  	[dreg:$0x4] =	wrdreg $0xC0  }
0xab: {  	_ =	task [dreg:s6], $0x5FFFF  }
0xac: {  	[dreg:$0x1] =	wrdreg $0xFFFFFFFF  }
0xad: {  	[dreg:$0x0] =	wrdreg $0x60  }
0xae: {  	[dreg:$0x2] =	wrdreg s24  }
0xaf: {  	[dreg:$0x3] =	wrdreg $0x9  }
0xb0: {  	_ =	task.clear_ibuf [dreg:s6], $0x4FFFF;
	_ =	strace $0x90000046  }
0xb1: {  	s29 =	simm.s32 $0x9;
	_ =	strace $0x80000048  }
0xb2: {  	_ =	swait.ge [sflag:s29], $0x1  }
0xb3: {  	[sflag:s29] =	ssyncadd.s32 $0xFFFFFFFF  }
0xb4: {  	_ =	strace $0x90000048  }
0xb5: {  	_ =	sfence  }
0xb6: {  	s30 =	sld [smem:$0x0];
	_ =	sdelay $0x2  }
0xb7: {  	s31 =	sshll.u32 s1, $0xD;
	s1 =	sshrl.u32 s1, $0x2  }
0xb8: {  	s3 =	sand.u32 $0x4000, s31;
	s1 =	sadd.s32 s1, s30  }
0xb9: {  	s0 =	sor.u32 s3, s0;
	s1 =	sshll.u32 s1, $0x11  }
0xba: {  	s0 =	sor.u32 s1, s0  }
0xbb: {  	s0 =	sadd.s32 $0x8F2B, s0  }
0xbc: {  	[sflag:s0] =	ssyncadd.remote.s32 $0x1  }
0xbd: {  	_ =	sfence.sel $0xFFFF  }
0xbe: {  	[dreg:$0x0] =	wrdreg $0xFFFFFFFF;
	(pc) =	sbr.abs _section_cstart, $3  }
0xbf: {  	[dreg:$0x1] =	wrdreg $0xFFFFFFFF  }
0xc0: {  	_ =	task.clear_ibuf [dreg:s6], $0x2FFFF;
	_ =	strace $0x9FFFFFFF  }
0xc1: {  	(tm) =	ssettm $0x7FFFFFFF  }
tec
execute0_lowered:
.L_overlay_start_1:
0x0: {  	(tag) =	ssettag $0x1  }
0x1: {  	s1 =	srdreg.scid  }
0x2: {  	s0 =	stileid.u32;
	s4 =	rddreg [dreg:$0x0];
	s2 =	simm.s32 $0x0  }
0x3: {  	s11 =	simm.s32 $0x5400;
	s12 =	simm.s32 $0x9400;
	s13 =	simm.s32 $0xD400  }
0x4: {  	s14 =	simm.s32 $0x1;
	s15 =	simm.s32 $0x0;
	s7 =	smul.u32 $0x140000, s0  }
0x5: {  	s5 =	sand.u32 $0x1, s1;
	s1 =	rddreg [dreg:$0x1];
	s28 =	smul.u32 $0x28000, s0  }
0x6: {  	s3 =	sshll.u32 s0, $0x1;
	[smem:$0x7FF] =	sst s2;
	s9 =	smul.u32 $0xA0000, s5  }
0x7: {  	s10 =	sadd.s32 $0x3AC00, s4;
	s3 =	sor.u32 s5, s3;
	s30 =	smul.u32 $0x14000, s5  }
0x8: {  	_ =	strace $0x80000047;
	s8 =	ssub.s32 $0x2, s5;
	s6 =	smul.u32 $0x1400, s3  }
0x9: {  	s3 =	sadd.s32 $0x9A00, s4;
	s26 =	sshrl.u32 s8, $0x1;
	s31 =	sadd.s32 s28, s10  }
0xa: {  	s8 =	ssub.s32 s8, s26;
	s7 =	sadd.s32 s9, s7;
	s9 =	simm.s32 $0x80  }
0xb: {  	s6 =	sshrl.u32 s6, $0x3;
	s29 =	sshrl.u32 s7, $0x3;
	s5 =	smax.u32 s8, $0x1  }
0xc: {  	s7 =	sadd.s32 s30, s31;
	s8 =	simm.s32 $0x2;
	s6 =	sadd.s32 s6, s4  }
0xd: {  	s4 =	sadd.s32 $0x30C00, s6;
	s6 =	sadd.s32 s29, s10;
	s10 =	simm.s32 $0x1400  }
.LBB2_1:
0xe: {  	[tilespmem:s2], [sflag:$0x2] =	stream.linear.gather [hbm4b:s4+s2], $0x1400, $0x38;
	[tilespmem:$0x11400] =	vst v63  }
0xf: {  	_ =	swait.ge [sflag:s8], $0x1400  }
0x10: {  	[sflag:s8] =	ssyncset.done $0x0  }
0x11: {  	[sflag:s8] =	ssyncadd.s32 $0xFFFFEC00  }
0x12: {  	[tilespmem:s10], [sflag:$0x1] =	stream.indirect.gather [hbm4b:s3+s9], $0x80, s2, s9, $0xb8;
	[tilespmem:$0x11400] =	vst v63  }
0x13: {  	s16 =	simm.s32 $0x80  }
0x14: {  	[tilespmem:s11], [sflag:$0x1] =	stream.indirect.gather [hbm4b:s3+s9], $0x80, s16, s9, $0xb8;
	[tilespmem:$0x11400] =	vst v63  }
0x15: {  	s26 =	simm.s32 $0x100  }
0x16: {  	[tilespmem:s12], [sflag:$0x1] =	stream.indirect.gather [hbm4b:s3+s9], $0x80, s26, s9, $0xb8;
	[tilespmem:$0x11400] =	vst v63  }
0x17: {  	s28 =	simm.s32 $0x180  }
0x18: {  	[tilespmem:s13], [sflag:$0x1] =	stream.indirect.gather [hbm4b:s3+s9], $0x80, s28, s9, $0xb8;
	[tilespmem:$0x11400] =	vst v63  }
0x19: {  	_ =	swait.ge [sflag:s14], $0x4000  }
0x1a: {  	[sflag:s14] =	ssyncset.done $0x0  }
0x1b: {  	s29 =	sadd.s32 $0x0, s6;
	[sflag:s14] =	ssyncadd.s32 $0xFFFFC000  }
0x1c: {  	[hbm4b:s29+s2] =	stream.linear.scatter [tilespmem:s10], [sflag:$0x2], $0x4000, $0x38;
	[tilespmem:$0x11400] =	vst v63  }
0x1d: {  	_ =	swait.ge [sflag:s8], $0x4000  }
0x1e: {  	[sflag:s8] =	ssyncset.done $0x0  }
0x1f: {  	[sflag:s8] =	ssyncadd.s32 $0xFFFFC000  }
0x20: {  	_ =	swait.ge [sflag:s14], $0x4000  }
0x21: {  	s30 =	sadd.s32 $0x0, s7;
	[sflag:s14] =	ssyncset.done $0x0  }
0x22: {  	s17 =	sadd.s32 $0x800, s30;
	[sflag:s14] =	ssyncadd.s32 $0xFFFFC000  }
0x23: {  	[hbm4b:s17+s2] =	stream.linear.scatter [tilespmem:s11], [sflag:$0x2], $0x4000, $0x38;
	[tilespmem:$0x11400] =	vst v63  }
0x24: {  	_ =	swait.ge [sflag:s8], $0x4000  }
0x25: {  	[sflag:s8] =	ssyncset.done $0x0  }
0x26: {  	[sflag:s8] =	ssyncadd.s32 $0xFFFFC000  }
0x27: {  	_ =	swait.ge [sflag:s14], $0x4000  }
0x28: {  	[sflag:s14] =	ssyncset.done $0x0  }
0x29: {  	s31 =	sadd.s32 $0x1000, s30;
	[sflag:s14] =	ssyncadd.s32 $0xFFFFC000  }
0x2a: {  	[hbm4b:s31+s2] =	stream.linear.scatter [tilespmem:s12], [sflag:$0x2], $0x4000, $0x38;
	[tilespmem:$0x11400] =	vst v63  }
0x2b: {  	_ =	swait.ge [sflag:s8], $0x4000  }
0x2c: {  	[sflag:s8] =	ssyncset.done $0x0  }
0x2d: {  	[sflag:s8] =	ssyncadd.s32 $0xFFFFC000  }
0x2e: {  	_ =	swait.ge [sflag:s14], $0x4000  }
0x2f: {  	[sflag:s14] =	ssyncset.done $0x0  }
0x30: {  	s16 =	sadd.s32 $0x1800, s30;
	[sflag:s14] =	ssyncadd.s32 $0xFFFFC000  }
0x31: {  	[hbm4b:s16+s2] =	stream.linear.scatter [tilespmem:s13], [sflag:$0x2], $0x4000, $0x38;
	[tilespmem:$0x11400] =	vst v63  }
0x32: {  	_ =	swait.ge [sflag:s8], $0x4000  }
0x33: {  	s17 =	simm.s32 $0x0;
	s16 =	simm.s32 $0x2000;
	[sflag:s8] =	ssyncset.done $0x0  }
.LBB2_2:
0x34: {  	p0 =	sne.s32 s16, $0x12000;
	[sflag:s8] =	ssyncadd.s32 $0xFFFFC000;
	s17 =	sadd.s32 $0x200, s17  }
0x35: {  	[tilespmem:s10], [sflag:$0x1] =	stream.indirect.gather [hbm4b:s3+s9], $0x80, s17, s9, $0xb8;
	[tilespmem:$0x11400] =	vst v63  }
0x36: {  	s19 =	smov.u32 s16;
	s16 =	sadd.s32 $0x2000, s16;
	s18 =	sadd.s32 $0x80, s17  }
0x37: {  	[tilespmem:s11], [sflag:$0x1] =	stream.indirect.gather [hbm4b:s3+s9], $0x80, s18, s9, $0xb8;
	[tilespmem:$0x11400] =	vst v63  }
0x38: {  	s18 =	sadd.s32 $0x100, s17  }
0x39: {  	[tilespmem:s12], [sflag:$0x1] =	stream.indirect.gather [hbm4b:s3+s9], $0x80, s18, s9, $0xb8;
	[tilespmem:$0x11400] =	vst v63  }
0x3a: {  	s18 =	sadd.s32 $0x180, s17  }
0x3b: {  	[tilespmem:s13], [sflag:$0x1] =	stream.indirect.gather [hbm4b:s3+s9], $0x80, s18, s9, $0xb8;
	[tilespmem:$0x11400] =	vst v63  }
0x3c: {  	_ =	swait.ge [sflag:s14], $0x4000  }
0x3d: {  	[sflag:s14] =	ssyncset.done $0x0  }
0x3e: {  	s18 =	sadd.s32 s19, s6;
	[sflag:s14] =	ssyncadd.s32 $0xFFFFC000  }
0x3f: {  	[hbm4b:s18+s2] =	stream.linear.scatter [tilespmem:s10], [sflag:$0x2], $0x4000, $0x38;
	[tilespmem:$0x11400] =	vst v63  }
0x40: {  	_ =	swait.ge [sflag:s8], $0x4000  }
0x41: {  	[sflag:s8] =	ssyncset.done $0x0  }
0x42: {  	[sflag:s8] =	ssyncadd.s32 $0xFFFFC000  }
0x43: {  	_ =	swait.ge [sflag:s14], $0x4000  }
0x44: {  	s18 =	sadd.s32 s19, s7;
	[sflag:s14] =	ssyncset.done $0x0  }
0x45: {  	s19 =	sadd.s32 $0x800, s18;
	[sflag:s14] =	ssyncadd.s32 $0xFFFFC000  }
0x46: {  	[hbm4b:s19+s2] =	stream.linear.scatter [tilespmem:s11], [sflag:$0x2], $0x4000, $0x38;
	[tilespmem:$0x11400] =	vst v63  }
0x47: {  	_ =	swait.ge [sflag:s8], $0x4000  }
0x48: {  	[sflag:s8] =	ssyncset.done $0x0  }
0x49: {  	[sflag:s8] =	ssyncadd.s32 $0xFFFFC000  }
0x4a: {  	_ =	swait.ge [sflag:s14], $0x4000  }
0x4b: {  	[sflag:s14] =	ssyncset.done $0x0  }
0x4c: {  	s19 =	sadd.s32 $0x1000, s18;
	[sflag:s14] =	ssyncadd.s32 $0xFFFFC000  }
0x4d: {  	[hbm4b:s19+s2] =	stream.linear.scatter [tilespmem:s12], [sflag:$0x2], $0x4000, $0x38;
	[tilespmem:$0x11400] =	vst v63  }
0x4e: {  	_ =	swait.ge [sflag:s8], $0x4000  }
0x4f: {  	[sflag:s8] =	ssyncset.done $0x0  }
0x50: {  	[sflag:s8] =	ssyncadd.s32 $0xFFFFC000  }
0x51: {  	_ =	swait.ge [sflag:s14], $0x4000  }
.Ltmp0:
0x52: {  	[sflag:s14] =	ssyncset.done $0x0;
	(pc) =	sbr.rel @p0 .LBB2_2-.Ltmp0, $4  }
0x53: {  	s18 =	sadd.s32 $0x1800, s18;
	[sflag:s14] =	ssyncadd.s32 $0xFFFFC000  }
0x54: {  	[hbm4b:s18+s2] =	stream.linear.scatter [tilespmem:s13], [sflag:$0x2], $0x4000, $0x38;
	[tilespmem:$0x11400] =	vst v63  }
0x55: {  	_ =	swait.ge [sflag:s8], $0x4000  }
0x56: {  	[sflag:s8] =	ssyncset.done $0x0  }
0x57: {  	s15 =	sadd.s32 $0x1, s15  }
0x58: {  	p0 =	sne.s32 s15, s5  }
.Ltmp1:
0x59: {  	_ = 	snop;
	(pc) =	sbr.rel @p0 .LBB2_1-.Ltmp1, $2  }
0x5a: {  	_ =	sdelay $0x2  }
0x5b: {  	[sflag:s8] =	ssyncadd.s32 $0xFFFFC000  }
0x5c: {  	_ =	sfence.sel $0x180000  }
0x5d: {  	[bflag:$0x0] =	sbarrier.arrive $0xFFFF  }
0x5e: {  	p0 =	sne.s32 s0, $0x0;
	_ =	strace $0x90000047  }
0x5f: {  	s0 =	sadd.s32 @!p0 $0x100000, s1;
	[bflag:$0x2] =	sbarrier.arrive $0xFFFF  }
0x60: {  	[sflag:s0] =	ssyncadd.tile.s32 @!p0 $0x1;
	_ =	shalt  }
.Lfunc_end2:
_tile_overlayer_lowered:
.L_overlay_start_2:
0x61: {  	(tag) =	ssettag $0x2  }
0x62: {  	s0 =	rddreg [dreg:$0x0];
	s2 =	stileid.u32  }
0x63: {  	s1 =	rddreg [dreg:$0x1];
	p0 =	sne.s32 s2, $0x0  }
0x64: {  	s3 =	rddreg [dreg:$0x2];
	[bflag:$0x3] =	sbarrier.arrive $0xFFFF;
	s2 =	simm.s32 @!p0 $0x1C02  }
0x65: {  	[timem:s3], [sflag:s2] =	dma.local @!p0 [hbm:s0], s1  }
0x66: {  	s0 =	simm.s32 @!p0 $0x2  }
0x67: {  	_ =	swait.ge @!p0 [sflag:s0], s1  }
0x68: {  	s1 =	ssub.s32 @!p0 $0x0, s1;
	[sflag:s0] =	ssyncset.done @!p0 $0x0  }
0x69: {  	[sflag:s0] =	ssyncadd.s32 @!p0 s1  }
0x6a: {  	[bflag:$0x3] =	sbarrier.arrive $0xFFFF  }
0x6b: {  	_ =	shalt  }

// kernel: kernel.19.cloned.1.call-start
scs
__scs_entry_jumppad:
0x0: {  	(pc) =	sbr.rel $0x88, $3  }
0x1: {  	(tag) =	ssettag $0x0;
	lr =	simm.s32 $0x1  }
0x2: {  	[smem:$0x3F84] =	sst lr;
	_ =	strace $0xD0000000  }
0x3: {  	_ = 	snop  }
0x4: {  	_ = 	snop  }
0x5: {  	_ = 	snop  }
0x6: {  	_ = 	snop  }
0x7: {  	_ = 	snop  }
__scs_overlays_trampoline_lowered:
0x8: {  	[smem:$0x3F93] =	sst s0  }
0x9: {  	[smem:$0x3F94] =	sst s1  }
0xa: {  	[smem:$0x3F95] =	sst s2  }
0xb: {  	[smem:$0x3F96] =	sst s3  }
0xc: {  	[smem:$0x3F97] =	sst s4  }
0xd: {  	[smem:$0x3F98] =	sst s5  }
0xe: {  	[smem:$0x3F99] =	sst s6  }
0xf: {  	[smem:$0x3F9A] =	sst s7  }
0x10: {  	[smem:$0x3F9B] =	sst s8  }
0x11: {  	[smem:$0x3F9C] =	sst s9;
	s0 =	simm.s32 @!p0 $0x0  }
0x12: {  	s1 =	sld [smem:$0x3F82];
	s0 =	simm.s32 @p0 $0x1  }
0x13: {  	[smem:$0x3F9D] =	sst s0;
	s0 =	simm.s32 @!p1 $0x0  }
0x14: {  	s2 =	sld [smem:$0x3F81];
	s0 =	simm.s32 @p1 $0x1  }
0x15: {  	[smem:$0x3F9E] =	sst s0;
	s0 =	simm.s32 @!p2 $0x0  }
0x16: {  	s3 =	sld [smem:$0x3FDB];
	s0 =	simm.s32 @p2 $0x1  }
0x17: {  	s4 =	simm.s32 $0x1BF5;
	[smem:$0x3FA0] =	sst s0  }
0x18: {  	s0 =	sld [smem:$0x3F83];
	_ =	swait.ge [sflag:s4], $0x0  }
0x19: {  	s7 =	sld [smem:$0x3F84]  }
0x1a: {  	s8 =	sadd.s32 $0xFFFFE003, lr  }
0x1b: {  	s9 =	sadd.s32 $0xFFFFFEF7, lr;
	s5 =	simm.s32 $0xFFFFFFFF;
	p2 =	slt.u32 s8, $0xFFFFF086  }
0x1c: {  	p1 =	slt.u32 s9, $0xF7A;
	s5 =	simm.s32 @!p2 $0x0  }
0x1d: {  	s5 =	simm.s32 @p1 $0x1;
	p0 =	seq.s32 s7, s2  }
0x1e: {  	s7 =	smul.u32 @!p0 $0xF7A, s2;
	p2 =	seq.s32 @!p0 s5, $0x0  }
0x1f: {  	s9 =	smul.u32 $0xF7A, s1;
	s8 =	simm.s32 @!p0 $0x1BF5;
	p2 =	por !p2, p0  }
0x20: {  	[sflag:s8] =	ssyncset.s32 @!p0 $0xFFFFF086;
	s6 =	sadd.s32 @!p0 s3, s7;
	s7 =	simm.s32 @!p0 $0x108  }
0x21: {  	s3 =	sadd.s32 s3, s9;
	s6 =	sadd.s32 @!p0 $0x88, s6;
	s7 =	simm.s32 @p2 $0x1082  }
0x22: {  	[simem:s7], [sflag:s8] =	dma.local @!p0 [hbm:s6], $0xF7A  }
0x23: {  	s9 =	sor.u32 $0xD0000000, s2;
	s6 =	simm.s32 $0x108;
	_ =	swait.ge @!p0 [sflag:s8], $0x0  }
0x24: {  	s3 =	sadd.s32 $0x88, s3;
	s6 =	simm.s32 @!p1 $0x1082;
	[sflag:s4] =	ssyncset.s32 $0xFFFFF086  }
0x25: {  	[simem:s6], [sflag:s4] =	dma.local [hbm:s3], $0xF7A  }
0x26: {  	[smem:$0x3F84] =	sst s1;
	(tag) =	ssettag s2;
	_ =	strace s9  }
0x27: {  	s1 =	sld [smem:$0x3F94]  }
0x28: {  	s2 =	sld [smem:$0x3F95]  }
0x29: {  	s4 =	sld [smem:$0x3F97]  }
0x2a: {  	p0 =	seq.s32 s5, $0x0;
	s5 =	sld [smem:$0x3F98]  }
0x2b: {  	s6 =	sld [smem:$0x3F99]  }
0x2c: {  	s7 =	sld [smem:$0x3F9A]  }
0x2d: {  	s3 =	simm.s32 $0x108;
	s8 =	sld [smem:$0x3F9B]  }
0x2e: {  	s3 =	simm.s32 @!p0 $0x1082;
	s9 =	sld [smem:$0x3F9C]  }
0x2f: {  	lr =	sadd.s32 s0, s3;
	s0 =	sld [smem:$0x3F93]  }
0x30: {  	s3 =	sld [smem:$0x3F96]  }
0x31: {  	[smem:$0x3F9F] =	sst s10  }
0x32: {  	s10 =	sld [smem:$0x3F9D];
	_ =	sdelay $0x3  }
0x33: {  	p0 =	seq.s32 s10, $0x1;
	s10 =	sld [smem:$0x3F9F];
	_ =	sdelay $0x3  }
0x34: {  	[smem:$0x3F9F] =	sst s10  }
0x35: {  	s10 =	sld [smem:$0x3F9E];
	_ =	sdelay $0x3  }
0x36: {  	p1 =	seq.s32 s10, $0x1;
	s10 =	sld [smem:$0x3F9F];
	_ =	sdelay $0x3  }
0x37: {  	[smem:$0x3F9F] =	sst s10  }
0x38: {  	s10 =	sld [smem:$0x3FA0]  }
0x39: {  	_ = 	snop;
	(pc) =	sbr.ind lr, $3  }
0x3a: {  	_ = 	snop  }
0x3b: {  	_ = 	snop  }
0x3c: {  	p2 =	seq.s32 s10, $0x1;
	s10 =	sld [smem:$0x3F9F]  }
0x3d: {  	_ =	shalt  }
0x3e: {  	_ =	shalt  }
0x3f: {  	_ =	shalt  }
0x40: {  	_ =	shalt  }
0x41: {  	_ =	shalt  }
0x42: {  	_ =	shalt  }
0x43: {  	_ =	shalt  }
0x44: {  	_ =	shalt  }
0x45: {  	_ =	shalt  }
0x46: {  	_ =	shalt  }
0x47: {  	_ =	shalt  }
0x48: {  	_ =	shalt  }
0x49: {  	_ =	shalt  }
0x4a: {  	_ =	shalt  }
0x4b: {  	_ =	shalt  }
0x4c: {  	_ =	shalt  }
0x4d: {  	_ =	shalt  }
0x4e: {  	_ =	shalt  }
0x4f: {  	_ =	shalt  }
0x50: {  	_ =	shalt  }
0x51: {  	_ =	shalt  }
0x52: {  	_ =	shalt  }
0x53: {  	_ =	shalt  }
0x54: {  	_ =	shalt  }
0x55: {  	_ =	shalt  }
0x56: {  	_ =	shalt  }
0x57: {  	_ =	shalt  }
0x58: {  	_ =	shalt  }
0x59: {  	_ =	shalt  }
0x5a: {  	_ =	shalt  }
0x5b: {  	_ =	shalt  }
0x5c: {  	_ =	shalt  }
0x5d: {  	_ =	shalt  }
0x5e: {  	_ =	shalt  }
0x5f: {  	_ =	shalt  }
0x60: {  	_ =	shalt  }
0x61: {  	_ =	shalt  }
0x62: {  	_ =	shalt  }
0x63: {  	_ =	shalt  }
0x64: {  	_ =	shalt  }
0x65: {  	_ =	shalt  }
0x66: {  	_ =	shalt  }
0x67: {  	_ =	shalt  }
0x68: {  	_ =	shalt  }
0x69: {  	_ =	shalt  }
0x6a: {  	_ =	shalt  }
0x6b: {  	_ =	shalt  }
0x6c: {  	_ =	shalt  }
0x6d: {  	_ =	shalt  }
0x6e: {  	_ =	shalt  }
0x6f: {  	_ =	shalt  }
0x70: {  	_ =	shalt  }
0x71: {  	_ =	shalt  }
0x72: {  	_ =	shalt  }
0x73: {  	_ =	shalt  }
0x74: {  	_ =	shalt  }
0x75: {  	_ =	shalt  }
0x76: {  	_ =	shalt  }
0x77: {  	_ =	shalt  }
0x78: {  	_ =	shalt  }
0x79: {  	_ =	shalt  }
0x7a: {  	_ =	shalt  }
0x7b: {  	_ =	shalt  }
0x7c: {  	_ =	shalt  }
0x7d: {  	_ =	shalt  }
0x7e: {  	_ =	shalt  }
0x7f: {  	_ =	shalt  }
0x80: {  	_ =	shalt  }
0x81: {  	_ =	shalt  }
0x82: {  	_ =	shalt  }
0x83: {  	_ =	shalt  }
0x84: {  	_ =	shalt  }
0x85: {  	_ =	shalt  }
0x86: {  	_ =	shalt  }
0x87: {  	_ =	shalt  }
.Lfunc_end0:
.L_simem_size_0:
called_computation.1_lowered:
.L_overlay_start_0:
0x88: {  	s2 =	sld [smem:$0x3FD9]  }
0x89: {  	s3 =	sld [smem:$0x3FFE];
	_ =	sdelay $0x1  }
0x8a: {  	s1 =	srdreg.scid  }
0x8b: {  	s0 =	sand.u32 $0x1, s1  }
0x8c: {  	s16 =	sshll.u32 s0, $0xA;
	s2 =	sadd.s32 s3, s2  }
0x8d: {  	s2 =	sadd.s32 s2, s16  }
0x8e: {  	[smem:$0x3FAB] =	sst s2  }
0x8f: {  	_ = 	snop  }
0x90: {  	(tm) =	ssettm $0x1  }
0x91: {  	s17 =	sld [smem:$0x3FFB];
	_ =	sdelay $0x3  }
0x92: {  	_ =	strace s17  }
0x93: {  	s2 =	sld [smem:$0x3FFC];
	_ =	sdelay $0x3  }
0x94: {  	_ =	strace s2  }
0x95: {  	s2 =	sld [smem:$0x3FFD];
	_ =	sdelay $0x3  }
0x96: {  	_ =	strace s2  }
0x97: {  	_ =	strace $0x8FFFFFFF  }
0x98: {  	s18 =	sld [smem:$0x3FDB];
	_ =	sdelay $0x1  }
0x99: {  	s19 =	simm.s32 $_scs_section_size  }
0x9a: {  	s4 =	simm.s32 $_size__tile_overlayer_lowered;
	s5 =	simm.s32 $_tile_overlayer_lowered  }
0x9b: {  	s22 =	simm.s32 $0x1BFF;
	s21 =	sshll.u32 s5, $0x1;
	s2 =	sadd.s32 s19, s18  }
0x9c: {  	s6 =	simm.s32 $0x0;
	s20 =	sshll.u32 s4, $0x1;
	s4 =	sadd.s32 s21, s2  }
0x9d: {  	[timem:s6], [sflag:s22] =	dma.local [hbm:s4], s20  }
0x9e: {  	_ =	swait.ge [sflag:s22], s20  }
0x9f: {  	s3 =	ssub.s32 $0x0, s20;
	[sflag:s22] =	ssyncset.done $0x0  }
0xa0: {  	[sflag:s22] =	ssyncadd.s32 s3;
	_ =	sdelay $0x1  }
0xa1: {  	s23 =	simm.s32 $0x1B8B  }
0xa2: {  	_ =	swait.ge [sflag:s23], $0x1  }
0xa3: {  	[sflag:s23] =	ssyncset.done $0x0  }
0xa4: {  	s25 =	simm.s32 $0x1B8E;
	s24 =	sld [smem:$0x3FFE];
	[sflag:s23] =	ssyncadd.s32 $0xFFFFFFFF  }
0xa5: {  	s26 =	simm.s32 $execute0_lowered;
	[smem:$0x3FD2] =	sst s25  }
0xa6: {  	s4 =	sshll.u32 s26, $0x1;
	_ =	strace $0x80000049;
	[dreg:$0x1] =	wrdreg $0xFFFFFFFF  }
0xa7: {  	s28 =	simm.s32 $_size_execute0_lowered;
	s2 =	sadd.s32 s2, s4;
	[dreg:$0x0] =	wrdreg $0x0  }
0xa8: {  	s4 =	sshll.u32 s28, $0x1;
	[dreg:$0x2] =	wrdreg s2  }
0xa9: {  	[dreg:$0x3] =	wrdreg s4  }
0xaa: {  	[dreg:$0x4] =	wrdreg $0xC0  }
0xab: {  	_ =	task [dreg:s6], $0x5FFFF  }
0xac: {  	[dreg:$0x1] =	wrdreg $0xFFFFFFFF  }
0xad: {  	[dreg:$0x0] =	wrdreg $0x60  }
0xae: {  	[dreg:$0x2] =	wrdreg s24  }
0xaf: {  	[dreg:$0x3] =	wrdreg $0x54000  }
0xb0: {  	[dreg:$0x4] =	wrdreg $0x9  }
0xb1: {  	_ =	task.clear_ibuf [dreg:s6], $0x5FFFF;
	_ =	strace $0x90000049  }
0xb2: {  	s29 =	simm.s32 $0x9;
	_ =	strace $0x8000004B  }
0xb3: {  	_ =	swait.ge [sflag:s29], $0x1  }
0xb4: {  	[sflag:s29] =	ssyncadd.s32 $0xFFFFFFFF  }
0xb5: {  	_ =	strace $0x9000004B  }
0xb6: {  	_ =	sfence  }
0xb7: {  	s30 =	sld [smem:$0x0];
	_ =	sdelay $0x2  }
0xb8: {  	s31 =	sshll.u32 s1, $0xD;
	s1 =	sshrl.u32 s1, $0x2  }
0xb9: {  	s3 =	sand.u32 $0x4000, s31;
	s1 =	sadd.s32 s1, s30  }
0xba: {  	s0 =	sor.u32 s3, s0;
	s1 =	sshll.u32 s1, $0x11  }
0xbb: {  	s0 =	sor.u32 s1, s0  }
0xbc: {  	s0 =	sadd.s32 $0x8F2B, s0  }
0xbd: {  	[sflag:s0] =	ssyncadd.remote.s32 $0x1  }
0xbe: {  	_ =	sfence.sel $0xFFFF  }
0xbf: {  	[dreg:$0x0] =	wrdreg $0xFFFFFFFF;
	(pc) =	sbr.abs _section_cstart, $3  }
0xc0: {  	[dreg:$0x1] =	wrdreg $0xFFFFFFFF  }
0xc1: {  	_ =	task.clear_ibuf [dreg:s6], $0x2FFFF;
	_ =	strace $0x9FFFFFFF  }
0xc2: {  	(tm) =	ssettm $0x7FFFFFFF  }
0xc3: {  	_ =	shalt  }
tec
execute0_lowered:
.L_overlay_start_1:
0x0: {  	(tag) =	ssettag $0x1  }
0x1: {  	s12 =	stileid.u32;
	s5 =	rddreg [dreg:$0x0]  }
0x2: {  	s0 =	srdreg.scid;
	s1 =	rddreg [dreg:$0x1]  }
0x3: {  	s2 =	simm.s32 $0x0;
	s11 =	simm.s32 $0x80;
	s3 =	smul.u32 $0x28000, s12  }
0x4: {  	s14 =	simm.s32 $0x0;
	s4 =	sand.u32 $0x1, s0;
	s8 =	smul.u32 $0x14000, s12  }
0x5: {  	s24 =	sshll.u32 s12, $0x1;
	[smem:$0x7FF] =	sst s2;
	s10 =	smul.u32 $0x50000, s12  }
0x6: {  	p0 =	sne.s32 s12, $0x0;
	s12 =	sshll.u32 s12, $0x6;
	s7 =	smul.u32 $0x140000, s4  }
0x7: {  	s0 =	sor.u32 s4, s24;
	s26 =	ssub.s32 $0x2, s4;
	s30 =	smul.u32 $0x14000, s4  }
0x8: {  	s12 =	sor.u32 $0x1C01, s12;
	s6 =	smul.u32 $0x1400, s0;
	s0 =	rddreg [dreg:$0x2]  }
0x9: {  	_ =	strace $0x8000004A;
	s9 =	sadd.s32 s3, s5;
	s3 =	sadd.s32 $0x3AC00, s5  }
0xa: {  	s28 =	sshrl.u32 s26, $0x1;
	s29 =	sshrl.u32 s10, $0x2;
	s10 =	simm.s32 $0x1400  }
0xb: {  	s25 =	sadd.s32 s8, s7;
	s13 =	sadd.s32 s29, s1;
	s31 =	sadd.s32 s30, s9  }
0xc: {  	s8 =	sshrl.u32 @!p0 s1, $0x3;
	s9 =	simm.s32 $0x1;
	s6 =	sshrl.u32 s6, $0x3  }
0xd: {  	s7 =	sshrl.u32 s25, $0x3;
	s13 =	sshrl.u32 s13, $0x3;
	s6 =	sadd.s32 s6, s5  }
0xe: {  	s5 =	sadd.s32 s7, s5;
	s7 =	ssub.s32 s26, s28;
	s4 =	sadd.s32 $0x35C00, s6  }
0xf: {  	s5 =	sadd.s32 $0x62C00, s5;
	s6 =	smax.u32 s7, $0x1;
	s7 =	sadd.s32 $0x7ABC00, s31  }
.LBB2_1:
0x10: {  	s15 =	simm.s32 @!p0 $0x1C01  }
0x11: {  	[spmem:s8], [sflag:s15] =	dma.local @!p0 [hbm:s3], $0x28000  }
0x12: {  	s15 =	simm.s32 @!p0 $0x1  }
0x13: {  	_ =	swait.ge @!p0 [sflag:s15], $0x28000  }
0x14: {  	[sflag:s15] =	ssyncset.done @!p0 $0x0  }
0x15: {  	[sflag:s15] =	ssyncadd.s32 @!p0 $0xFFFD8000  }
0x16: {  	[bflag:$0x0] =	sbarrier.arrive $0xFFFF  }
0x17: {  	[tilespmem:s2], [sflag:$0x1] =	stream.linear.gather [hbm4b:s4+s2], $0x1400, $0x38;
	[tilespmem:$0x19400] =	vst v63  }
0x18: {  	_ =	swait.ge [sflag:s9], $0x1400  }
0x19: {  	[sflag:s9] =	ssyncset.done $0x0  }
0x1a: {  	[sflag:s9] =	ssyncadd.s32 $0xFFFFEC00  }
0x1b: {  	[tilespmem:s10], [sflag:$0x1] =	stream.linear.gather [hbm4b:s7+s2], $0x4000, $0x38;
	[tilespmem:$0x19400] =	vst v63  }
0x1c: {  	_ =	swait.ge [sflag:s9], $0x4000  }
0x1d: {  	[sflag:s9] =	ssyncset.done $0x0  }
0x1e: {  	s31 =	simm.s32 $0x0;
	[sflag:s9] =	ssyncadd.s32 $0xFFFFC000  }
0x1f: {  	[spmem:s1] =	stream.indirect.scatter.add.f32 [tilespmem:s10], [sflag:$0x1], $0x80, s31, s11, $0xb8;
	[tilespmem:$0x19400] =	vst v63  }
0x20: {  	_ =	swait.ge [sflag:s9], $0x4000  }
0x21: {  	s16 =	smov.u32 s7;
	s15 =	simm.s32 $0x200;
	[sflag:s9] =	ssyncset.done $0x0  }
.LBB2_2:
0x22: {  	p1 =	sne.s32 s15, $0x4E00;
	[sflag:s9] =	ssyncadd.s32 $0xFFFFC000;
	s16 =	sadd.s32 $0x800, s16  }
0x23: {  	[tilespmem:s10], [sflag:$0x1] =	stream.linear.gather [hbm4b:s16+s2], $0x4000, $0x38;
	[tilespmem:$0x19400] =	vst v63  }
0x24: {  	s17 =	smov.u32 s15;
	s15 =	sadd.s32 $0x200, s15;
	_ =	swait.ge [sflag:s9], $0x4000  }
.Ltmp0:
0x25: {  	[sflag:s9] =	ssyncset.done $0x0;
	(pc) =	sbr.rel @p1 .LBB2_2-.Ltmp0, $4  }
0x26: {  	s17 =	sshra.s32 s17, $0x2;
	[sflag:s9] =	ssyncadd.s32 $0xFFFFC000  }
0x27: {  	[spmem:s1] =	stream.indirect.scatter.add.f32 [tilespmem:s10], [sflag:$0x1], $0x80, s17, s11, $0xb8;
	[tilespmem:$0x19400] =	vst v63  }
0x28: {  	_ =	swait.ge [sflag:s9], $0x4000  }
0x29: {  	[sflag:s9] =	ssyncset.done $0x0  }
0x2a: {  	s14 =	sadd.s32 $0x1, s14  }
0x2b: {  	[sflag:s9] =	ssyncadd.s32 $0xFFFFC000;
	p1 =	sne.s32 s14, s6  }
.Ltmp1:
0x2c: {  	[bflag:$0x0] =	sbarrier.arrive $0xFFFF;
	(pc) =	sbr.rel @p1 .LBB2_1-.Ltmp1, $4  }
0x2d: {  	[hbm:s5], [sflag:s12] =	dma.local [spmem:s13], $0x2800  }
0x2e: {  	_ =	swait.ge [sflag:s9], $0x2800  }
0x2f: {  	[sflag:s9] =	ssyncset.done $0x0  }
0x30: {  	[sflag:s9] =	ssyncadd.s32 $0xFFFFD800  }
0x31: {  	_ =	sfence.sel $0x180000  }
0x32: {  	[bflag:$0x0] =	sbarrier.arrive $0xFFFF  }
0x33: {  	_ =	strace $0x9000004A  }
0x34: {  	s0 =	sadd.s32 @!p0 $0x100000, s0;
	[bflag:$0x2] =	sbarrier.arrive $0xFFFF  }
0x35: {  	[sflag:s0] =	ssyncadd.tile.s32 @!p0 $0x1;
	_ =	shalt  }
.Lfunc_end2:
_tile_overlayer_lowered:
.L_overlay_start_2:
0x36: {  	(tag) =	ssettag $0x2  }
0x37: {  	s0 =	rddreg [dreg:$0x0];
	s2 =	stileid.u32  }
0x38: {  	s1 =	rddreg [dreg:$0x1];
	p0 =	sne.s32 s2, $0x0  }
0x39: {  	s3 =	rddreg [dreg:$0x2];
	[bflag:$0x3] =	sbarrier.arrive $0xFFFF;
	s2 =	simm.s32 @!p0 $0x1C01  }
0x3a: {  	[timem:s3], [sflag:s2] =	dma.local @!p0 [hbm:s0], s1  }
0x3b: {  	s0 =	simm.s32 @!p0 $0x1  }
0x3c: {  	_ =	swait.ge @!p0 [sflag:s0], s1  }
0x3d: {  	s1 =	ssub.s32 @!p0 $0x0, s1;
	[sflag:s0] =	ssyncset.done @!p0 $0x0  }
0x3e: {  	[sflag:s0] =	ssyncadd.s32 @!p0 s1  }
0x3f: {  	[bflag:$0x3] =	sbarrier.arrive $0xFFFF  }
0x40: {  	_ =	shalt  }

// kernel: kernel.22.cloned.1.call-start
scs
__scs_entry_jumppad:
0x0: {  	(pc) =	sbr.rel $0x88, $3  }
0x1: {  	(tag) =	ssettag $0x0;
	lr =	simm.s32 $0x1  }
0x2: {  	[smem:$0x3F84] =	sst lr;
	_ =	strace $0xD0000000  }
0x3: {  	_ = 	snop  }
0x4: {  	_ = 	snop  }
0x5: {  	_ = 	snop  }
0x6: {  	_ = 	snop  }
0x7: {  	_ = 	snop  }
__scs_overlays_trampoline_lowered:
0x8: {  	[smem:$0x3F93] =	sst s0  }
0x9: {  	[smem:$0x3F94] =	sst s1  }
0xa: {  	[smem:$0x3F95] =	sst s2  }
0xb: {  	[smem:$0x3F96] =	sst s3  }
0xc: {  	[smem:$0x3F97] =	sst s4  }
0xd: {  	[smem:$0x3F98] =	sst s5  }
0xe: {  	[smem:$0x3F99] =	sst s6  }
0xf: {  	[smem:$0x3F9A] =	sst s7  }
0x10: {  	[smem:$0x3F9B] =	sst s8  }
0x11: {  	[smem:$0x3F9C] =	sst s9;
	s0 =	simm.s32 @!p0 $0x0  }
0x12: {  	s1 =	sld [smem:$0x3F82];
	s0 =	simm.s32 @p0 $0x1  }
0x13: {  	[smem:$0x3F9D] =	sst s0;
	s0 =	simm.s32 @!p1 $0x0  }
0x14: {  	s2 =	sld [smem:$0x3F81];
	s0 =	simm.s32 @p1 $0x1  }
0x15: {  	[smem:$0x3F9E] =	sst s0;
	s0 =	simm.s32 @!p2 $0x0  }
0x16: {  	s3 =	sld [smem:$0x3FDB];
	s0 =	simm.s32 @p2 $0x1  }
0x17: {  	s4 =	simm.s32 $0x1BF5;
	[smem:$0x3FA0] =	sst s0  }
0x18: {  	s0 =	sld [smem:$0x3F83];
	_ =	swait.ge [sflag:s4], $0x0  }
0x19: {  	s7 =	sld [smem:$0x3F84]  }
0x1a: {  	s8 =	sadd.s32 $0xFFFFE003, lr  }
0x1b: {  	s9 =	sadd.s32 $0xFFFFFEF7, lr;
	s5 =	simm.s32 $0xFFFFFFFF;
	p2 =	slt.u32 s8, $0xFFFFF086  }
0x1c: {  	p1 =	slt.u32 s9, $0xF7A;
	s5 =	simm.s32 @!p2 $0x0  }
0x1d: {  	s5 =	simm.s32 @p1 $0x1;
	p0 =	seq.s32 s7, s2  }
0x1e: {  	s7 =	smul.u32 @!p0 $0xF7A, s2;
	p2 =	seq.s32 @!p0 s5, $0x0  }
0x1f: {  	s9 =	smul.u32 $0xF7A, s1;
	s8 =	simm.s32 @!p0 $0x1BF5;
	p2 =	por !p2, p0  }
0x20: {  	[sflag:s8] =	ssyncset.s32 @!p0 $0xFFFFF086;
	s6 =	sadd.s32 @!p0 s3, s7;
	s7 =	simm.s32 @!p0 $0x108  }
0x21: {  	s3 =	sadd.s32 s3, s9;
	s6 =	sadd.s32 @!p0 $0x88, s6;
	s7 =	simm.s32 @p2 $0x1082  }
0x22: {  	[simem:s7], [sflag:s8] =	dma.local @!p0 [hbm:s6], $0xF7A  }
0x23: {  	s9 =	sor.u32 $0xD0000000, s2;
	s6 =	simm.s32 $0x108;
	_ =	swait.ge @!p0 [sflag:s8], $0x0  }
0x24: {  	s3 =	sadd.s32 $0x88, s3;
	s6 =	simm.s32 @!p1 $0x1082;
	[sflag:s4] =	ssyncset.s32 $0xFFFFF086  }
0x25: {  	[simem:s6], [sflag:s4] =	dma.local [hbm:s3], $0xF7A  }
0x26: {  	[smem:$0x3F84] =	sst s1;
	(tag) =	ssettag s2;
	_ =	strace s9  }
0x27: {  	s1 =	sld [smem:$0x3F94]  }
0x28: {  	s2 =	sld [smem:$0x3F95]  }
0x29: {  	s4 =	sld [smem:$0x3F97]  }
0x2a: {  	p0 =	seq.s32 s5, $0x0;
	s5 =	sld [smem:$0x3F98]  }
0x2b: {  	s6 =	sld [smem:$0x3F99]  }
0x2c: {  	s7 =	sld [smem:$0x3F9A]  }
0x2d: {  	s3 =	simm.s32 $0x108;
	s8 =	sld [smem:$0x3F9B]  }
0x2e: {  	s3 =	simm.s32 @!p0 $0x1082;
	s9 =	sld [smem:$0x3F9C]  }
0x2f: {  	lr =	sadd.s32 s0, s3;
	s0 =	sld [smem:$0x3F93]  }
0x30: {  	s3 =	sld [smem:$0x3F96]  }
0x31: {  	[smem:$0x3F9F] =	sst s10  }
0x32: {  	s10 =	sld [smem:$0x3F9D];
	_ =	sdelay $0x3  }
0x33: {  	p0 =	seq.s32 s10, $0x1;
	s10 =	sld [smem:$0x3F9F];
	_ =	sdelay $0x3  }
0x34: {  	[smem:$0x3F9F] =	sst s10  }
0x35: {  	s10 =	sld [smem:$0x3F9E];
	_ =	sdelay $0x3  }
0x36: {  	p1 =	seq.s32 s10, $0x1;
	s10 =	sld [smem:$0x3F9F];
	_ =	sdelay $0x3  }
0x37: {  	[smem:$0x3F9F] =	sst s10  }
0x38: {  	s10 =	sld [smem:$0x3FA0]  }
0x39: {  	_ = 	snop;
	(pc) =	sbr.ind lr, $3  }
0x3a: {  	_ = 	snop  }
0x3b: {  	_ = 	snop  }
0x3c: {  	p2 =	seq.s32 s10, $0x1;
	s10 =	sld [smem:$0x3F9F]  }
0x3d: {  	_ =	shalt  }
0x3e: {  	_ =	shalt  }
0x3f: {  	_ =	shalt  }
0x40: {  	_ =	shalt  }
0x41: {  	_ =	shalt  }
0x42: {  	_ =	shalt  }
0x43: {  	_ =	shalt  }
0x44: {  	_ =	shalt  }
0x45: {  	_ =	shalt  }
0x46: {  	_ =	shalt  }
0x47: {  	_ =	shalt  }
0x48: {  	_ =	shalt  }
0x49: {  	_ =	shalt  }
0x4a: {  	_ =	shalt  }
0x4b: {  	_ =	shalt  }
0x4c: {  	_ =	shalt  }
0x4d: {  	_ =	shalt  }
0x4e: {  	_ =	shalt  }
0x4f: {  	_ =	shalt  }
0x50: {  	_ =	shalt  }
0x51: {  	_ =	shalt  }
0x52: {  	_ =	shalt  }
0x53: {  	_ =	shalt  }
0x54: {  	_ =	shalt  }
0x55: {  	_ =	shalt  }
0x56: {  	_ =	shalt  }
0x57: {  	_ =	shalt  }
0x58: {  	_ =	shalt  }
0x59: {  	_ =	shalt  }
0x5a: {  	_ =	shalt  }
0x5b: {  	_ =	shalt  }
0x5c: {  	_ =	shalt  }
0x5d: {  	_ =	shalt  }
0x5e: {  	_ =	shalt  }
0x5f: {  	_ =	shalt  }
0x60: {  	_ =	shalt  }
0x61: {  	_ =	shalt  }
0x62: {  	_ =	shalt  }
0x63: {  	_ =	shalt  }
0x64: {  	_ =	shalt  }
0x65: {  	_ =	shalt  }
0x66: {  	_ =	shalt  }
0x67: {  	_ =	shalt  }
0x68: {  	_ =	shalt  }
0x69: {  	_ =	shalt  }
0x6a: {  	_ =	shalt  }
0x6b: {  	_ =	shalt  }
0x6c: {  	_ =	shalt  }
0x6d: {  	_ =	shalt  }
0x6e: {  	_ =	shalt  }
0x6f: {  	_ =	shalt  }
0x70: {  	_ =	shalt  }
0x71: {  	_ =	shalt  }
0x72: {  	_ =	shalt  }
0x73: {  	_ =	shalt  }
0x74: {  	_ =	shalt  }
0x75: {  	_ =	shalt  }
0x76: {  	_ =	shalt  }
0x77: {  	_ =	shalt  }
0x78: {  	_ =	shalt  }
0x79: {  	_ =	shalt  }
0x7a: {  	_ =	shalt  }
0x7b: {  	_ =	shalt  }
0x7c: {  	_ =	shalt  }
0x7d: {  	_ =	shalt  }
0x7e: {  	_ =	shalt  }
0x7f: {  	_ =	shalt  }
0x80: {  	_ =	shalt  }
0x81: {  	_ =	shalt  }
0x82: {  	_ =	shalt  }
0x83: {  	_ =	shalt  }
0x84: {  	_ =	shalt  }
0x85: {  	_ =	shalt  }
0x86: {  	_ =	shalt  }
0x87: {  	_ =	shalt  }
.Lfunc_end0:
.L_simem_size_0:
called_computation.2_lowered:
.L_overlay_start_0:
0x88: {  	s2 =	sld [smem:$0x3FD9]  }
0x89: {  	s3 =	sld [smem:$0x3FFE];
	_ =	sdelay $0x1  }
0x8a: {  	s1 =	srdreg.scid  }
0x8b: {  	s0 =	sand.u32 $0x1, s1  }
0x8c: {  	s16 =	sshll.u32 s0, $0xA;
	s2 =	sadd.s32 s3, s2  }
0x8d: {  	s2 =	sadd.s32 s2, s16  }
0x8e: {  	[smem:$0x3FAB] =	sst s2  }
0x8f: {  	_ = 	snop  }
0x90: {  	(tm) =	ssettm $0x1  }
0x91: {  	s17 =	sld [smem:$0x3FFB];
	_ =	sdelay $0x3  }
0x92: {  	_ =	strace s17  }
0x93: {  	s2 =	sld [smem:$0x3FFC];
	_ =	sdelay $0x3  }
0x94: {  	_ =	strace s2  }
0x95: {  	s2 =	sld [smem:$0x3FFD];
	_ =	sdelay $0x3  }
0x96: {  	_ =	strace s2  }
0x97: {  	_ =	strace $0x8FFFFFFF  }
0x98: {  	s18 =	sld [smem:$0x3FDB];
	_ =	sdelay $0x1  }
0x99: {  	s19 =	simm.s32 $_scs_section_size  }
0x9a: {  	s4 =	simm.s32 $_size__tile_overlayer_lowered;
	s5 =	simm.s32 $_tile_overlayer_lowered  }
0x9b: {  	s22 =	simm.s32 $0x1BFF;
	s21 =	sshll.u32 s5, $0x1;
	s2 =	sadd.s32 s19, s18  }
0x9c: {  	s6 =	simm.s32 $0x0;
	s20 =	sshll.u32 s4, $0x1;
	s4 =	sadd.s32 s21, s2  }
0x9d: {  	[timem:s6], [sflag:s22] =	dma.local [hbm:s4], s20  }
0x9e: {  	_ =	swait.ge [sflag:s22], s20  }
0x9f: {  	s3 =	ssub.s32 $0x0, s20;
	[sflag:s22] =	ssyncset.done $0x0  }
0xa0: {  	[sflag:s22] =	ssyncadd.s32 s3;
	_ =	sdelay $0x1  }
0xa1: {  	s23 =	simm.s32 $0x1B8B  }
0xa2: {  	_ =	swait.ge [sflag:s23], $0x1  }
0xa3: {  	[sflag:s23] =	ssyncset.done $0x0  }
0xa4: {  	s25 =	simm.s32 $0x1B8E;
	s24 =	sld [smem:$0x3FFE];
	[sflag:s23] =	ssyncadd.s32 $0xFFFFFFFF  }
0xa5: {  	s26 =	simm.s32 $execute0_lowered;
	[smem:$0x3FD2] =	sst s25  }
0xa6: {  	s4 =	sshll.u32 s26, $0x1;
	_ =	strace $0x8000004C;
	[dreg:$0x1] =	wrdreg $0xFFFFFFFF  }
0xa7: {  	s28 =	simm.s32 $_size_execute0_lowered;
	s2 =	sadd.s32 s2, s4;
	[dreg:$0x0] =	wrdreg $0x0  }
0xa8: {  	s4 =	sshll.u32 s28, $0x1;
	[dreg:$0x2] =	wrdreg s2  }
0xa9: {  	[dreg:$0x3] =	wrdreg s4  }
0xaa: {  	[dreg:$0x4] =	wrdreg $0xC0  }
0xab: {  	_ =	task [dreg:s6], $0x5FFFF  }
0xac: {  	[dreg:$0x1] =	wrdreg $0xFFFFFFFF  }
0xad: {  	[dreg:$0x0] =	wrdreg $0x60  }
0xae: {  	[dreg:$0x2] =	wrdreg s24  }
0xaf: {  	[dreg:$0x3] =	wrdreg $0x9  }
0xb0: {  	_ =	task.clear_ibuf [dreg:s6], $0x4FFFF;
	_ =	strace $0x9000004C  }
0xb1: {  	s29 =	simm.s32 $0x9;
	_ =	strace $0x8000004E  }
0xb2: {  	_ =	swait.ge [sflag:s29], $0x1  }
0xb3: {  	[sflag:s29] =	ssyncadd.s32 $0xFFFFFFFF  }
0xb4: {  	_ =	strace $0x9000004E  }
0xb5: {  	_ =	sfence  }
0xb6: {  	s30 =	sld [smem:$0x0];
	_ =	sdelay $0x2  }
0xb7: {  	s31 =	sshll.u32 s1, $0xD;
	s1 =	sshrl.u32 s1, $0x2  }
0xb8: {  	s3 =	sand.u32 $0x4000, s31;
	s1 =	sadd.s32 s1, s30  }
0xb9: {  	s0 =	sor.u32 s3, s0;
	s1 =	sshll.u32 s1, $0x11  }
0xba: {  	s0 =	sor.u32 s1, s0  }
0xbb: {  	s0 =	sadd.s32 $0x8F2B, s0  }
0xbc: {  	[sflag:s0] =	ssyncadd.remote.s32 $0x1  }
0xbd: {  	_ =	sfence.sel $0xFFFF  }
0xbe: {  	[dreg:$0x0] =	wrdreg $0xFFFFFFFF;
	(pc) =	sbr.abs _section_cstart, $3  }
0xbf: {  	[dreg:$0x1] =	wrdreg $0xFFFFFFFF  }
0xc0: {  	_ =	task.clear_ibuf [dreg:s6], $0x2FFFF;
	_ =	strace $0x9FFFFFFF  }
0xc1: {  	(tm) =	ssettm $0x7FFFFFFF  }
tec
execute0_lowered:
.L_overlay_start_1:
0x0: {  	(tag) =	ssettag $0x1  }
0x1: {  	s1 =	srdreg.scid  }
0x2: {  	s0 =	stileid.u32;
	s4 =	rddreg [dreg:$0x0];
	s2 =	simm.s32 $0x0  }
0x3: {  	s11 =	simm.s32 $0x5400;
	s12 =	simm.s32 $0x9400;
	s13 =	simm.s32 $0xD400  }
0x4: {  	s14 =	simm.s32 $0x1;
	s15 =	simm.s32 $0x0;
	s7 =	smul.u32 $0x140000, s0  }
0x5: {  	s5 =	sand.u32 $0x1, s1;
	s1 =	rddreg [dreg:$0x1];
	s28 =	smul.u32 $0x28000, s0  }
0x6: {  	s3 =	sshll.u32 s0, $0x1;
	[smem:$0x7FF] =	sst s2;
	s9 =	smul.u32 $0xA0000, s5  }
0x7: {  	s10 =	sadd.s32 $0x89E00, s4;
	s3 =	sor.u32 s5, s3;
	s30 =	smul.u32 $0x14000, s5  }
0x8: {  	_ =	strace $0x8000004D;
	s8 =	ssub.s32 $0x2, s5;
	s6 =	smul.u32 $0x1400, s3  }
0x9: {  	s3 =	sadd.s32 $0x62C00, s4;
	s26 =	sshrl.u32 s8, $0x1;
	s31 =	sadd.s32 s28, s10  }
0xa: {  	s8 =	ssub.s32 s8, s26;
	s7 =	sadd.s32 s9, s7;
	s9 =	simm.s32 $0x80  }
0xb: {  	s6 =	sshrl.u32 s6, $0x3;
	s29 =	sshrl.u32 s7, $0x3;
	s5 =	smax.u32 s8, $0x1  }
0xc: {  	s7 =	sadd.s32 s30, s31;
	s8 =	simm.s32 $0x2;
	s6 =	sadd.s32 s6, s4  }
0xd: {  	s4 =	sadd.s32 $0x30C00, s6;
	s6 =	sadd.s32 s29, s10;
	s10 =	simm.s32 $0x1400  }
.LBB2_1:
0xe: {  	[tilespmem:s2], [sflag:$0x2] =	stream.linear.gather [hbm4b:s4+s2], $0x1400, $0x38;
	[tilespmem:$0x11400] =	vst v63  }
0xf: {  	_ =	swait.ge [sflag:s8], $0x1400  }
0x10: {  	[sflag:s8] =	ssyncset.done $0x0  }
0x11: {  	[sflag:s8] =	ssyncadd.s32 $0xFFFFEC00  }
0x12: {  	[tilespmem:s10], [sflag:$0x1] =	stream.indirect.gather [hbm4b:s3+s9], $0x80, s2, s9, $0xb8;
	[tilespmem:$0x11400] =	vst v63  }
0x13: {  	s16 =	simm.s32 $0x80  }
0x14: {  	[tilespmem:s11], [sflag:$0x1] =	stream.indirect.gather [hbm4b:s3+s9], $0x80, s16, s9, $0xb8;
	[tilespmem:$0x11400] =	vst v63  }
0x15: {  	s26 =	simm.s32 $0x100  }
0x16: {  	[tilespmem:s12], [sflag:$0x1] =	stream.indirect.gather [hbm4b:s3+s9], $0x80, s26, s9, $0xb8;
	[tilespmem:$0x11400] =	vst v63  }
0x17: {  	s28 =	simm.s32 $0x180  }
0x18: {  	[tilespmem:s13], [sflag:$0x1] =	stream.indirect.gather [hbm4b:s3+s9], $0x80, s28, s9, $0xb8;
	[tilespmem:$0x11400] =	vst v63  }
0x19: {  	_ =	swait.ge [sflag:s14], $0x4000  }
0x1a: {  	[sflag:s14] =	ssyncset.done $0x0  }
0x1b: {  	s29 =	sadd.s32 $0x0, s6;
	[sflag:s14] =	ssyncadd.s32 $0xFFFFC000  }
0x1c: {  	[hbm4b:s29+s2] =	stream.linear.scatter [tilespmem:s10], [sflag:$0x2], $0x4000, $0x38;
	[tilespmem:$0x11400] =	vst v63  }
0x1d: {  	_ =	swait.ge [sflag:s8], $0x4000  }
0x1e: {  	[sflag:s8] =	ssyncset.done $0x0  }
0x1f: {  	[sflag:s8] =	ssyncadd.s32 $0xFFFFC000  }
0x20: {  	_ =	swait.ge [sflag:s14], $0x4000  }
0x21: {  	s30 =	sadd.s32 $0x0, s7;
	[sflag:s14] =	ssyncset.done $0x0  }
0x22: {  	s17 =	sadd.s32 $0x800, s30;
	[sflag:s14] =	ssyncadd.s32 $0xFFFFC000  }
0x23: {  	[hbm4b:s17+s2] =	stream.linear.scatter [tilespmem:s11], [sflag:$0x2], $0x4000, $0x38;
	[tilespmem:$0x11400] =	vst v63  }
0x24: {  	_ =	swait.ge [sflag:s8], $0x4000  }
0x25: {  	[sflag:s8] =	ssyncset.done $0x0  }
0x26: {  	[sflag:s8] =	ssyncadd.s32 $0xFFFFC000  }
0x27: {  	_ =	swait.ge [sflag:s14], $0x4000  }
0x28: {  	[sflag:s14] =	ssyncset.done $0x0  }
0x29: {  	s31 =	sadd.s32 $0x1000, s30;
	[sflag:s14] =	ssyncadd.s32 $0xFFFFC000  }
0x2a: {  	[hbm4b:s31+s2] =	stream.linear.scatter [tilespmem:s12], [sflag:$0x2], $0x4000, $0x38;
	[tilespmem:$0x11400] =	vst v63  }
0x2b: {  	_ =	swait.ge [sflag:s8], $0x4000  }
0x2c: {  	[sflag:s8] =	ssyncset.done $0x0  }
0x2d: {  	[sflag:s8] =	ssyncadd.s32 $0xFFFFC000  }
0x2e: {  	_ =	swait.ge [sflag:s14], $0x4000  }
0x2f: {  	[sflag:s14] =	ssyncset.done $0x0  }
0x30: {  	s16 =	sadd.s32 $0x1800, s30;
	[sflag:s14] =	ssyncadd.s32 $0xFFFFC000  }
0x31: {  	[hbm4b:s16+s2] =	stream.linear.scatter [tilespmem:s13], [sflag:$0x2], $0x4000, $0x38;
	[tilespmem:$0x11400] =	vst v63  }
0x32: {  	_ =	swait.ge [sflag:s8], $0x4000  }
0x33: {  	s17 =	simm.s32 $0x0;
	s16 =	simm.s32 $0x2000;
	[sflag:s8] =	ssyncset.done $0x0  }
.LBB2_2:
0x34: {  	p0 =	sne.s32 s16, $0x12000;
	[sflag:s8] =	ssyncadd.s32 $0xFFFFC000;
	s17 =	sadd.s32 $0x200, s17  }
0x35: {  	[tilespmem:s10], [sflag:$0x1] =	stream.indirect.gather [hbm4b:s3+s9], $0x80, s17, s9, $0xb8;
	[tilespmem:$0x11400] =	vst v63  }
0x36: {  	s19 =	smov.u32 s16;
	s16 =	sadd.s32 $0x2000, s16;
	s18 =	sadd.s32 $0x80, s17  }
0x37: {  	[tilespmem:s11], [sflag:$0x1] =	stream.indirect.gather [hbm4b:s3+s9], $0x80, s18, s9, $0xb8;
	[tilespmem:$0x11400] =	vst v63  }
0x38: {  	s18 =	sadd.s32 $0x100, s17  }
0x39: {  	[tilespmem:s12], [sflag:$0x1] =	stream.indirect.gather [hbm4b:s3+s9], $0x80, s18, s9, $0xb8;
	[tilespmem:$0x11400] =	vst v63  }
0x3a: {  	s18 =	sadd.s32 $0x180, s17  }
0x3b: {  	[tilespmem:s13], [sflag:$0x1] =	stream.indirect.gather [hbm4b:s3+s9], $0x80, s18, s9, $0xb8;
	[tilespmem:$0x11400] =	vst v63  }
0x3c: {  	_ =	swait.ge [sflag:s14], $0x4000  }
0x3d: {  	[sflag:s14] =	ssyncset.done $0x0  }
0x3e: {  	s18 =	sadd.s32 s19, s6;
	[sflag:s14] =	ssyncadd.s32 $0xFFFFC000  }
0x3f: {  	[hbm4b:s18+s2] =	stream.linear.scatter [tilespmem:s10], [sflag:$0x2], $0x4000, $0x38;
	[tilespmem:$0x11400] =	vst v63  }
0x40: {  	_ =	swait.ge [sflag:s8], $0x4000  }
0x41: {  	[sflag:s8] =	ssyncset.done $0x0  }
0x42: {  	[sflag:s8] =	ssyncadd.s32 $0xFFFFC000  }
0x43: {  	_ =	swait.ge [sflag:s14], $0x4000  }
0x44: {  	s18 =	sadd.s32 s19, s7;
	[sflag:s14] =	ssyncset.done $0x0  }
0x45: {  	s19 =	sadd.s32 $0x800, s18;
	[sflag:s14] =	ssyncadd.s32 $0xFFFFC000  }
0x46: {  	[hbm4b:s19+s2] =	stream.linear.scatter [tilespmem:s11], [sflag:$0x2], $0x4000, $0x38;
	[tilespmem:$0x11400] =	vst v63  }
0x47: {  	_ =	swait.ge [sflag:s8], $0x4000  }
0x48: {  	[sflag:s8] =	ssyncset.done $0x0  }
0x49: {  	[sflag:s8] =	ssyncadd.s32 $0xFFFFC000  }
0x4a: {  	_ =	swait.ge [sflag:s14], $0x4000  }
0x4b: {  	[sflag:s14] =	ssyncset.done $0x0  }
0x4c: {  	s19 =	sadd.s32 $0x1000, s18;
	[sflag:s14] =	ssyncadd.s32 $0xFFFFC000  }
0x4d: {  	[hbm4b:s19+s2] =	stream.linear.scatter [tilespmem:s12], [sflag:$0x2], $0x4000, $0x38;
	[tilespmem:$0x11400] =	vst v63  }
0x4e: {  	_ =	swait.ge [sflag:s8], $0x4000  }
0x4f: {  	[sflag:s8] =	ssyncset.done $0x0  }
0x50: {  	[sflag:s8] =	ssyncadd.s32 $0xFFFFC000  }
0x51: {  	_ =	swait.ge [sflag:s14], $0x4000  }
.Ltmp0:
0x52: {  	[sflag:s14] =	ssyncset.done $0x0;
	(pc) =	sbr.rel @p0 .LBB2_2-.Ltmp0, $4  }
0x53: {  	s18 =	sadd.s32 $0x1800, s18;
	[sflag:s14] =	ssyncadd.s32 $0xFFFFC000  }
0x54: {  	[hbm4b:s18+s2] =	stream.linear.scatter [tilespmem:s13], [sflag:$0x2], $0x4000, $0x38;
	[tilespmem:$0x11400] =	vst v63  }
0x55: {  	_ =	swait.ge [sflag:s8], $0x4000  }
0x56: {  	[sflag:s8] =	ssyncset.done $0x0  }
0x57: {  	s15 =	sadd.s32 $0x1, s15  }
0x58: {  	p0 =	sne.s32 s15, s5  }
.Ltmp1:
0x59: {  	_ = 	snop;
	(pc) =	sbr.rel @p0 .LBB2_1-.Ltmp1, $2  }
0x5a: {  	_ =	sdelay $0x2  }
0x5b: {  	[sflag:s8] =	ssyncadd.s32 $0xFFFFC000  }
0x5c: {  	_ =	sfence.sel $0x180000  }
0x5d: {  	[bflag:$0x0] =	sbarrier.arrive $0xFFFF  }
0x5e: {  	p0 =	sne.s32 s0, $0x0;
	_ =	strace $0x9000004D  }
0x5f: {  	s0 =	sadd.s32 @!p0 $0x100000, s1;
	[bflag:$0x2] =	sbarrier.arrive $0xFFFF  }
0x60: {  	[sflag:s0] =	ssyncadd.tile.s32 @!p0 $0x1;
	_ =	shalt  }
.Lfunc_end2:
_tile_overlayer_lowered:
.L_overlay_start_2:
0x61: {  	(tag) =	ssettag $0x2  }
0x62: {  	s0 =	rddreg [dreg:$0x0];
	s2 =	stileid.u32  }
0x63: {  	s1 =	rddreg [dreg:$0x1];
	p0 =	sne.s32 s2, $0x0  }
0x64: {  	s3 =	rddreg [dreg:$0x2];
	[bflag:$0x3] =	sbarrier.arrive $0xFFFF;
	s2 =	simm.s32 @!p0 $0x1C02  }
0x65: {  	[timem:s3], [sflag:s2] =	dma.local @!p0 [hbm:s0], s1  }
0x66: {  	s0 =	simm.s32 @!p0 $0x2  }
0x67: {  	_ =	swait.ge @!p0 [sflag:s0], s1  }
0x68: {  	s1 =	ssub.s32 @!p0 $0x0, s1;
	[sflag:s0] =	ssyncset.done @!p0 $0x0  }
0x69: {  	[sflag:s0] =	ssyncadd.s32 @!p0 s1  }
0x6a: {  	[bflag:$0x3] =	sbarrier.arrive $0xFFFF  }
0x6b: {  	_ =	shalt  }

// kernel: kernel.25.cloned.1.call-start
scs
__scs_entry_jumppad:
0x0: {  	(pc) =	sbr.rel $0x88, $3  }
0x1: {  	(tag) =	ssettag $0x0;
	lr =	simm.s32 $0x1  }
0x2: {  	[smem:$0x3F84] =	sst lr;
	_ =	strace $0xD0000000  }
0x3: {  	_ = 	snop  }
0x4: {  	_ = 	snop  }
0x5: {  	_ = 	snop  }
0x6: {  	_ = 	snop  }
0x7: {  	_ = 	snop  }
__scs_overlays_trampoline_lowered:
0x8: {  	[smem:$0x3F93] =	sst s0  }
0x9: {  	[smem:$0x3F94] =	sst s1  }
0xa: {  	[smem:$0x3F95] =	sst s2  }
0xb: {  	[smem:$0x3F96] =	sst s3  }
0xc: {  	[smem:$0x3F97] =	sst s4  }
0xd: {  	[smem:$0x3F98] =	sst s5  }
0xe: {  	[smem:$0x3F99] =	sst s6  }
0xf: {  	[smem:$0x3F9A] =	sst s7  }
0x10: {  	[smem:$0x3F9B] =	sst s8  }
0x11: {  	[smem:$0x3F9C] =	sst s9;
	s0 =	simm.s32 @!p0 $0x0  }
0x12: {  	s1 =	sld [smem:$0x3F82];
	s0 =	simm.s32 @p0 $0x1  }
0x13: {  	[smem:$0x3F9D] =	sst s0;
	s0 =	simm.s32 @!p1 $0x0  }
0x14: {  	s2 =	sld [smem:$0x3F81];
	s0 =	simm.s32 @p1 $0x1  }
0x15: {  	[smem:$0x3F9E] =	sst s0;
	s0 =	simm.s32 @!p2 $0x0  }
0x16: {  	s3 =	sld [smem:$0x3FDB];
	s0 =	simm.s32 @p2 $0x1  }
0x17: {  	s4 =	simm.s32 $0x1BF5;
	[smem:$0x3FA0] =	sst s0  }
0x18: {  	s0 =	sld [smem:$0x3F83];
	_ =	swait.ge [sflag:s4], $0x0  }
0x19: {  	s7 =	sld [smem:$0x3F84]  }
0x1a: {  	s8 =	sadd.s32 $0xFFFFE003, lr  }
0x1b: {  	s9 =	sadd.s32 $0xFFFFFEF7, lr;
	s5 =	simm.s32 $0xFFFFFFFF;
	p2 =	slt.u32 s8, $0xFFFFF086  }
0x1c: {  	p1 =	slt.u32 s9, $0xF7A;
	s5 =	simm.s32 @!p2 $0x0  }
0x1d: {  	s5 =	simm.s32 @p1 $0x1;
	p0 =	seq.s32 s7, s2  }
0x1e: {  	s7 =	smul.u32 @!p0 $0xF7A, s2;
	p2 =	seq.s32 @!p0 s5, $0x0  }
0x1f: {  	s9 =	smul.u32 $0xF7A, s1;
	s8 =	simm.s32 @!p0 $0x1BF5;
	p2 =	por !p2, p0  }
0x20: {  	[sflag:s8] =	ssyncset.s32 @!p0 $0xFFFFF086;
	s6 =	sadd.s32 @!p0 s3, s7;
	s7 =	simm.s32 @!p0 $0x108  }
0x21: {  	s3 =	sadd.s32 s3, s9;
	s6 =	sadd.s32 @!p0 $0x88, s6;
	s7 =	simm.s32 @p2 $0x1082  }
0x22: {  	[simem:s7], [sflag:s8] =	dma.local @!p0 [hbm:s6], $0xF7A  }
0x23: {  	s9 =	sor.u32 $0xD0000000, s2;
	s6 =	simm.s32 $0x108;
	_ =	swait.ge @!p0 [sflag:s8], $0x0  }
0x24: {  	s3 =	sadd.s32 $0x88, s3;
	s6 =	simm.s32 @!p1 $0x1082;
	[sflag:s4] =	ssyncset.s32 $0xFFFFF086  }
0x25: {  	[simem:s6], [sflag:s4] =	dma.local [hbm:s3], $0xF7A  }
0x26: {  	[smem:$0x3F84] =	sst s1;
	(tag) =	ssettag s2;
	_ =	strace s9  }
0x27: {  	s1 =	sld [smem:$0x3F94]  }
0x28: {  	s2 =	sld [smem:$0x3F95]  }
0x29: {  	s4 =	sld [smem:$0x3F97]  }
0x2a: {  	p0 =	seq.s32 s5, $0x0;
	s5 =	sld [smem:$0x3F98]  }
0x2b: {  	s6 =	sld [smem:$0x3F99]  }
0x2c: {  	s7 =	sld [smem:$0x3F9A]  }
0x2d: {  	s3 =	simm.s32 $0x108;
	s8 =	sld [smem:$0x3F9B]  }
0x2e: {  	s3 =	simm.s32 @!p0 $0x1082;
	s9 =	sld [smem:$0x3F9C]  }
0x2f: {  	lr =	sadd.s32 s0, s3;
	s0 =	sld [smem:$0x3F93]  }
0x30: {  	s3 =	sld [smem:$0x3F96]  }
0x31: {  	[smem:$0x3F9F] =	sst s10  }
0x32: {  	s10 =	sld [smem:$0x3F9D];
	_ =	sdelay $0x3  }
0x33: {  	p0 =	seq.s32 s10, $0x1;
	s10 =	sld [smem:$0x3F9F];
	_ =	sdelay $0x3  }
0x34: {  	[smem:$0x3F9F] =	sst s10  }
0x35: {  	s10 =	sld [smem:$0x3F9E];
	_ =	sdelay $0x3  }
0x36: {  	p1 =	seq.s32 s10, $0x1;
	s10 =	sld [smem:$0x3F9F];
	_ =	sdelay $0x3  }
0x37: {  	[smem:$0x3F9F] =	sst s10  }
0x38: {  	s10 =	sld [smem:$0x3FA0]  }
0x39: {  	_ = 	snop;
	(pc) =	sbr.ind lr, $3  }
0x3a: {  	_ = 	snop  }
0x3b: {  	_ = 	snop  }
0x3c: {  	p2 =	seq.s32 s10, $0x1;
	s10 =	sld [smem:$0x3F9F]  }
0x3d: {  	_ =	shalt  }
0x3e: {  	_ =	shalt  }
0x3f: {  	_ =	shalt  }
0x40: {  	_ =	shalt  }
0x41: {  	_ =	shalt  }
0x42: {  	_ =	shalt  }
0x43: {  	_ =	shalt  }
0x44: {  	_ =	shalt  }
0x45: {  	_ =	shalt  }
0x46: {  	_ =	shalt  }
0x47: {  	_ =	shalt  }
0x48: {  	_ =	shalt  }
0x49: {  	_ =	shalt  }
0x4a: {  	_ =	shalt  }
0x4b: {  	_ =	shalt  }
0x4c: {  	_ =	shalt  }
0x4d: {  	_ =	shalt  }
0x4e: {  	_ =	shalt  }
0x4f: {  	_ =	shalt  }
0x50: {  	_ =	shalt  }
0x51: {  	_ =	shalt  }
0x52: {  	_ =	shalt  }
0x53: {  	_ =	shalt  }
0x54: {  	_ =	shalt  }
0x55: {  	_ =	shalt  }
0x56: {  	_ =	shalt  }
0x57: {  	_ =	shalt  }
0x58: {  	_ =	shalt  }
0x59: {  	_ =	shalt  }
0x5a: {  	_ =	shalt  }
0x5b: {  	_ =	shalt  }
0x5c: {  	_ =	shalt  }
0x5d: {  	_ =	shalt  }
0x5e: {  	_ =	shalt  }
0x5f: {  	_ =	shalt  }
0x60: {  	_ =	shalt  }
0x61: {  	_ =	shalt  }
0x62: {  	_ =	shalt  }
0x63: {  	_ =	shalt  }
0x64: {  	_ =	shalt  }
0x65: {  	_ =	shalt  }
0x66: {  	_ =	shalt  }
0x67: {  	_ =	shalt  }
0x68: {  	_ =	shalt  }
0x69: {  	_ =	shalt  }
0x6a: {  	_ =	shalt  }
0x6b: {  	_ =	shalt  }
0x6c: {  	_ =	shalt  }
0x6d: {  	_ =	shalt  }
0x6e: {  	_ =	shalt  }
0x6f: {  	_ =	shalt  }
0x70: {  	_ =	shalt  }
0x71: {  	_ =	shalt  }
0x72: {  	_ =	shalt  }
0x73: {  	_ =	shalt  }
0x74: {  	_ =	shalt  }
0x75: {  	_ =	shalt  }
0x76: {  	_ =	shalt  }
0x77: {  	_ =	shalt  }
0x78: {  	_ =	shalt  }
0x79: {  	_ =	shalt  }
0x7a: {  	_ =	shalt  }
0x7b: {  	_ =	shalt  }
0x7c: {  	_ =	shalt  }
0x7d: {  	_ =	shalt  }
0x7e: {  	_ =	shalt  }
0x7f: {  	_ =	shalt  }
0x80: {  	_ =	shalt  }
0x81: {  	_ =	shalt  }
0x82: {  	_ =	shalt  }
0x83: {  	_ =	shalt  }
0x84: {  	_ =	shalt  }
0x85: {  	_ =	shalt  }
0x86: {  	_ =	shalt  }
0x87: {  	_ =	shalt  }
.Lfunc_end0:
.L_simem_size_0:
called_computation.3_lowered:
.L_overlay_start_0:
0x88: {  	s2 =	sld [smem:$0x3FD9]  }
0x89: {  	s3 =	sld [smem:$0x3FFE];
	_ =	sdelay $0x1  }
0x8a: {  	s1 =	srdreg.scid  }
0x8b: {  	s0 =	sand.u32 $0x1, s1  }
0x8c: {  	s16 =	sshll.u32 s0, $0xA;
	s2 =	sadd.s32 s3, s2  }
0x8d: {  	s2 =	sadd.s32 s2, s16  }
0x8e: {  	[smem:$0x3FAB] =	sst s2  }
0x8f: {  	_ = 	snop  }
0x90: {  	(tm) =	ssettm $0x1  }
0x91: {  	s17 =	sld [smem:$0x3FFB];
	_ =	sdelay $0x3  }
0x92: {  	_ =	strace s17  }
0x93: {  	s2 =	sld [smem:$0x3FFC];
	_ =	sdelay $0x3  }
0x94: {  	_ =	strace s2  }
0x95: {  	s2 =	sld [smem:$0x3FFD];
	_ =	sdelay $0x3  }
0x96: {  	_ =	strace s2  }
0x97: {  	_ =	strace $0x8FFFFFFF  }
0x98: {  	s18 =	sld [smem:$0x3FDB];
	_ =	sdelay $0x1  }
0x99: {  	s19 =	simm.s32 $_scs_section_size  }
0x9a: {  	s4 =	simm.s32 $_size__tile_overlayer_lowered;
	s5 =	simm.s32 $_tile_overlayer_lowered  }
0x9b: {  	s22 =	simm.s32 $0x1BFF;
	s21 =	sshll.u32 s5, $0x1;
	s2 =	sadd.s32 s19, s18  }
0x9c: {  	s6 =	simm.s32 $0x0;
	s20 =	sshll.u32 s4, $0x1;
	s4 =	sadd.s32 s21, s2  }
0x9d: {  	[timem:s6], [sflag:s22] =	dma.local [hbm:s4], s20  }
0x9e: {  	_ =	swait.ge [sflag:s22], s20  }
0x9f: {  	s3 =	ssub.s32 $0x0, s20;
	[sflag:s22] =	ssyncset.done $0x0  }
0xa0: {  	[sflag:s22] =	ssyncadd.s32 s3;
	_ =	sdelay $0x1  }
0xa1: {  	s23 =	simm.s32 $0x1B8B  }
0xa2: {  	_ =	swait.ge [sflag:s23], $0x1  }
0xa3: {  	[sflag:s23] =	ssyncset.done $0x0  }
0xa4: {  	s25 =	simm.s32 $0x1B8E;
	s24 =	sld [smem:$0x3FFE];
	[sflag:s23] =	ssyncadd.s32 $0xFFFFFFFF  }
0xa5: {  	s26 =	simm.s32 $execute0_lowered;
	[smem:$0x3FD2] =	sst s25  }
0xa6: {  	s4 =	sshll.u32 s26, $0x1;
	_ =	strace $0x8000004F;
	[dreg:$0x1] =	wrdreg $0xFFFFFFFF  }
0xa7: {  	s28 =	simm.s32 $_size_execute0_lowered;
	s2 =	sadd.s32 s2, s4;
	[dreg:$0x0] =	wrdreg $0x0  }
0xa8: {  	s4 =	sshll.u32 s28, $0x1;
	[dreg:$0x2] =	wrdreg s2  }
0xa9: {  	[dreg:$0x3] =	wrdreg s4  }
0xaa: {  	[dreg:$0x4] =	wrdreg $0xC0  }
0xab: {  	_ =	task [dreg:s6], $0x5FFFF  }
0xac: {  	[dreg:$0x1] =	wrdreg $0xFFFFFFFF  }
0xad: {  	[dreg:$0x0] =	wrdreg $0x60  }
0xae: {  	[dreg:$0x2] =	wrdreg s24  }
0xaf: {  	[dreg:$0x3] =	wrdreg $0x54000  }
0xb0: {  	[dreg:$0x4] =	wrdreg $0x9  }
0xb1: {  	_ =	task.clear_ibuf [dreg:s6], $0x5FFFF;
	_ =	strace $0x9000004F  }
0xb2: {  	s29 =	simm.s32 $0x9;
	_ =	strace $0x80000051  }
0xb3: {  	_ =	swait.ge [sflag:s29], $0x1  }
0xb4: {  	[sflag:s29] =	ssyncadd.s32 $0xFFFFFFFF  }
0xb5: {  	_ =	strace $0x90000051  }
0xb6: {  	_ =	sfence  }
0xb7: {  	s30 =	sld [smem:$0x0];
	_ =	sdelay $0x2  }
0xb8: {  	s31 =	sshll.u32 s1, $0xD;
	s1 =	sshrl.u32 s1, $0x2  }
0xb9: {  	s3 =	sand.u32 $0x4000, s31;
	s1 =	sadd.s32 s1, s30  }
0xba: {  	s0 =	sor.u32 s3, s0;
	s1 =	sshll.u32 s1, $0x11  }
0xbb: {  	s0 =	sor.u32 s1, s0  }
0xbc: {  	s0 =	sadd.s32 $0x8F2B, s0  }
0xbd: {  	[sflag:s0] =	ssyncadd.remote.s32 $0x1  }
0xbe: {  	_ =	sfence.sel $0xFFFF  }
0xbf: {  	[dreg:$0x0] =	wrdreg $0xFFFFFFFF;
	(pc) =	sbr.abs _section_cstart, $3  }
0xc0: {  	[dreg:$0x1] =	wrdreg $0xFFFFFFFF  }
0xc1: {  	_ =	task.clear_ibuf [dreg:s6], $0x2FFFF;
	_ =	strace $0x9FFFFFFF  }
0xc2: {  	(tm) =	ssettm $0x7FFFFFFF  }
0xc3: {  	_ =	shalt  }
tec
execute0_lowered:
.L_overlay_start_1:
0x0: {  	(tag) =	ssettag $0x1  }
0x1: {  	s12 =	stileid.u32;
	s5 =	rddreg [dreg:$0x0]  }
0x2: {  	s0 =	srdreg.scid;
	s1 =	rddreg [dreg:$0x1]  }
0x3: {  	s2 =	simm.s32 $0x0;
	s11 =	simm.s32 $0x80;
	s3 =	smul.u32 $0x28000, s12  }
0x4: {  	s14 =	simm.s32 $0x0;
	s4 =	sand.u32 $0x1, s0;
	s8 =	smul.u32 $0x14000, s12  }
0x5: {  	s24 =	sshll.u32 s12, $0x1;
	[smem:$0x7FF] =	sst s2;
	s10 =	smul.u32 $0x50000, s12  }
0x6: {  	p0 =	sne.s32 s12, $0x0;
	s12 =	sshll.u32 s12, $0x6;
	s7 =	smul.u32 $0x140000, s4  }
0x7: {  	s0 =	sor.u32 s4, s24;
	s26 =	ssub.s32 $0x2, s4;
	s30 =	smul.u32 $0x14000, s4  }
0x8: {  	s12 =	sor.u32 $0x1C01, s12;
	s6 =	smul.u32 $0x1400, s0;
	s0 =	rddreg [dreg:$0x2]  }
0x9: {  	_ =	strace $0x80000050;
	s9 =	sadd.s32 s3, s5;
	s3 =	sadd.s32 $0x3AC00, s5  }
0xa: {  	s28 =	sshrl.u32 s26, $0x1;
	s29 =	sshrl.u32 s10, $0x2;
	s10 =	simm.s32 $0x1400  }
0xb: {  	s25 =	sadd.s32 s8, s7;
	s13 =	sadd.s32 s29, s1;
	s31 =	sadd.s32 s30, s9  }
0xc: {  	s8 =	sshrl.u32 @!p0 s1, $0x3;
	s9 =	simm.s32 $0x1;
	s6 =	sshrl.u32 s6, $0x3  }
0xd: {  	s7 =	sshrl.u32 s25, $0x3;
	s13 =	sshrl.u32 s13, $0x3;
	s6 =	sadd.s32 s6, s5  }
0xe: {  	s5 =	sadd.s32 s7, s5;
	s7 =	ssub.s32 s26, s28;
	s4 =	sadd.s32 $0x35C00, s6  }
0xf: {  	s5 =	sadd.s32 $0x89E00, s5;
	s6 =	smax.u32 s7, $0x1;
	s7 =	sadd.s32 $0x7ABC00, s31  }
.LBB2_1:
0x10: {  	s15 =	simm.s32 @!p0 $0x1C01  }
0x11: {  	[spmem:s8], [sflag:s15] =	dma.local @!p0 [hbm:s3], $0x28000  }
0x12: {  	s15 =	simm.s32 @!p0 $0x1  }
0x13: {  	_ =	swait.ge @!p0 [sflag:s15], $0x28000  }
0x14: {  	[sflag:s15] =	ssyncset.done @!p0 $0x0  }
0x15: {  	[sflag:s15] =	ssyncadd.s32 @!p0 $0xFFFD8000  }
0x16: {  	[bflag:$0x0] =	sbarrier.arrive $0xFFFF  }
0x17: {  	[tilespmem:s2], [sflag:$0x1] =	stream.linear.gather [hbm4b:s4+s2], $0x1400, $0x38;
	[tilespmem:$0x19400] =	vst v63  }
0x18: {  	_ =	swait.ge [sflag:s9], $0x1400  }
0x19: {  	[sflag:s9] =	ssyncset.done $0x0  }
0x1a: {  	[sflag:s9] =	ssyncadd.s32 $0xFFFFEC00  }
0x1b: {  	[tilespmem:s10], [sflag:$0x1] =	stream.linear.gather [hbm4b:s7+s2], $0x4000, $0x38;
	[tilespmem:$0x19400] =	vst v63  }
0x1c: {  	_ =	swait.ge [sflag:s9], $0x4000  }
0x1d: {  	[sflag:s9] =	ssyncset.done $0x0  }
0x1e: {  	s31 =	simm.s32 $0x0;
	[sflag:s9] =	ssyncadd.s32 $0xFFFFC000  }
0x1f: {  	[spmem:s1] =	stream.indirect.scatter.add.f32 [tilespmem:s10], [sflag:$0x1], $0x80, s31, s11, $0xb8;
	[tilespmem:$0x19400] =	vst v63  }
0x20: {  	_ =	swait.ge [sflag:s9], $0x4000  }
0x21: {  	s16 =	smov.u32 s7;
	s15 =	simm.s32 $0x200;
	[sflag:s9] =	ssyncset.done $0x0  }
.LBB2_2:
0x22: {  	p1 =	sne.s32 s15, $0x4E00;
	[sflag:s9] =	ssyncadd.s32 $0xFFFFC000;
	s16 =	sadd.s32 $0x800, s16  }
0x23: {  	[tilespmem:s10], [sflag:$0x1] =	stream.linear.gather [hbm4b:s16+s2], $0x4000, $0x38;
	[tilespmem:$0x19400] =	vst v63  }
0x24: {  	s17 =	smov.u32 s15;
	s15 =	sadd.s32 $0x200, s15;
	_ =	swait.ge [sflag:s9], $0x4000  }
.Ltmp0:
0x25: {  	[sflag:s9] =	ssyncset.done $0x0;
	(pc) =	sbr.rel @p1 .LBB2_2-.Ltmp0, $4  }
0x26: {  	s17 =	sshra.s32 s17, $0x2;
	[sflag:s9] =	ssyncadd.s32 $0xFFFFC000  }
0x27: {  	[spmem:s1] =	stream.indirect.scatter.add.f32 [tilespmem:s10], [sflag:$0x1], $0x80, s17, s11, $0xb8;
	[tilespmem:$0x19400] =	vst v63  }
0x28: {  	_ =	swait.ge [sflag:s9], $0x4000  }
0x29: {  	[sflag:s9] =	ssyncset.done $0x0  }
0x2a: {  	s14 =	sadd.s32 $0x1, s14  }
0x2b: {  	[sflag:s9] =	ssyncadd.s32 $0xFFFFC000;
	p1 =	sne.s32 s14, s6  }
.Ltmp1:
0x2c: {  	[bflag:$0x0] =	sbarrier.arrive $0xFFFF;
	(pc) =	sbr.rel @p1 .LBB2_1-.Ltmp1, $4  }
0x2d: {  	[hbm:s5], [sflag:s12] =	dma.local [spmem:s13], $0x2800  }
0x2e: {  	_ =	swait.ge [sflag:s9], $0x2800  }
0x2f: {  	[sflag:s9] =	ssyncset.done $0x0  }
0x30: {  	[sflag:s9] =	ssyncadd.s32 $0xFFFFD800  }
0x31: {  	_ =	sfence.sel $0x180000  }
0x32: {  	[bflag:$0x0] =	sbarrier.arrive $0xFFFF  }
0x33: {  	_ =	strace $0x90000050  }
0x34: {  	s0 =	sadd.s32 @!p0 $0x100000, s0;
	[bflag:$0x2] =	sbarrier.arrive $0xFFFF  }
0x35: {  	[sflag:s0] =	ssyncadd.tile.s32 @!p0 $0x1;
	_ =	shalt  }
.Lfunc_end2:
_tile_overlayer_lowered:
.L_overlay_start_2:
0x36: {  	(tag) =	ssettag $0x2  }
0x37: {  	s0 =	rddreg [dreg:$0x0];
	s2 =	stileid.u32  }
0x38: {  	s1 =	rddreg [dreg:$0x1];
	p0 =	sne.s32 s2, $0x0  }
0x39: {  	s3 =	rddreg [dreg:$0x2];
	[bflag:$0x3] =	sbarrier.arrive $0xFFFF;
	s2 =	simm.s32 @!p0 $0x1C01  }
0x3a: {  	[timem:s3], [sflag:s2] =	dma.local @!p0 [hbm:s0], s1  }
0x3b: {  	s0 =	simm.s32 @!p0 $0x1  }
0x3c: {  	_ =	swait.ge @!p0 [sflag:s0], s1  }
0x3d: {  	s1 =	ssub.s32 @!p0 $0x0, s1;
	[sflag:s0] =	ssyncset.done @!p0 $0x0  }
0x3e: {  	[sflag:s0] =	ssyncadd.s32 @!p0 s1  }
0x3f: {  	[bflag:$0x3] =	sbarrier.arrive $0xFFFF  }
0x40: {  	_ =	shalt  }

// kernel: kernel.28.cloned.1.call-start
scs
__scs_entry_jumppad:
0x0: {  	(pc) =	sbr.rel $0x88, $3  }
0x1: {  	(tag) =	ssettag $0x0;
	lr =	simm.s32 $0x1  }
0x2: {  	[smem:$0x3F84] =	sst lr;
	_ =	strace $0xD0000000  }
0x3: {  	_ = 	snop  }
0x4: {  	_ = 	snop  }
0x5: {  	_ = 	snop  }
0x6: {  	_ = 	snop  }
0x7: {  	_ = 	snop  }
__scs_overlays_trampoline_lowered:
0x8: {  	[smem:$0x3F93] =	sst s0  }
0x9: {  	[smem:$0x3F94] =	sst s1  }
0xa: {  	[smem:$0x3F95] =	sst s2  }
0xb: {  	[smem:$0x3F96] =	sst s3  }
0xc: {  	[smem:$0x3F97] =	sst s4  }
0xd: {  	[smem:$0x3F98] =	sst s5  }
0xe: {  	[smem:$0x3F99] =	sst s6  }
0xf: {  	[smem:$0x3F9A] =	sst s7  }
0x10: {  	[smem:$0x3F9B] =	sst s8  }
0x11: {  	[smem:$0x3F9C] =	sst s9;
	s0 =	simm.s32 @!p0 $0x0  }
0x12: {  	s1 =	sld [smem:$0x3F82];
	s0 =	simm.s32 @p0 $0x1  }
0x13: {  	[smem:$0x3F9D] =	sst s0;
	s0 =	simm.s32 @!p1 $0x0  }
0x14: {  	s2 =	sld [smem:$0x3F81];
	s0 =	simm.s32 @p1 $0x1  }
0x15: {  	[smem:$0x3F9E] =	sst s0;
	s0 =	simm.s32 @!p2 $0x0  }
0x16: {  	s3 =	sld [smem:$0x3FDB];
	s0 =	simm.s32 @p2 $0x1  }
0x17: {  	s4 =	simm.s32 $0x1BF5;
	[smem:$0x3FA0] =	sst s0  }
0x18: {  	s0 =	sld [smem:$0x3F83];
	_ =	swait.ge [sflag:s4], $0x0  }
0x19: {  	s7 =	sld [smem:$0x3F84]  }
0x1a: {  	s8 =	sadd.s32 $0xFFFFE003, lr  }
0x1b: {  	s9 =	sadd.s32 $0xFFFFFEF7, lr;
	s5 =	simm.s32 $0xFFFFFFFF;
	p2 =	slt.u32 s8, $0xFFFFF086  }
0x1c: {  	p1 =	slt.u32 s9, $0xF7A;
	s5 =	simm.s32 @!p2 $0x0  }
0x1d: {  	s5 =	simm.s32 @p1 $0x1;
	p0 =	seq.s32 s7, s2  }
0x1e: {  	s7 =	smul.u32 @!p0 $0xF7A, s2;
	p2 =	seq.s32 @!p0 s5, $0x0  }
0x1f: {  	s9 =	smul.u32 $0xF7A, s1;
	s8 =	simm.s32 @!p0 $0x1BF5;
	p2 =	por !p2, p0  }
0x20: {  	[sflag:s8] =	ssyncset.s32 @!p0 $0xFFFFF086;
	s6 =	sadd.s32 @!p0 s3, s7;
	s7 =	simm.s32 @!p0 $0x108  }
0x21: {  	s3 =	sadd.s32 s3, s9;
	s6 =	sadd.s32 @!p0 $0x88, s6;
	s7 =	simm.s32 @p2 $0x1082  }
0x22: {  	[simem:s7], [sflag:s8] =	dma.local @!p0 [hbm:s6], $0xF7A  }
0x23: {  	s9 =	sor.u32 $0xD0000000, s2;
	s6 =	simm.s32 $0x108;
	_ =	swait.ge @!p0 [sflag:s8], $0x0  }
0x24: {  	s3 =	sadd.s32 $0x88, s3;
	s6 =	simm.s32 @!p1 $0x1082;
	[sflag:s4] =	ssyncset.s32 $0xFFFFF086  }
0x25: {  	[simem:s6], [sflag:s4] =	dma.local [hbm:s3], $0xF7A  }
0x26: {  	[smem:$0x3F84] =	sst s1;
	(tag) =	ssettag s2;
	_ =	strace s9  }
0x27: {  	s1 =	sld [smem:$0x3F94]  }
0x28: {  	s2 =	sld [smem:$0x3F95]  }
0x29: {  	s4 =	sld [smem:$0x3F97]  }
0x2a: {  	p0 =	seq.s32 s5, $0x0;
	s5 =	sld [smem:$0x3F98]  }
0x2b: {  	s6 =	sld [smem:$0x3F99]  }
0x2c: {  	s7 =	sld [smem:$0x3F9A]  }
0x2d: {  	s3 =	simm.s32 $0x108;
	s8 =	sld [smem:$0x3F9B]  }
0x2e: {  	s3 =	simm.s32 @!p0 $0x1082;
	s9 =	sld [smem:$0x3F9C]  }
0x2f: {  	lr =	sadd.s32 s0, s3;
	s0 =	sld [smem:$0x3F93]  }
0x30: {  	s3 =	sld [smem:$0x3F96]  }
0x31: {  	[smem:$0x3F9F] =	sst s10  }
0x32: {  	s10 =	sld [smem:$0x3F9D];
	_ =	sdelay $0x3  }
0x33: {  	p0 =	seq.s32 s10, $0x1;
	s10 =	sld [smem:$0x3F9F];
	_ =	sdelay $0x3  }
0x34: {  	[smem:$0x3F9F] =	sst s10  }
0x35: {  	s10 =	sld [smem:$0x3F9E];
	_ =	sdelay $0x3  }
0x36: {  	p1 =	seq.s32 s10, $0x1;
	s10 =	sld [smem:$0x3F9F];
	_ =	sdelay $0x3  }
0x37: {  	[smem:$0x3F9F] =	sst s10  }
0x38: {  	s10 =	sld [smem:$0x3FA0]  }
0x39: {  	_ = 	snop;
	(pc) =	sbr.ind lr, $3  }
0x3a: {  	_ = 	snop  }
0x3b: {  	_ = 	snop  }
0x3c: {  	p2 =	seq.s32 s10, $0x1;
	s10 =	sld [smem:$0x3F9F]  }
0x3d: {  	_ =	shalt  }
0x3e: {  	_ =	shalt  }
0x3f: {  	_ =	shalt  }
0x40: {  	_ =	shalt  }
0x41: {  	_ =	shalt  }
0x42: {  	_ =	shalt  }
0x43: {  	_ =	shalt  }
0x44: {  	_ =	shalt  }
0x45: {  	_ =	shalt  }
0x46: {  	_ =	shalt  }
0x47: {  	_ =	shalt  }
0x48: {  	_ =	shalt  }
0x49: {  	_ =	shalt  }
0x4a: {  	_ =	shalt  }
0x4b: {  	_ =	shalt  }
0x4c: {  	_ =	shalt  }
0x4d: {  	_ =	shalt  }
0x4e: {  	_ =	shalt  }
0x4f: {  	_ =	shalt  }
0x50: {  	_ =	shalt  }
0x51: {  	_ =	shalt  }
0x52: {  	_ =	shalt  }
0x53: {  	_ =	shalt  }
0x54: {  	_ =	shalt  }
0x55: {  	_ =	shalt  }
0x56: {  	_ =	shalt  }
0x57: {  	_ =	shalt  }
0x58: {  	_ =	shalt  }
0x59: {  	_ =	shalt  }
0x5a: {  	_ =	shalt  }
0x5b: {  	_ =	shalt  }
0x5c: {  	_ =	shalt  }
0x5d: {  	_ =	shalt  }
0x5e: {  	_ =	shalt  }
0x5f: {  	_ =	shalt  }
0x60: {  	_ =	shalt  }
0x61: {  	_ =	shalt  }
0x62: {  	_ =	shalt  }
0x63: {  	_ =	shalt  }
0x64: {  	_ =	shalt  }
0x65: {  	_ =	shalt  }
0x66: {  	_ =	shalt  }
0x67: {  	_ =	shalt  }
0x68: {  	_ =	shalt  }
0x69: {  	_ =	shalt  }
0x6a: {  	_ =	shalt  }
0x6b: {  	_ =	shalt  }
0x6c: {  	_ =	shalt  }
0x6d: {  	_ =	shalt  }
0x6e: {  	_ =	shalt  }
0x6f: {  	_ =	shalt  }
0x70: {  	_ =	shalt  }
0x71: {  	_ =	shalt  }
0x72: {  	_ =	shalt  }
0x73: {  	_ =	shalt  }
0x74: {  	_ =	shalt  }
0x75: {  	_ =	shalt  }
0x76: {  	_ =	shalt  }
0x77: {  	_ =	shalt  }
0x78: {  	_ =	shalt  }
0x79: {  	_ =	shalt  }
0x7a: {  	_ =	shalt  }
0x7b: {  	_ =	shalt  }
0x7c: {  	_ =	shalt  }
0x7d: {  	_ =	shalt  }
0x7e: {  	_ =	shalt  }
0x7f: {  	_ =	shalt  }
0x80: {  	_ =	shalt  }
0x81: {  	_ =	shalt  }
0x82: {  	_ =	shalt  }
0x83: {  	_ =	shalt  }
0x84: {  	_ =	shalt  }
0x85: {  	_ =	shalt  }
0x86: {  	_ =	shalt  }
0x87: {  	_ =	shalt  }
.Lfunc_end0:
.L_simem_size_0:
called_computation.4_lowered:
.L_overlay_start_0:
0x88: {  	s2 =	sld [smem:$0x3FD9]  }
0x89: {  	s3 =	sld [smem:$0x3FFE];
	_ =	sdelay $0x1  }
0x8a: {  	s1 =	srdreg.scid  }
0x8b: {  	s0 =	sand.u32 $0x1, s1  }
0x8c: {  	s16 =	sshll.u32 s0, $0xA;
	s2 =	sadd.s32 s3, s2  }
0x8d: {  	s2 =	sadd.s32 s2, s16  }
0x8e: {  	[smem:$0x3FAB] =	sst s2  }
0x8f: {  	_ = 	snop  }
0x90: {  	(tm) =	ssettm $0x1  }
0x91: {  	s17 =	sld [smem:$0x3FFB];
	_ =	sdelay $0x3  }
0x92: {  	_ =	strace s17  }
0x93: {  	s2 =	sld [smem:$0x3FFC];
	_ =	sdelay $0x3  }
0x94: {  	_ =	strace s2  }
0x95: {  	s2 =	sld [smem:$0x3FFD];
	_ =	sdelay $0x3  }
0x96: {  	_ =	strace s2  }
0x97: {  	_ =	strace $0x8FFFFFFF  }
0x98: {  	s18 =	sld [smem:$0x3FDB];
	_ =	sdelay $0x1  }
0x99: {  	s19 =	simm.s32 $_scs_section_size  }
0x9a: {  	s4 =	simm.s32 $_size__tile_overlayer_lowered;
	s5 =	simm.s32 $_tile_overlayer_lowered  }
0x9b: {  	s22 =	simm.s32 $0x1BFF;
	s21 =	sshll.u32 s5, $0x1;
	s2 =	sadd.s32 s19, s18  }
0x9c: {  	s6 =	simm.s32 $0x0;
	s20 =	sshll.u32 s4, $0x1;
	s4 =	sadd.s32 s21, s2  }
0x9d: {  	[timem:s6], [sflag:s22] =	dma.local [hbm:s4], s20  }
0x9e: {  	_ =	swait.ge [sflag:s22], s20  }
0x9f: {  	s3 =	ssub.s32 $0x0, s20;
	[sflag:s22] =	ssyncset.done $0x0  }
0xa0: {  	[sflag:s22] =	ssyncadd.s32 s3;
	_ =	sdelay $0x1  }
0xa1: {  	s23 =	simm.s32 $0x1B8B  }
0xa2: {  	_ =	swait.ge [sflag:s23], $0x1  }
0xa3: {  	[sflag:s23] =	ssyncset.done $0x0  }
0xa4: {  	s25 =	simm.s32 $0x1B8E;
	s24 =	sld [smem:$0x3FFE];
	[sflag:s23] =	ssyncadd.s32 $0xFFFFFFFF  }
0xa5: {  	s26 =	simm.s32 $execute0_lowered;
	[smem:$0x3FD2] =	sst s25  }
0xa6: {  	s4 =	sshll.u32 s26, $0x1;
	_ =	strace $0x80000052;
	[dreg:$0x1] =	wrdreg $0xFFFFFFFF  }
0xa7: {  	s28 =	simm.s32 $_size_execute0_lowered;
	s2 =	sadd.s32 s2, s4;
	[dreg:$0x0] =	wrdreg $0x0  }
0xa8: {  	s4 =	sshll.u32 s28, $0x1;
	[dreg:$0x2] =	wrdreg s2  }
0xa9: {  	[dreg:$0x3] =	wrdreg s4  }
0xaa: {  	[dreg:$0x4] =	wrdreg $0xC0  }
0xab: {  	_ =	task [dreg:s6], $0x5FFFF  }
0xac: {  	[dreg:$0x1] =	wrdreg $0xFFFFFFFF  }
0xad: {  	[dreg:$0x0] =	wrdreg $0x60  }
0xae: {  	[dreg:$0x2] =	wrdreg s24  }
0xaf: {  	[dreg:$0x3] =	wrdreg $0x9  }
0xb0: {  	_ =	task.clear_ibuf [dreg:s6], $0x4FFFF;
	_ =	strace $0x90000052  }
0xb1: {  	s29 =	simm.s32 $0x9;
	_ =	strace $0x80000054  }
0xb2: {  	_ =	swait.ge [sflag:s29], $0x1  }
0xb3: {  	[sflag:s29] =	ssyncadd.s32 $0xFFFFFFFF  }
0xb4: {  	_ =	strace $0x90000054  }
0xb5: {  	_ =	sfence  }
0xb6: {  	s30 =	sld [smem:$0x0];
	_ =	sdelay $0x2  }
0xb7: {  	s31 =	sshll.u32 s1, $0xD;
	s1 =	sshrl.u32 s1, $0x2  }
0xb8: {  	s3 =	sand.u32 $0x4000, s31;
	s1 =	sadd.s32 s1, s30  }
0xb9: {  	s0 =	sor.u32 s3, s0;
	s1 =	sshll.u32 s1, $0x11  }
0xba: {  	s0 =	sor.u32 s1, s0  }
0xbb: {  	s0 =	sadd.s32 $0x8F2B, s0  }
0xbc: {  	[sflag:s0] =	ssyncadd.remote.s32 $0x1  }
0xbd: {  	_ =	sfence.sel $0xFFFF  }
0xbe: {  	[dreg:$0x0] =	wrdreg $0xFFFFFFFF;
	(pc) =	sbr.abs _section_cstart, $3  }
0xbf: {  	[dreg:$0x1] =	wrdreg $0xFFFFFFFF  }
0xc0: {  	_ =	task.clear_ibuf [dreg:s6], $0x2FFFF;
	_ =	strace $0x9FFFFFFF  }
0xc1: {  	(tm) =	ssettm $0x7FFFFFFF  }
tec
execute0_lowered:
.L_overlay_start_1:
0x0: {  	(tag) =	ssettag $0x1  }
0x1: {  	s1 =	srdreg.scid  }
0x2: {  	s0 =	stileid.u32;
	s4 =	rddreg [dreg:$0x0];
	s2 =	simm.s32 $0x0  }
0x3: {  	s11 =	simm.s32 $0x5400;
	s12 =	simm.s32 $0x9400;
	s13 =	simm.s32 $0xD400  }
0x4: {  	s14 =	simm.s32 $0x1;
	s15 =	simm.s32 $0x0;
	s7 =	smul.u32 $0x140000, s0  }
0x5: {  	s5 =	sand.u32 $0x1, s1;
	s1 =	rddreg [dreg:$0x1];
	s28 =	smul.u32 $0x28000, s0  }
0x6: {  	s3 =	sshll.u32 s0, $0x1;
	[smem:$0x7FF] =	sst s2;
	s9 =	smul.u32 $0xA0000, s5  }
0x7: {  	s10 =	sadd.s32 $0x89E00, s4;
	s3 =	sor.u32 s5, s3;
	s30 =	smul.u32 $0x14000, s5  }
0x8: {  	_ =	strace $0x80000053;
	s8 =	ssub.s32 $0x2, s5;
	s6 =	smul.u32 $0x1400, s3  }
0x9: {  	s3 =	sadd.s32 $0x62C00, s4;
	s26 =	sshrl.u32 s8, $0x1;
	s31 =	sadd.s32 s28, s10  }
0xa: {  	s8 =	ssub.s32 s8, s26;
	s7 =	sadd.s32 s9, s7;
	s9 =	simm.s32 $0x80  }
0xb: {  	s6 =	sshrl.u32 s6, $0x3;
	s29 =	sshrl.u32 s7, $0x3;
	s5 =	smax.u32 s8, $0x1  }
0xc: {  	s7 =	sadd.s32 s30, s31;
	s8 =	simm.s32 $0x2;
	s6 =	sadd.s32 s6, s4  }
0xd: {  	s4 =	sadd.s32 $0x30C00, s6;
	s6 =	sadd.s32 s29, s10;
	s10 =	simm.s32 $0x1400  }
.LBB2_1:
0xe: {  	[tilespmem:s2], [sflag:$0x2] =	stream.linear.gather [hbm4b:s4+s2], $0x1400, $0x38;
	[tilespmem:$0x11400] =	vst v63  }
0xf: {  	_ =	swait.ge [sflag:s8], $0x1400  }
0x10: {  	[sflag:s8] =	ssyncset.done $0x0  }
0x11: {  	[sflag:s8] =	ssyncadd.s32 $0xFFFFEC00  }
0x12: {  	[tilespmem:s10], [sflag:$0x1] =	stream.indirect.gather [hbm4b:s3+s9], $0x80, s2, s9, $0xb8;
	[tilespmem:$0x11400] =	vst v63  }
0x13: {  	s16 =	simm.s32 $0x80  }
0x14: {  	[tilespmem:s11], [sflag:$0x1] =	stream.indirect.gather [hbm4b:s3+s9], $0x80, s16, s9, $0xb8;
	[tilespmem:$0x11400] =	vst v63  }
0x15: {  	s26 =	simm.s32 $0x100  }
0x16: {  	[tilespmem:s12], [sflag:$0x1] =	stream.indirect.gather [hbm4b:s3+s9], $0x80, s26, s9, $0xb8;
	[tilespmem:$0x11400] =	vst v63  }
0x17: {  	s28 =	simm.s32 $0x180  }
0x18: {  	[tilespmem:s13], [sflag:$0x1] =	stream.indirect.gather [hbm4b:s3+s9], $0x80, s28, s9, $0xb8;
	[tilespmem:$0x11400] =	vst v63  }
0x19: {  	_ =	swait.ge [sflag:s14], $0x4000  }
0x1a: {  	[sflag:s14] =	ssyncset.done $0x0  }
0x1b: {  	s29 =	sadd.s32 $0x0, s6;
	[sflag:s14] =	ssyncadd.s32 $0xFFFFC000  }
0x1c: {  	[hbm4b:s29+s2] =	stream.linear.scatter [tilespmem:s10], [sflag:$0x2], $0x4000, $0x38;
	[tilespmem:$0x11400] =	vst v63  }
0x1d: {  	_ =	swait.ge [sflag:s8], $0x4000  }
0x1e: {  	[sflag:s8] =	ssyncset.done $0x0  }
0x1f: {  	[sflag:s8] =	ssyncadd.s32 $0xFFFFC000  }
0x20: {  	_ =	swait.ge [sflag:s14], $0x4000  }
0x21: {  	s30 =	sadd.s32 $0x0, s7;
	[sflag:s14] =	ssyncset.done $0x0  }
0x22: {  	s17 =	sadd.s32 $0x800, s30;
	[sflag:s14] =	ssyncadd.s32 $0xFFFFC000  }
0x23: {  	[hbm4b:s17+s2] =	stream.linear.scatter [tilespmem:s11], [sflag:$0x2], $0x4000, $0x38;
	[tilespmem:$0x11400] =	vst v63  }
0x24: {  	_ =	swait.ge [sflag:s8], $0x4000  }
0x25: {  	[sflag:s8] =	ssyncset.done $0x0  }
0x26: {  	[sflag:s8] =	ssyncadd.s32 $0xFFFFC000  }
0x27: {  	_ =	swait.ge [sflag:s14], $0x4000  }
0x28: {  	[sflag:s14] =	ssyncset.done $0x0  }
0x29: {  	s31 =	sadd.s32 $0x1000, s30;
	[sflag:s14] =	ssyncadd.s32 $0xFFFFC000  }
0x2a: {  	[hbm4b:s31+s2] =	stream.linear.scatter [tilespmem:s12], [sflag:$0x2], $0x4000, $0x38;
	[tilespmem:$0x11400] =	vst v63  }
0x2b: {  	_ =	swait.ge [sflag:s8], $0x4000  }
0x2c: {  	[sflag:s8] =	ssyncset.done $0x0  }
0x2d: {  	[sflag:s8] =	ssyncadd.s32 $0xFFFFC000  }
0x2e: {  	_ =	swait.ge [sflag:s14], $0x4000  }
0x2f: {  	[sflag:s14] =	ssyncset.done $0x0  }
0x30: {  	s16 =	sadd.s32 $0x1800, s30;
	[sflag:s14] =	ssyncadd.s32 $0xFFFFC000  }
0x31: {  	[hbm4b:s16+s2] =	stream.linear.scatter [tilespmem:s13], [sflag:$0x2], $0x4000, $0x38;
	[tilespmem:$0x11400] =	vst v63  }
0x32: {  	_ =	swait.ge [sflag:s8], $0x4000  }
0x33: {  	s17 =	simm.s32 $0x0;
	s16 =	simm.s32 $0x2000;
	[sflag:s8] =	ssyncset.done $0x0  }
.LBB2_2:
0x34: {  	p0 =	sne.s32 s16, $0x12000;
	[sflag:s8] =	ssyncadd.s32 $0xFFFFC000;
	s17 =	sadd.s32 $0x200, s17  }
0x35: {  	[tilespmem:s10], [sflag:$0x1] =	stream.indirect.gather [hbm4b:s3+s9], $0x80, s17, s9, $0xb8;
	[tilespmem:$0x11400] =	vst v63  }
0x36: {  	s19 =	smov.u32 s16;
	s16 =	sadd.s32 $0x2000, s16;
	s18 =	sadd.s32 $0x80, s17  }
0x37: {  	[tilespmem:s11], [sflag:$0x1] =	stream.indirect.gather [hbm4b:s3+s9], $0x80, s18, s9, $0xb8;
	[tilespmem:$0x11400] =	vst v63  }
0x38: {  	s18 =	sadd.s32 $0x100, s17  }
0x39: {  	[tilespmem:s12], [sflag:$0x1] =	stream.indirect.gather [hbm4b:s3+s9], $0x80, s18, s9, $0xb8;
	[tilespmem:$0x11400] =	vst v63  }
0x3a: {  	s18 =	sadd.s32 $0x180, s17  }
0x3b: {  	[tilespmem:s13], [sflag:$0x1] =	stream.indirect.gather [hbm4b:s3+s9], $0x80, s18, s9, $0xb8;
	[tilespmem:$0x11400] =	vst v63  }
0x3c: {  	_ =	swait.ge [sflag:s14], $0x4000  }
0x3d: {  	[sflag:s14] =	ssyncset.done $0x0  }
0x3e: {  	s18 =	sadd.s32 s19, s6;
	[sflag:s14] =	ssyncadd.s32 $0xFFFFC000  }
0x3f: {  	[hbm4b:s18+s2] =	stream.linear.scatter [tilespmem:s10], [sflag:$0x2], $0x4000, $0x38;
	[tilespmem:$0x11400] =	vst v63  }
0x40: {  	_ =	swait.ge [sflag:s8], $0x4000  }
0x41: {  	[sflag:s8] =	ssyncset.done $0x0  }
0x42: {  	[sflag:s8] =	ssyncadd.s32 $0xFFFFC000  }
0x43: {  	_ =	swait.ge [sflag:s14], $0x4000  }
0x44: {  	s18 =	sadd.s32 s19, s7;
	[sflag:s14] =	ssyncset.done $0x0  }
0x45: {  	s19 =	sadd.s32 $0x800, s18;
	[sflag:s14] =	ssyncadd.s32 $0xFFFFC000  }
0x46: {  	[hbm4b:s19+s2] =	stream.linear.scatter [tilespmem:s11], [sflag:$0x2], $0x4000, $0x38;
	[tilespmem:$0x11400] =	vst v63  }
0x47: {  	_ =	swait.ge [sflag:s8], $0x4000  }
0x48: {  	[sflag:s8] =	ssyncset.done $0x0  }
0x49: {  	[sflag:s8] =	ssyncadd.s32 $0xFFFFC000  }
0x4a: {  	_ =	swait.ge [sflag:s14], $0x4000  }
0x4b: {  	[sflag:s14] =	ssyncset.done $0x0  }
0x4c: {  	s19 =	sadd.s32 $0x1000, s18;
	[sflag:s14] =	ssyncadd.s32 $0xFFFFC000  }
0x4d: {  	[hbm4b:s19+s2] =	stream.linear.scatter [tilespmem:s12], [sflag:$0x2], $0x4000, $0x38;
	[tilespmem:$0x11400] =	vst v63  }
0x4e: {  	_ =	swait.ge [sflag:s8], $0x4000  }
0x4f: {  	[sflag:s8] =	ssyncset.done $0x0  }
0x50: {  	[sflag:s8] =	ssyncadd.s32 $0xFFFFC000  }
0x51: {  	_ =	swait.ge [sflag:s14], $0x4000  }
.Ltmp0:
0x52: {  	[sflag:s14] =	ssyncset.done $0x0;
	(pc) =	sbr.rel @p0 .LBB2_2-.Ltmp0, $4  }
0x53: {  	s18 =	sadd.s32 $0x1800, s18;
	[sflag:s14] =	ssyncadd.s32 $0xFFFFC000  }
0x54: {  	[hbm4b:s18+s2] =	stream.linear.scatter [tilespmem:s13], [sflag:$0x2], $0x4000, $0x38;
	[tilespmem:$0x11400] =	vst v63  }
0x55: {  	_ =	swait.ge [sflag:s8], $0x4000  }
0x56: {  	[sflag:s8] =	ssyncset.done $0x0  }
0x57: {  	s15 =	sadd.s32 $0x1, s15  }
0x58: {  	p0 =	sne.s32 s15, s5  }
.Ltmp1:
0x59: {  	_ = 	snop;
	(pc) =	sbr.rel @p0 .LBB2_1-.Ltmp1, $2  }
0x5a: {  	_ =	sdelay $0x2  }
0x5b: {  	[sflag:s8] =	ssyncadd.s32 $0xFFFFC000  }
0x5c: {  	_ =	sfence.sel $0x180000  }
0x5d: {  	[bflag:$0x0] =	sbarrier.arrive $0xFFFF  }
0x5e: {  	p0 =	sne.s32 s0, $0x0;
	_ =	strace $0x90000053  }
0x5f: {  	s0 =	sadd.s32 @!p0 $0x100000, s1;
	[bflag:$0x2] =	sbarrier.arrive $0xFFFF  }
0x60: {  	[sflag:s0] =	ssyncadd.tile.s32 @!p0 $0x1;
	_ =	shalt  }
.Lfunc_end2:
_tile_overlayer_lowered:
.L_overlay_start_2:
0x61: {  	(tag) =	ssettag $0x2  }
0x62: {  	s0 =	rddreg [dreg:$0x0];
	s2 =	stileid.u32  }
0x63: {  	s1 =	rddreg [dreg:$0x1];
	p0 =	sne.s32 s2, $0x0  }
0x64: {  	s3 =	rddreg [dreg:$0x2];
	[bflag:$0x3] =	sbarrier.arrive $0xFFFF;
	s2 =	simm.s32 @!p0 $0x1C02  }
0x65: {  	[timem:s3], [sflag:s2] =	dma.local @!p0 [hbm:s0], s1  }
0x66: {  	s0 =	simm.s32 @!p0 $0x2  }
0x67: {  	_ =	swait.ge @!p0 [sflag:s0], s1  }
0x68: {  	s1 =	ssub.s32 @!p0 $0x0, s1;
	[sflag:s0] =	ssyncset.done @!p0 $0x0  }
0x69: {  	[sflag:s0] =	ssyncadd.s32 @!p0 s1  }
0x6a: {  	[bflag:$0x3] =	sbarrier.arrive $0xFFFF  }
0x6b: {  	_ =	shalt  }

// kernel: kernel.31.cloned.1.call-start
scs
__scs_entry_jumppad:
0x0: {  	(pc) =	sbr.rel $0x88, $3  }
0x1: {  	(tag) =	ssettag $0x0;
	lr =	simm.s32 $0x1  }
0x2: {  	[smem:$0x3F84] =	sst lr;
	_ =	strace $0xD0000000  }
0x3: {  	_ = 	snop  }
0x4: {  	_ = 	snop  }
0x5: {  	_ = 	snop  }
0x6: {  	_ = 	snop  }
0x7: {  	_ = 	snop  }
__scs_overlays_trampoline_lowered:
0x8: {  	[smem:$0x3F93] =	sst s0  }
0x9: {  	[smem:$0x3F94] =	sst s1  }
0xa: {  	[smem:$0x3F95] =	sst s2  }
0xb: {  	[smem:$0x3F96] =	sst s3  }
0xc: {  	[smem:$0x3F97] =	sst s4  }
0xd: {  	[smem:$0x3F98] =	sst s5  }
0xe: {  	[smem:$0x3F99] =	sst s6  }
0xf: {  	[smem:$0x3F9A] =	sst s7  }
0x10: {  	[smem:$0x3F9B] =	sst s8  }
0x11: {  	[smem:$0x3F9C] =	sst s9;
	s0 =	simm.s32 @!p0 $0x0  }
0x12: {  	s1 =	sld [smem:$0x3F82];
	s0 =	simm.s32 @p0 $0x1  }
0x13: {  	[smem:$0x3F9D] =	sst s0;
	s0 =	simm.s32 @!p1 $0x0  }
0x14: {  	s2 =	sld [smem:$0x3F81];
	s0 =	simm.s32 @p1 $0x1  }
0x15: {  	[smem:$0x3F9E] =	sst s0;
	s0 =	simm.s32 @!p2 $0x0  }
0x16: {  	s3 =	sld [smem:$0x3FDB];
	s0 =	simm.s32 @p2 $0x1  }
0x17: {  	s4 =	simm.s32 $0x1BF5;
	[smem:$0x3FA0] =	sst s0  }
0x18: {  	s0 =	sld [smem:$0x3F83];
	_ =	swait.ge [sflag:s4], $0x0  }
0x19: {  	s7 =	sld [smem:$0x3F84]  }
0x1a: {  	s8 =	sadd.s32 $0xFFFFE003, lr  }
0x1b: {  	s9 =	sadd.s32 $0xFFFFFEF7, lr;
	s5 =	simm.s32 $0xFFFFFFFF;
	p2 =	slt.u32 s8, $0xFFFFF086  }
0x1c: {  	p1 =	slt.u32 s9, $0xF7A;
	s5 =	simm.s32 @!p2 $0x0  }
0x1d: {  	s5 =	simm.s32 @p1 $0x1;
	p0 =	seq.s32 s7, s2  }
0x1e: {  	s7 =	smul.u32 @!p0 $0xF7A, s2;
	p2 =	seq.s32 @!p0 s5, $0x0  }
0x1f: {  	s9 =	smul.u32 $0xF7A, s1;
	s8 =	simm.s32 @!p0 $0x1BF5;
	p2 =	por !p2, p0  }
0x20: {  	[sflag:s8] =	ssyncset.s32 @!p0 $0xFFFFF086;
	s6 =	sadd.s32 @!p0 s3, s7;
	s7 =	simm.s32 @!p0 $0x108  }
0x21: {  	s3 =	sadd.s32 s3, s9;
	s6 =	sadd.s32 @!p0 $0x88, s6;
	s7 =	simm.s32 @p2 $0x1082  }
0x22: {  	[simem:s7], [sflag:s8] =	dma.local @!p0 [hbm:s6], $0xF7A  }
0x23: {  	s9 =	sor.u32 $0xD0000000, s2;
	s6 =	simm.s32 $0x108;
	_ =	swait.ge @!p0 [sflag:s8], $0x0  }
0x24: {  	s3 =	sadd.s32 $0x88, s3;
	s6 =	simm.s32 @!p1 $0x1082;
	[sflag:s4] =	ssyncset.s32 $0xFFFFF086  }
0x25: {  	[simem:s6], [sflag:s4] =	dma.local [hbm:s3], $0xF7A  }
0x26: {  	[smem:$0x3F84] =	sst s1;
	(tag) =	ssettag s2;
	_ =	strace s9  }
0x27: {  	s1 =	sld [smem:$0x3F94]  }
0x28: {  	s2 =	sld [smem:$0x3F95]  }
0x29: {  	s4 =	sld [smem:$0x3F97]  }
0x2a: {  	p0 =	seq.s32 s5, $0x0;
	s5 =	sld [smem:$0x3F98]  }
0x2b: {  	s6 =	sld [smem:$0x3F99]  }
0x2c: {  	s7 =	sld [smem:$0x3F9A]  }
0x2d: {  	s3 =	simm.s32 $0x108;
	s8 =	sld [smem:$0x3F9B]  }
0x2e: {  	s3 =	simm.s32 @!p0 $0x1082;
	s9 =	sld [smem:$0x3F9C]  }
0x2f: {  	lr =	sadd.s32 s0, s3;
	s0 =	sld [smem:$0x3F93]  }
0x30: {  	s3 =	sld [smem:$0x3F96]  }
0x31: {  	[smem:$0x3F9F] =	sst s10  }
0x32: {  	s10 =	sld [smem:$0x3F9D];
	_ =	sdelay $0x3  }
0x33: {  	p0 =	seq.s32 s10, $0x1;
	s10 =	sld [smem:$0x3F9F];
	_ =	sdelay $0x3  }
0x34: {  	[smem:$0x3F9F] =	sst s10  }
0x35: {  	s10 =	sld [smem:$0x3F9E];
	_ =	sdelay $0x3  }
0x36: {  	p1 =	seq.s32 s10, $0x1;
	s10 =	sld [smem:$0x3F9F];
	_ =	sdelay $0x3  }
0x37: {  	[smem:$0x3F9F] =	sst s10  }
0x38: {  	s10 =	sld [smem:$0x3FA0]  }
0x39: {  	_ = 	snop;
	(pc) =	sbr.ind lr, $3  }
0x3a: {  	_ = 	snop  }
0x3b: {  	_ = 	snop  }
0x3c: {  	p2 =	seq.s32 s10, $0x1;
	s10 =	sld [smem:$0x3F9F]  }
0x3d: {  	_ =	shalt  }
0x3e: {  	_ =	shalt  }
0x3f: {  	_ =	shalt  }
0x40: {  	_ =	shalt  }
0x41: {  	_ =	shalt  }
0x42: {  	_ =	shalt  }
0x43: {  	_ =	shalt  }
0x44: {  	_ =	shalt  }
0x45: {  	_ =	shalt  }
0x46: {  	_ =	shalt  }
0x47: {  	_ =	shalt  }
0x48: {  	_ =	shalt  }
0x49: {  	_ =	shalt  }
0x4a: {  	_ =	shalt  }
0x4b: {  	_ =	shalt  }
0x4c: {  	_ =	shalt  }
0x4d: {  	_ =	shalt  }
0x4e: {  	_ =	shalt  }
0x4f: {  	_ =	shalt  }
0x50: {  	_ =	shalt  }
0x51: {  	_ =	shalt  }
0x52: {  	_ =	shalt  }
0x53: {  	_ =	shalt  }
0x54: {  	_ =	shalt  }
0x55: {  	_ =	shalt  }
0x56: {  	_ =	shalt  }
0x57: {  	_ =	shalt  }
0x58: {  	_ =	shalt  }
0x59: {  	_ =	shalt  }
0x5a: {  	_ =	shalt  }
0x5b: {  	_ =	shalt  }
0x5c: {  	_ =	shalt  }
0x5d: {  	_ =	shalt  }
0x5e: {  	_ =	shalt  }
0x5f: {  	_ =	shalt  }
0x60: {  	_ =	shalt  }
0x61: {  	_ =	shalt  }
0x62: {  	_ =	shalt  }
0x63: {  	_ =	shalt  }
0x64: {  	_ =	shalt  }
0x65: {  	_ =	shalt  }
0x66: {  	_ =	shalt  }
0x67: {  	_ =	shalt  }
0x68: {  	_ =	shalt  }
0x69: {  	_ =	shalt  }
0x6a: {  	_ =	shalt  }
0x6b: {  	_ =	shalt  }
0x6c: {  	_ =	shalt  }
0x6d: {  	_ =	shalt  }
0x6e: {  	_ =	shalt  }
0x6f: {  	_ =	shalt  }
0x70: {  	_ =	shalt  }
0x71: {  	_ =	shalt  }
0x72: {  	_ =	shalt  }
0x73: {  	_ =	shalt  }
0x74: {  	_ =	shalt  }
0x75: {  	_ =	shalt  }
0x76: {  	_ =	shalt  }
0x77: {  	_ =	shalt  }
0x78: {  	_ =	shalt  }
0x79: {  	_ =	shalt  }
0x7a: {  	_ =	shalt  }
0x7b: {  	_ =	shalt  }
0x7c: {  	_ =	shalt  }
0x7d: {  	_ =	shalt  }
0x7e: {  	_ =	shalt  }
0x7f: {  	_ =	shalt  }
0x80: {  	_ =	shalt  }
0x81: {  	_ =	shalt  }
0x82: {  	_ =	shalt  }
0x83: {  	_ =	shalt  }
0x84: {  	_ =	shalt  }
0x85: {  	_ =	shalt  }
0x86: {  	_ =	shalt  }
0x87: {  	_ =	shalt  }
.Lfunc_end0:
.L_simem_size_0:
called_computation.5_lowered:
.L_overlay_start_0:
0x88: {  	s2 =	sld [smem:$0x3FD9]  }
0x89: {  	s3 =	sld [smem:$0x3FFE];
	_ =	sdelay $0x1  }
0x8a: {  	s1 =	srdreg.scid  }
0x8b: {  	s0 =	sand.u32 $0x1, s1  }
0x8c: {  	s16 =	sshll.u32 s0, $0xA;
	s2 =	sadd.s32 s3, s2  }
0x8d: {  	s2 =	sadd.s32 s2, s16  }
0x8e: {  	[smem:$0x3FAB] =	sst s2  }
0x8f: {  	_ = 	snop  }
0x90: {  	(tm) =	ssettm $0x1  }
0x91: {  	s17 =	sld [smem:$0x3FFB];
	_ =	sdelay $0x3  }
0x92: {  	_ =	strace s17  }
0x93: {  	s2 =	sld [smem:$0x3FFC];
	_ =	sdelay $0x3  }
0x94: {  	_ =	strace s2  }
0x95: {  	s2 =	sld [smem:$0x3FFD];
	_ =	sdelay $0x3  }
0x96: {  	_ =	strace s2  }
0x97: {  	_ =	strace $0x8FFFFFFF  }
0x98: {  	s18 =	sld [smem:$0x3FDB];
	_ =	sdelay $0x1  }
0x99: {  	s19 =	simm.s32 $_scs_section_size  }
0x9a: {  	s4 =	simm.s32 $_size__tile_overlayer_lowered;
	s5 =	simm.s32 $_tile_overlayer_lowered  }
0x9b: {  	s22 =	simm.s32 $0x1BFF;
	s21 =	sshll.u32 s5, $0x1;
	s2 =	sadd.s32 s19, s18  }
0x9c: {  	s6 =	simm.s32 $0x0;
	s20 =	sshll.u32 s4, $0x1;
	s4 =	sadd.s32 s21, s2  }
0x9d: {  	[timem:s6], [sflag:s22] =	dma.local [hbm:s4], s20  }
0x9e: {  	_ =	swait.ge [sflag:s22], s20  }
0x9f: {  	s3 =	ssub.s32 $0x0, s20;
	[sflag:s22] =	ssyncset.done $0x0  }
0xa0: {  	[sflag:s22] =	ssyncadd.s32 s3;
	_ =	sdelay $0x1  }
0xa1: {  	s23 =	simm.s32 $0x1B8B  }
0xa2: {  	_ =	swait.ge [sflag:s23], $0x1  }
0xa3: {  	[sflag:s23] =	ssyncset.done $0x0  }
0xa4: {  	s25 =	simm.s32 $0x1B8E;
	s24 =	sld [smem:$0x3FFE];
	[sflag:s23] =	ssyncadd.s32 $0xFFFFFFFF  }
0xa5: {  	s26 =	simm.s32 $execute0_lowered;
	[smem:$0x3FD2] =	sst s25  }
0xa6: {  	s4 =	sshll.u32 s26, $0x1;
	_ =	strace $0x80000055;
	[dreg:$0x1] =	wrdreg $0xFFFFFFFF  }
0xa7: {  	s28 =	simm.s32 $_size_execute0_lowered;
	s2 =	sadd.s32 s2, s4;
	[dreg:$0x0] =	wrdreg $0x0  }
0xa8: {  	s4 =	sshll.u32 s28, $0x1;
	[dreg:$0x2] =	wrdreg s2  }
0xa9: {  	[dreg:$0x3] =	wrdreg s4  }
0xaa: {  	[dreg:$0x4] =	wrdreg $0xC0  }
0xab: {  	_ =	task [dreg:s6], $0x5FFFF  }
0xac: {  	[dreg:$0x1] =	wrdreg $0xFFFFFFFF  }
0xad: {  	[dreg:$0x0] =	wrdreg $0x60  }
0xae: {  	[dreg:$0x2] =	wrdreg s24  }
0xaf: {  	[dreg:$0x3] =	wrdreg $0x54000  }
0xb0: {  	[dreg:$0x4] =	wrdreg $0x9  }
0xb1: {  	_ =	task.clear_ibuf [dreg:s6], $0x5FFFF;
	_ =	strace $0x90000055  }
0xb2: {  	s29 =	simm.s32 $0x9;
	_ =	strace $0x80000057  }
0xb3: {  	_ =	swait.ge [sflag:s29], $0x1  }
0xb4: {  	[sflag:s29] =	ssyncadd.s32 $0xFFFFFFFF  }
0xb5: {  	_ =	strace $0x90000057  }
0xb6: {  	_ =	sfence  }
0xb7: {  	s30 =	sld [smem:$0x0];
	_ =	sdelay $0x2  }
0xb8: {  	s31 =	sshll.u32 s1, $0xD;
	s1 =	sshrl.u32 s1, $0x2  }
0xb9: {  	s3 =	sand.u32 $0x4000, s31;
	s1 =	sadd.s32 s1, s30  }
0xba: {  	s0 =	sor.u32 s3, s0;
	s1 =	sshll.u32 s1, $0x11  }
0xbb: {  	s0 =	sor.u32 s1, s0  }
0xbc: {  	s0 =	sadd.s32 $0x8F2B, s0  }
0xbd: {  	[sflag:s0] =	ssyncadd.remote.s32 $0x1  }
0xbe: {  	_ =	sfence.sel $0xFFFF  }
0xbf: {  	[dreg:$0x0] =	wrdreg $0xFFFFFFFF;
	(pc) =	sbr.abs _section_cstart, $3  }
0xc0: {  	[dreg:$0x1] =	wrdreg $0xFFFFFFFF  }
0xc1: {  	_ =	task.clear_ibuf [dreg:s6], $0x2FFFF;
	_ =	strace $0x9FFFFFFF  }
0xc2: {  	(tm) =	ssettm $0x7FFFFFFF  }
0xc3: {  	_ =	shalt  }
tec
execute0_lowered:
.L_overlay_start_1:
0x0: {  	(tag) =	ssettag $0x1  }
0x1: {  	s12 =	stileid.u32;
	s5 =	rddreg [dreg:$0x0]  }
0x2: {  	s0 =	srdreg.scid;
	s1 =	rddreg [dreg:$0x1]  }
0x3: {  	s2 =	simm.s32 $0x0;
	s11 =	simm.s32 $0x80;
	s3 =	smul.u32 $0x28000, s12  }
0x4: {  	s14 =	simm.s32 $0x0;
	s4 =	sand.u32 $0x1, s0;
	s8 =	smul.u32 $0x14000, s12  }
0x5: {  	s24 =	sshll.u32 s12, $0x1;
	[smem:$0x7FF] =	sst s2;
	s10 =	smul.u32 $0x50000, s12  }
0x6: {  	p0 =	sne.s32 s12, $0x0;
	s12 =	sshll.u32 s12, $0x6;
	s7 =	smul.u32 $0x140000, s4  }
0x7: {  	s0 =	sor.u32 s4, s24;
	s26 =	ssub.s32 $0x2, s4;
	s30 =	smul.u32 $0x14000, s4  }
0x8: {  	s12 =	sor.u32 $0x1C01, s12;
	s6 =	smul.u32 $0x1400, s0;
	s0 =	rddreg [dreg:$0x2]  }
0x9: {  	_ =	strace $0x80000056;
	s9 =	sadd.s32 s3, s5;
	s3 =	sadd.s32 $0x3AC00, s5  }
0xa: {  	s28 =	sshrl.u32 s26, $0x1;
	s29 =	sshrl.u32 s10, $0x2;
	s10 =	simm.s32 $0x1400  }
0xb: {  	s25 =	sadd.s32 s8, s7;
	s13 =	sadd.s32 s29, s1;
	s31 =	sadd.s32 s30, s9  }
0xc: {  	s8 =	sshrl.u32 @!p0 s1, $0x3;
	s9 =	simm.s32 $0x1;
	s6 =	sshrl.u32 s6, $0x3  }
0xd: {  	s7 =	sshrl.u32 s25, $0x3;
	s13 =	sshrl.u32 s13, $0x3;
	s6 =	sadd.s32 s6, s5  }
0xe: {  	s5 =	sadd.s32 s7, s5;
	s7 =	ssub.s32 s26, s28;
	s4 =	sadd.s32 $0x35C00, s6  }
0xf: {  	s5 =	sadd.s32 $0x89E00, s5;
	s6 =	smax.u32 s7, $0x1;
	s7 =	sadd.s32 $0x7ABC00, s31  }
.LBB2_1:
0x10: {  	s15 =	simm.s32 @!p0 $0x1C01  }
0x11: {  	[spmem:s8], [sflag:s15] =	dma.local @!p0 [hbm:s3], $0x28000  }
0x12: {  	s15 =	simm.s32 @!p0 $0x1  }
0x13: {  	_ =	swait.ge @!p0 [sflag:s15], $0x28000  }
0x14: {  	[sflag:s15] =	ssyncset.done @!p0 $0x0  }
0x15: {  	[sflag:s15] =	ssyncadd.s32 @!p0 $0xFFFD8000  }
0x16: {  	[bflag:$0x0] =	sbarrier.arrive $0xFFFF  }
0x17: {  	[tilespmem:s2], [sflag:$0x1] =	stream.linear.gather [hbm4b:s4+s2], $0x1400, $0x38;
	[tilespmem:$0x19400] =	vst v63  }
0x18: {  	_ =	swait.ge [sflag:s9], $0x1400  }
0x19: {  	[sflag:s9] =	ssyncset.done $0x0  }
0x1a: {  	[sflag:s9] =	ssyncadd.s32 $0xFFFFEC00  }
0x1b: {  	[tilespmem:s10], [sflag:$0x1] =	stream.linear.gather [hbm4b:s7+s2], $0x4000, $0x38;
	[tilespmem:$0x19400] =	vst v63  }
0x1c: {  	_ =	swait.ge [sflag:s9], $0x4000  }
0x1d: {  	[sflag:s9] =	ssyncset.done $0x0  }
0x1e: {  	s31 =	simm.s32 $0x0;
	[sflag:s9] =	ssyncadd.s32 $0xFFFFC000  }
0x1f: {  	[spmem:s1] =	stream.indirect.scatter.add.f32 [tilespmem:s10], [sflag:$0x1], $0x80, s31, s11, $0xb8;
	[tilespmem:$0x19400] =	vst v63  }
0x20: {  	_ =	swait.ge [sflag:s9], $0x4000  }
0x21: {  	s16 =	smov.u32 s7;
	s15 =	simm.s32 $0x200;
	[sflag:s9] =	ssyncset.done $0x0  }
.LBB2_2:
0x22: {  	p1 =	sne.s32 s15, $0x4E00;
	[sflag:s9] =	ssyncadd.s32 $0xFFFFC000;
	s16 =	sadd.s32 $0x800, s16  }
0x23: {  	[tilespmem:s10], [sflag:$0x1] =	stream.linear.gather [hbm4b:s16+s2], $0x4000, $0x38;
	[tilespmem:$0x19400] =	vst v63  }
0x24: {  	s17 =	smov.u32 s15;
	s15 =	sadd.s32 $0x200, s15;
	_ =	swait.ge [sflag:s9], $0x4000  }
.Ltmp0:
0x25: {  	[sflag:s9] =	ssyncset.done $0x0;
	(pc) =	sbr.rel @p1 .LBB2_2-.Ltmp0, $4  }
0x26: {  	s17 =	sshra.s32 s17, $0x2;
	[sflag:s9] =	ssyncadd.s32 $0xFFFFC000  }
0x27: {  	[spmem:s1] =	stream.indirect.scatter.add.f32 [tilespmem:s10], [sflag:$0x1], $0x80, s17, s11, $0xb8;
	[tilespmem:$0x19400] =	vst v63  }
0x28: {  	_ =	swait.ge [sflag:s9], $0x4000  }
0x29: {  	[sflag:s9] =	ssyncset.done $0x0  }
0x2a: {  	s14 =	sadd.s32 $0x1, s14  }
0x2b: {  	[sflag:s9] =	ssyncadd.s32 $0xFFFFC000;
	p1 =	sne.s32 s14, s6  }
.Ltmp1:
0x2c: {  	[bflag:$0x0] =	sbarrier.arrive $0xFFFF;
	(pc) =	sbr.rel @p1 .LBB2_1-.Ltmp1, $4  }
0x2d: {  	[hbm:s5], [sflag:s12] =	dma.local [spmem:s13], $0x2800  }
0x2e: {  	_ =	swait.ge [sflag:s9], $0x2800  }
0x2f: {  	[sflag:s9] =	ssyncset.done $0x0  }
0x30: {  	[sflag:s9] =	ssyncadd.s32 $0xFFFFD800  }
0x31: {  	_ =	sfence.sel $0x180000  }
0x32: {  	[bflag:$0x0] =	sbarrier.arrive $0xFFFF  }
0x33: {  	_ =	strace $0x90000056  }
0x34: {  	s0 =	sadd.s32 @!p0 $0x100000, s0;
	[bflag:$0x2] =	sbarrier.arrive $0xFFFF  }
0x35: {  	[sflag:s0] =	ssyncadd.tile.s32 @!p0 $0x1;
	_ =	shalt  }
.Lfunc_end2:
_tile_overlayer_lowered:
.L_overlay_start_2:
0x36: {  	(tag) =	ssettag $0x2  }
0x37: {  	s0 =	rddreg [dreg:$0x0];
	s2 =	stileid.u32  }
0x38: {  	s1 =	rddreg [dreg:$0x1];
	p0 =	sne.s32 s2, $0x0  }
0x39: {  	s3 =	rddreg [dreg:$0x2];
	[bflag:$0x3] =	sbarrier.arrive $0xFFFF;
	s2 =	simm.s32 @!p0 $0x1C01  }
0x3a: {  	[timem:s3], [sflag:s2] =	dma.local @!p0 [hbm:s0], s1  }
0x3b: {  	s0 =	simm.s32 @!p0 $0x1  }
0x3c: {  	_ =	swait.ge @!p0 [sflag:s0], s1  }
0x3d: {  	s1 =	ssub.s32 @!p0 $0x0, s1;
	[sflag:s0] =	ssyncset.done @!p0 $0x0  }
0x3e: {  	[sflag:s0] =	ssyncadd.s32 @!p0 s1  }
0x3f: {  	[bflag:$0x3] =	sbarrier.arrive $0xFFFF  }
0x40: {  	_ =	shalt  }

</sc_bundles>
